<compile_context>
chip_gen: v7x
topology: tpu7x:2x2x1
jax: 0.10.2.dev20260603
libtpu: 0.0.44.dev20260713+nightly
codegen_flags: <defaults>
</compile_context>

<pallas_src>
import jax
import jax.numpy as jnp
from jax import lax
from jax.experimental import pallas as pl
from jax.experimental.pallas import tpu as pltpu
from jax.experimental.pallas import tpu_sc as plsc

N = 10000
D = 128
E = 320000
NC = 2
NS = 16

CHUNK = 128
E_PAD = 327680
ROWS_PER_W = E_PAD // NS // CHUNK
HALF = 5056
ROWS_PER_TILE = 320
_N_STAGE = 3
NPAD_SC = 5248
CNT_W = 16
PAD_DST = NC * HALF
_KB = 4


def _relu_body(x_ref, o_ref):
    o_ref[...] = jnp.maximum(x_ref[...], 0.0)


def _relu(x):
    return pl.pallas_call(
        _relu_body,
        out_shape=jax.ShapeDtypeStruct((N, D), jnp.float32),
    )(x)


def _sc_body(h_hbm, src_hbm, dst_hbm, iota_hbm,
             agg_out,
             si0, si1, si2, si3,
             di0, di1, di2, di3,
             dl0, dl1, dl2, dl3,
             rv0, rv1, rv2, rv3,
             iota_idx,
             sh_agg, sem):
    c = lax.axis_index("c")
    s = lax.axis_index("s")
    src_idx = [si0, si1, si2, si3]
    dst_idx = [di0, di1, di2, di3]
    dst_loc = [dl0, dl1, dl2, dl3]
    rows_v = [rv0, rv1, rv2, rv3]

    z16 = jnp.zeros((16,), jnp.float32)

    @pl.loop(0, CHUNK)
    def _fill_rows(r):
        for j in range(D // 16):
            rv0[r, pl.ds(j * 16, 16)] = z16

    r0 = s * ROWS_PER_TILE
    for k in range(_N_STAGE):
        pltpu.sync_copy(iota_hbm.at[pl.ds(r0 + k * CHUNK, CHUNK)], iota_idx)
        pltpu.sync_copy(rv0, sh_agg.at[iota_idx])

    plsc.subcore_barrier()

    base_node = c * HALF
    e0 = s * ROWS_PER_W * CHUNK

    @pl.loop(0, ROWS_PER_W // _KB)
    def _edges(g):
        base = e0 + g * (_KB * CHUNK)
        gats = []
        for b in range(_KB):
            pltpu.sync_copy(src_hbm.at[pl.ds(base + b * CHUNK, CHUNK)],
                            src_idx[b])
            pltpu.sync_copy(dst_hbm.at[pl.ds(base + b * CHUNK, CHUNK)],
                            dst_idx[b])
            gats.append(pltpu.async_copy(h_hbm.at[src_idx[b]], rows_v[b], sem))
        for b in range(_KB):
            for j in range(CHUNK // 16):
                t = dst_idx[b][pl.ds(j * 16, 16)] - base_node
                ok = (t >= 0) & (t < HALF)
                dst_loc[b][pl.ds(j * 16, 16)] = jnp.where(ok, t, HALF)
        for gat in gats:
            gat.wait()
        for b in range(_KB):
            pltpu.sync_copy(rows_v[b], sh_agg.at[dst_loc[b]], add=True)

    plsc.subcore_barrier()

    for k in range(_N_STAGE):
        pltpu.sync_copy(iota_hbm.at[pl.ds(r0 + k * CHUNK, CHUNK)], iota_idx)
        pltpu.async_copy(sh_agg.at[iota_idx], rv0, sem).wait()
        pltpu.sync_copy(rv0, agg_out.at[c, pl.ds(r0 + k * CHUNK, CHUNK)])


def _sc_aggregate(h, src, dst, iota):
    mesh = plsc.VectorSubcoreMesh(core_axis_name="c", subcore_axis_name="s")
    k = pl.kernel(
        _sc_body,
        out_type=jax.ShapeDtypeStruct((NC, NPAD_SC, D), jnp.float32),
        mesh=mesh,
        scratch_types=(
            [pltpu.VMEM((CHUNK,), jnp.int32)] * (3 * _KB)
            + [pltpu.VMEM((CHUNK, D), jnp.float32)] * _KB
            + [pltpu.VMEM((CHUNK,), jnp.int32),
               pltpu.VMEM_SHARED((NPAD_SC, D), jnp.float32),
               pltpu.SemaphoreType.DMA]
        ),
    )
    return k(h, src, dst, iota)


def _cnt_body(dst_hbm, iota_hbm,
              cnt_out,
              dst_idx, dst_loc, iota_idx, z_v, o_v,
              sh_cnt, sem):
    c = lax.axis_index("c")
    s = lax.axis_index("s")

    z16 = jnp.zeros((16,), jnp.float32)
    o16 = jnp.ones((16,), jnp.float32)

    @pl.loop(0, CHUNK)
    def _fill(r):
        for j in range(D // 16):
            z_v[r, pl.ds(j * 16, 16)] = z16
            o_v[r, pl.ds(j * 16, 16)] = o16

    r0 = s * ROWS_PER_TILE
    for k in range(_N_STAGE):
        pltpu.sync_copy(iota_hbm.at[pl.ds(r0 + k * CHUNK, CHUNK)], iota_idx)
        pltpu.sync_copy(z_v, sh_cnt.at[iota_idx])

    plsc.subcore_barrier()

    base_node = c * HALF
    e0 = s * ROWS_PER_W * CHUNK

    @pl.loop(0, ROWS_PER_W)
    def _edges(i):
        base = e0 + i * CHUNK
        pltpu.sync_copy(dst_hbm.at[pl.ds(base, CHUNK)], dst_idx)
        for j in range(CHUNK // 16):
            t = dst_idx[pl.ds(j * 16, 16)] - base_node
            ok = (t >= 0) & (t < HALF)
            dst_loc[pl.ds(j * 16, 16)] = jnp.where(ok, t, HALF)
        pltpu.sync_copy(o_v, sh_cnt.at[dst_loc], add=True)

    plsc.subcore_barrier()

    for k in range(_N_STAGE):
        pltpu.sync_copy(iota_hbm.at[pl.ds(r0 + k * CHUNK, CHUNK)], iota_idx)
        pltpu.async_copy(sh_cnt.at[iota_idx], z_v, sem).wait()
        pltpu.sync_copy(z_v, cnt_out.at[c, pl.ds(r0 + k * CHUNK, CHUNK)])


def _sc_counts(dst, iota):
    mesh = plsc.VectorSubcoreMesh(core_axis_name="c", subcore_axis_name="s")
    k = pl.kernel(
        _cnt_body,
        out_type=jax.ShapeDtypeStruct((NC, NPAD_SC, D), jnp.float32),
        mesh=mesh,
        scratch_types=[
            pltpu.VMEM((CHUNK,), jnp.int32),
            pltpu.VMEM((CHUNK,), jnp.int32),
            pltpu.VMEM((CHUNK,), jnp.int32),
            pltpu.VMEM((CHUNK, D), jnp.float32),
            pltpu.VMEM((CHUNK, D), jnp.float32),
            pltpu.VMEM_SHARED((NPAD_SC, D), jnp.float32),
            pltpu.SemaphoreType.DMA,
        ],
    )
    return k(dst, iota)


def _combine_body(h_ref, agg_ref, cnt_ref, wl_ref, bl_ref, wr_ref,
                  g_ref, b_ref, o_ref):
    agg = jnp.concatenate(
        [agg_ref[0, :HALF, :], agg_ref[1, :N - HALF, :]], axis=0)
    cnt = jnp.concatenate(
        [cnt_ref[0, :HALF, 0:1], cnt_ref[1, :N - HALF, 0:1]], axis=0)
    mean_agg = agg / jnp.maximum(cnt, 1.0)
    h = h_ref[...]
    out = (
        lax.dot_general(mean_agg, wl_ref[...], (((1,), (1,)), ((), ())),
                        preferred_element_type=jnp.float32)
        + bl_ref[...]
        + lax.dot_general(h, wr_ref[...], (((1,), (1,)), ((), ())),
                          preferred_element_type=jnp.float32)
    )
    mu = jnp.mean(out, axis=0, keepdims=True)
    ctr = out - mu
    var = jnp.mean(ctr * ctr, axis=0, keepdims=True)
    o_ref[...] = ctr * (g_ref[...] * lax.rsqrt(var + 1e-5)) + b_ref[...]


def _combine(h, agg, cnt, Wl, bl, Wr, gamma, beta):
    return pl.pallas_call(
        _combine_body,
        out_shape=jax.ShapeDtypeStruct((N, D), jnp.float32),
    )(h, agg, cnt, Wl, bl.reshape(1, D), Wr,
      gamma.reshape(1, D), beta.reshape(1, D))


def kernel(x, edge_index, edge_attr, Wl, bl, Wr, gamma, beta):
    del edge_attr
    h = _relu(x)

    pad = E_PAD - E
    src = jnp.concatenate([edge_index[0], jnp.zeros((pad,), jnp.int32)])
    dst = jnp.concatenate([edge_index[1], jnp.full((pad,), PAD_DST, jnp.int32)])
    iota = jnp.arange(NPAD_SC, dtype=jnp.int32)
    agg = _sc_aggregate(h, src, dst, iota)
    cnt = _sc_counts(dst, iota)
    return _combine(h, agg, cnt, Wl, bl, Wr, gamma, beta)

# --- scband reference (transcript-rebuilt; emitter-appended) ---
"""Pipeline reference for scband-graph-function-66726611911291 (READ-ONLY COPY).

The authoritative reference and input builder live on the scoring server;
editing this copy changes nothing except your own understanding.
"""

import jax, jax.numpy as jnp
import numpy as np

N = 10000
E = 320000
D = 128
D_EDGE = 16


def setup_inputs(seed: int = 0) -> dict:
    key = jax.random.key(seed)
    ks = jax.random.split(key, 6)
    x = jax.random.normal(ks[0], (N, D), dtype=jnp.float32)
    edge_index = jax.random.randint(ks[1], (2, E), 0, N, dtype=jnp.int32)
    edge_attr = jax.random.normal(ks[2], (E, D_EDGE), dtype=jnp.float32)
    # SAGEConv params: lin_l (applied to mean-aggregated neighbors, with bias),
    # lin_r (applied to root features, no bias)
    Wl = jax.random.normal(ks[3], (D, D), dtype=jnp.float32) * 0.05
    bl = jnp.zeros((D,), dtype=jnp.float32)
    Wr = jax.random.normal(ks[4], (D, D), dtype=jnp.float32) * 0.05
    # BatchNorm1d affine params (training mode: use batch statistics)
    gamma = jnp.ones((D,), dtype=jnp.float32)
    beta = jnp.zeros((D,), dtype=jnp.float32)
    return {"x": x, "edge_index": edge_index, "edge_attr": edge_attr,
            "Wl": Wl, "bl": bl, "Wr": Wr, "gamma": gamma, "beta": beta}


def reference(x, edge_index, edge_attr, Wl, bl, Wr, gamma, beta):
    # graph_function.forward with op='GraphSage':
    #   norm(SAGEConv(relu(x), edge_index))  (edge_attr unused for GraphSage)
    h = jax.nn.relu(x)
    src = edge_index[0]
    dst = edge_index[1]
    # gather source features along edges (SparseCore gather)
    msgs = jnp.take(h, src, axis=0)
    # mean aggregation at destination nodes (SparseCore scatter-add)
    agg = jax.ops.segment_sum(msgs, dst, num_segments=N)
    cnt = jax.ops.segment_sum(jnp.ones((E,), dtype=jnp.float32), dst, num_segments=N)
    mean_agg = agg / jnp.clip(cnt, 1.0, None)[:, None]
    # SAGEConv: lin_l(mean_agg) + lin_r(h)
    out = mean_agg @ Wl.T + bl + h @ Wr.T
    # BatchNorm1d (training mode, biased variance, eps=1e-5)
    mu = jnp.mean(out, axis=0)
    var = jnp.var(out, axis=0)
    out = (out - mu) / jnp.sqrt(var + 1e-5) * gamma + beta
    return out

if __name__ == "__main__":
    import jax
    _d = setup_inputs()
    print(jax.jit(kernel)(*tuple(_d.values())))

</pallas_src>

<mosaic_0001>
#map = affine_map<(d0, d1) -> (0)>
#map1 = affine_map<(d0, d1) -> (0, 0, 0)>
module attributes {stable_mosaic.version = 14 : i64} {
  func.func @_cnt_body(%arg0: i32, %arg1: i32, %arg2: memref<327680xi32, #tpu.memory_space<hbm>>, %arg3: memref<5248xi32, #tpu.memory_space<hbm>>, %arg4: memref<2x5248x128xf32, #tpu.memory_space<hbm>>, %arg5: memref<128xi32, #tpu.memory_space<vmem>>, %arg6: memref<128xi32, #tpu.memory_space<vmem>>, %arg7: memref<128xi32, #tpu.memory_space<vmem>>, %arg8: memref<128x128xf32, #tpu.memory_space<vmem>>, %arg9: memref<128x128xf32, #tpu.memory_space<vmem>>, %arg10: memref<5248x128xf32, #tpu.memory_space<vmem_shared>>, %arg11: memref<!tpu.dma_semaphore, #tpu.memory_space<semaphore_mem>>) attributes {dimension_semantics = [#tpu.dimension_semantics<core_parallel>, #tpu.dimension_semantics<subcore_parallel>], iteration_bounds = array<i64: 2, 16>, scalar_prefetch = 0 : i64, scratch_operands = 7 : i64, tpu.core_type = #tpu.core_type<sc_vector_subcore>, window_params = [{transform_indices = #map}, {transform_indices = #map}, {transform_indices = #map1}]} {
    %broadcast_in_dim3A = arith.constant 0.000000e+00 : f32
    %broadcast_in_dim3A_0 = vector.broadcast %broadcast_in_dim3A : f32 to vector<16xf32>
    %broadcast_in_dim3A_1 = arith.constant 1.000000e+00 : f32
    %broadcast_in_dim3A_2 = vector.broadcast %broadcast_in_dim3A_1 : f32 to vector<16xf32>
    %scan3A = arith.constant 0 : i32
    %scan3A_3 = arith.constant 128 : i32
    %scan3A_4 = arith.addi %scan3A, %scan3A_3 : i32
    %scan3A_5 = arith.constant 1 : i32
    scf.for %scan3A_53 = %scan3A to %scan3A_4 step %scan3A_5  : i32 {
      %mul3A_54 = arith.constant 1 : i32
      %mul3A_55 = arith.muli %scan3A_53, %mul3A_54 : i32
      %add3A_56 = arith.constant 0 : i32
      %add3A_57 = arith.addi %add3A_56, %mul3A_55 : i32
      %swap3A = arith.index_cast %add3A_57 : i32 to index
      %swap3A_58 = arith.constant 0 : index
      %swap3A_59 = tpu.vector_load %arg8[%swap3A, %swap3A_58] {strides = array<i32>} : memref<128x128xf32, #tpu.memory_space<vmem>>, vector<1x16xf32>,
      %swap3A_60 = vector.shape_cast %swap3A_59 : vector<1x16xf32> to vector<16xf32>
      %swap3A_61 = vector.shape_cast %broadcast_in_dim3A_0 : vector<16xf32> to vector<1x16xf32>
      tpu.vector_store %arg8[%swap3A, %swap3A_58], %swap3A_61 {strides = array<i32>} : memref<128x128xf32, #tpu.memory_space<vmem>>, vector<1x16xf32>,
      %swap3A_62 = arith.index_cast %add3A_57 : i32 to index
      %swap3A_63 = arith.constant 0 : index
      %swap3A_64 = tpu.vector_load %arg9[%swap3A_62, %swap3A_63] {strides = array<i32>} : memref<128x128xf32, #tpu.memory_space<vmem>>, vector<1x16xf32>,
      %swap3A_65 = vector.shape_cast %swap3A_64 : vector<1x16xf32> to vector<16xf32>
      %swap3A_66 = vector.shape_cast %broadcast_in_dim3A_2 : vector<16xf32> to vector<1x16xf32>
      tpu.vector_store %arg9[%swap3A_62, %swap3A_63], %swap3A_66 {strides = array<i32>} : memref<128x128xf32, #tpu.memory_space<vmem>>, vector<1x16xf32>,
      %swap3A_67 = arith.index_cast %add3A_57 : i32 to index
      %swap3A_68 = arith.constant 16 : index
      %swap3A_69 = tpu.vector_load %arg8[%swap3A_67, %swap3A_68] {strides = array<i32>} : memref<128x128xf32, #tpu.memory_space<vmem>>, vector<1x16xf32>,
      %swap3A_70 = vector.shape_cast %swap3A_69 : vector<1x16xf32> to vector<16xf32>
      %swap3A_71 = vector.shape_cast %broadcast_in_dim3A_0 : vector<16xf32> to vector<1x16xf32>
      tpu.vector_store %arg8[%swap3A_67, %swap3A_68], %swap3A_71 {strides = array<i32>} : memref<128x128xf32, #tpu.memory_space<vmem>>, vector<1x16xf32>,
      %swap3A_72 = arith.index_cast %add3A_57 : i32 to index
      %swap3A_73 = arith.constant 16 : index
      %swap3A_74 = tpu.vector_load %arg9[%swap3A_72, %swap3A_73] {strides = array<i32>} : memref<128x128xf32, #tpu.memory_space<vmem>>, vector<1x16xf32>,
      %swap3A_75 = vector.shape_cast %swap3A_74 : vector<1x16xf32> to vector<16xf32>
      %swap3A_76 = vector.shape_cast %broadcast_in_dim3A_2 : vector<16xf32> to vector<1x16xf32>
      tpu.vector_store %arg9[%swap3A_72, %swap3A_73], %swap3A_76 {strides = array<i32>} : memref<128x128xf32, #tpu.memory_space<vmem>>, vector<1x16xf32>,
      %swap3A_77 = arith.index_cast %add3A_57 : i32 to index
      %swap3A_78 = arith.constant 32 : index
      %swap3A_79 = tpu.vector_load %arg8[%swap3A_77, %swap3A_78] {strides = array<i32>} : memref<128x128xf32, #tpu.memory_space<vmem>>, vector<1x16xf32>,
      %swap3A_80 = vector.shape_cast %swap3A_79 : vector<1x16xf32> to vector<16xf32>
      %swap3A_81 = vector.shape_cast %broadcast_in_dim3A_0 : vector<16xf32> to vector<1x16xf32>
      tpu.vector_store %arg8[%swap3A_77, %swap3A_78], %swap3A_81 {strides = array<i32>} : memref<128x128xf32, #tpu.memory_space<vmem>>, vector<1x16xf32>,
      %swap3A_82 = arith.index_cast %add3A_57 : i32 to index
      %swap3A_83 = arith.constant 32 : index
      %swap3A_84 = tpu.vector_load %arg9[%swap3A_82, %swap3A_83] {strides = array<i32>} : memref<128x128xf32, #tpu.memory_space<vmem>>, vector<1x16xf32>,
      %swap3A_85 = vector.shape_cast %swap3A_84 : vector<1x16xf32> to vector<16xf32>
      %swap3A_86 = vector.shape_cast %broadcast_in_dim3A_2 : vector<16xf32> to vector<1x16xf32>
      tpu.vector_store %arg9[%swap3A_82, %swap3A_83], %swap3A_86 {strides = array<i32>} : memref<128x128xf32, #tpu.memory_space<vmem>>, vector<1x16xf32>,
      %swap3A_87 = arith.index_cast %add3A_57 : i32 to index
      %swap3A_88 = arith.constant 48 : index
      %swap3A_89 = tpu.vector_load %arg8[%swap3A_87, %swap3A_88] {strides = array<i32>} : memref<128x128xf32, #tpu.memory_space<vmem>>, vector<1x16xf32>,
      %swap3A_90 = vector.shape_cast %swap3A_89 : vector<1x16xf32> to vector<16xf32>
      %swap3A_91 = vector.shape_cast %broadcast_in_dim3A_0 : vector<16xf32> to vector<1x16xf32>
      tpu.vector_store %arg8[%swap3A_87, %swap3A_88], %swap3A_91 {strides = array<i32>} : memref<128x128xf32, #tpu.memory_space<vmem>>, vector<1x16xf32>,
      %swap3A_92 = arith.index_cast %add3A_57 : i32 to index
      %swap3A_93 = arith.constant 48 : index
      %swap3A_94 = tpu.vector_load %arg9[%swap3A_92, %swap3A_93] {strides = array<i32>} : memref<128x128xf32, #tpu.memory_space<vmem>>, vector<1x16xf32>,
      %swap3A_95 = vector.shape_cast %swap3A_94 : vector<1x16xf32> to vector<16xf32>
      %swap3A_96 = vector.shape_cast %broadcast_in_dim3A_2 : vector<16xf32> to vector<1x16xf32>
      tpu.vector_store %arg9[%swap3A_92, %swap3A_93], %swap3A_96 {strides = array<i32>} : memref<128x128xf32, #tpu.memory_space<vmem>>, vector<1x16xf32>,
      %swap3A_97 = arith.index_cast %add3A_57 : i32 to index
      %swap3A_98 = arith.constant 64 : index
      %swap3A_99 = tpu.vector_load %arg8[%swap3A_97, %swap3A_98] {strides = array<i32>} : memref<128x128xf32, #tpu.memory_space<vmem>>, vector<1x16xf32>,
      %swap3A_100 = vector.shape_cast %swap3A_99 : vector<1x16xf32> to vector<16xf32>
      %swap3A_101 = vector.shape_cast %broadcast_in_dim3A_0 : vector<16xf32> to vector<1x16xf32>
      tpu.vector_store %arg8[%swap3A_97, %swap3A_98], %swap3A_101 {strides = array<i32>} : memref<128x128xf32, #tpu.memory_space<vmem>>, vector<1x16xf32>,
      %swap3A_102 = arith.index_cast %add3A_57 : i32 to index
      %swap3A_103 = arith.constant 64 : index
      %swap3A_104 = tpu.vector_load %arg9[%swap3A_102, %swap3A_103] {strides = array<i32>} : memref<128x128xf32, #tpu.memory_space<vmem>>, vector<1x16xf32>,
      %swap3A_105 = vector.shape_cast %swap3A_104 : vector<1x16xf32> to vector<16xf32>
      %swap3A_106 = vector.shape_cast %broadcast_in_dim3A_2 : vector<16xf32> to vector<1x16xf32>
      tpu.vector_store %arg9[%swap3A_102, %swap3A_103], %swap3A_106 {strides = array<i32>} : memref<128x128xf32, #tpu.memory_space<vmem>>, vector<1x16xf32>,
      %swap3A_107 = arith.index_cast %add3A_57 : i32 to index
      %swap3A_108 = arith.constant 80 : index
      %swap3A_109 = tpu.vector_load %arg8[%swap3A_107, %swap3A_108] {strides = array<i32>} : memref<128x128xf32, #tpu.memory_space<vmem>>, vector<1x16xf32>,
      %swap3A_110 = vector.shape_cast %swap3A_109 : vector<1x16xf32> to vector<16xf32>
      %swap3A_111 = vector.shape_cast %broadcast_in_dim3A_0 : vector<16xf32> to vector<1x16xf32>
      tpu.vector_store %arg8[%swap3A_107, %swap3A_108], %swap3A_111 {strides = array<i32>} : memref<128x128xf32, #tpu.memory_space<vmem>>, vector<1x16xf32>,
      %swap3A_112 = arith.index_cast %add3A_57 : i32 to index
      %swap3A_113 = arith.constant 80 : index
      %swap3A_114 = tpu.vector_load %arg9[%swap3A_112, %swap3A_113] {strides = array<i32>} : memref<128x128xf32, #tpu.memory_space<vmem>>, vector<1x16xf32>,
      %swap3A_115 = vector.shape_cast %swap3A_114 : vector<1x16xf32> to vector<16xf32>
      %swap3A_116 = vector.shape_cast %broadcast_in_dim3A_2 : vector<16xf32> to vector<1x16xf32>
      tpu.vector_store %arg9[%swap3A_112, %swap3A_113], %swap3A_116 {strides = array<i32>} : memref<128x128xf32, #tpu.memory_space<vmem>>, vector<1x16xf32>,
      %swap3A_117 = arith.index_cast %add3A_57 : i32 to index
      %swap3A_118 = arith.constant 96 : index
      %swap3A_119 = tpu.vector_load %arg8[%swap3A_117, %swap3A_118] {strides = array<i32>} : memref<128x128xf32, #tpu.memory_space<vmem>>, vector<1x16xf32>,
      %swap3A_120 = vector.shape_cast %swap3A_119 : vector<1x16xf32> to vector<16xf32>
      %swap3A_121 = vector.shape_cast %broadcast_in_dim3A_0 : vector<16xf32> to vector<1x16xf32>
      tpu.vector_store %arg8[%swap3A_117, %swap3A_118], %swap3A_121 {strides = array<i32>} : memref<128x128xf32, #tpu.memory_space<vmem>>, vector<1x16xf32>,
      %swap3A_122 = arith.index_cast %add3A_57 : i32 to index
      %swap3A_123 = arith.constant 96 : index
      %swap3A_124 = tpu.vector_load %arg9[%swap3A_122, %swap3A_123] {strides = array<i32>} : memref<128x128xf32, #tpu.memory_space<vmem>>, vector<1x16xf32>,
      %swap3A_125 = vector.shape_cast %swap3A_124 : vector<1x16xf32> to vector<16xf32>
      %swap3A_126 = vector.shape_cast %broadcast_in_dim3A_2 : vector<16xf32> to vector<1x16xf32>
      tpu.vector_store %arg9[%swap3A_122, %swap3A_123], %swap3A_126 {strides = array<i32>} : memref<128x128xf32, #tpu.memory_space<vmem>>, vector<1x16xf32>,
      %swap3A_127 = arith.index_cast %add3A_57 : i32 to index
      %swap3A_128 = arith.constant 112 : index
      %swap3A_129 = tpu.vector_load %arg8[%swap3A_127, %swap3A_128] {strides = array<i32>} : memref<128x128xf32, #tpu.memory_space<vmem>>, vector<1x16xf32>,
      %swap3A_130 = vector.shape_cast %swap3A_129 : vector<1x16xf32> to vector<16xf32>
      %swap3A_131 = vector.shape_cast %broadcast_in_dim3A_0 : vector<16xf32> to vector<1x16xf32>
      tpu.vector_store %arg8[%swap3A_127, %swap3A_128], %swap3A_131 {strides = array<i32>} : memref<128x128xf32, #tpu.memory_space<vmem>>, vector<1x16xf32>,
      %swap3A_132 = arith.index_cast %add3A_57 : i32 to index
      %swap3A_133 = arith.constant 112 : index
      %swap3A_134 = tpu.vector_load %arg9[%swap3A_132, %swap3A_133] {strides = array<i32>} : memref<128x128xf32, #tpu.memory_space<vmem>>, vector<1x16xf32>,
      %swap3A_135 = vector.shape_cast %swap3A_134 : vector<1x16xf32> to vector<16xf32>
      %swap3A_136 = vector.shape_cast %broadcast_in_dim3A_2 : vector<16xf32> to vector<1x16xf32>
      tpu.vector_store %arg9[%swap3A_132, %swap3A_133], %swap3A_136 {strides = array<i32>} : memref<128x128xf32, #tpu.memory_space<vmem>>, vector<1x16xf32>,
    }
    %scan3A_6 = arith.constant 128 : i32
    %mul3A = arith.constant 320 : i32
    %mul3A_7 = arith.muli %arg1, %mul3A : i32
    %add3A = arith.constant 0 : i32
    %add3A_8 = arith.addi %mul3A_7, %add3A : i32
    "tpu.region"() ({
      %run_scoped3A = tpu.sem_alloc : memref<!tpu.dma_semaphore, #tpu.memory_space<semaphore_mem>>
      %dma_start3A_53 = tpu.memref_slice %arg3[%add3A_8] : memref<5248xi32, #tpu.memory_space<hbm>> -> memref<128xi32, #tpu.memory_space<hbm>>
      %dma_start3A_54 = tpu.memref_slice %arg3[%add3A_8] : memref<5248xi32, #tpu.memory_space<hbm>> -> memref<128xi32, #tpu.memory_space<hbm>>
      tpu.enqueue_dma source(%dma_start3A_54 : memref<128xi32, #tpu.memory_space<hbm>>) target(%arg7 : memref<128xi32, #tpu.memory_space<vmem>>) target_semaphore(%run_scoped3A : memref<!tpu.dma_semaphore, #tpu.memory_space<semaphore_mem>>)
      %dma_wait3A_55 = tpu.memref_slice %arg3[%add3A_8] : memref<5248xi32, #tpu.memory_space<hbm>> -> memref<128xi32, #tpu.memory_space<hbm>>
      %dma_wait3A_56 = tpu.memref_slice %arg3[%add3A_8] : memref<5248xi32, #tpu.memory_space<hbm>> -> memref<128xi32, #tpu.memory_space<hbm>>
      tpu.wait_dma2 semaphore(%run_scoped3A : memref<!tpu.dma_semaphore, #tpu.memory_space<semaphore_mem>>) src(%dma_wait3A_56 : memref<128xi32, #tpu.memory_space<hbm>>) dst(%arg7 : memref<128xi32, #tpu.memory_space<vmem>>)
      tpu.yield
    }) : () -> ()
    "tpu.region"() ({
      %run_scoped3A = tpu.sem_alloc : memref<!tpu.dma_semaphore, #tpu.memory_space<semaphore_mem>>
      %dma_start3A_53 = arith.constant 0 : i32
      %dma_start3A_54 = arith.constant 0 : i32
      %dma_start3A_55 = tpu.memref_slice %arg10[%dma_start3A_53, %dma_start3A_54] : memref<5248x128xf32, #tpu.memory_space<vmem_shared>> -> memref<5248x128xf32, #tpu.memory_space<vmem_shared>>
      tpu.enqueue_indirect_dma source(%arg8 : memref<128x128xf32, #tpu.memory_space<vmem>>) target(%dma_start3A_55 : memref<5248x128xf32, #tpu.memory_space<vmem_shared>>) offsets(%arg7 : memref<128xi32, #tpu.memory_space<vmem>>) semaphore(%run_scoped3A : memref<!tpu.dma_semaphore, #tpu.memory_space<semaphore_mem>>)
      %dma_wait3A_56 = arith.constant 0 : i32
      %dma_wait3A_57 = arith.constant 0 : i32
      %dma_wait3A_58 = tpu.memref_slice %arg10[%dma_wait3A_56, %dma_wait3A_57] : memref<5248x128xf32, #tpu.memory_space<vmem_shared>> -> memref<5248x128xf32, #tpu.memory_space<vmem_shared>>
      tpu.wait_indirect_dma semaphore(%run_scoped3A : memref<!tpu.dma_semaphore, #tpu.memory_space<semaphore_mem>>) src(%arg8 : memref<128x128xf32, #tpu.memory_space<vmem>>) dst(%dma_wait3A_58 : memref<5248x128xf32, #tpu.memory_space<vmem_shared>>)
      tpu.yield
    }) : () -> ()
    %add3A_9 = arith.constant 128 : i32
    %add3A_10 = arith.addi %mul3A_7, %add3A_9 : i32
    "tpu.region"() ({
      %run_scoped3A = tpu.sem_alloc : memref<!tpu.dma_semaphore, #tpu.memory_space<semaphore_mem>>
      %dma_start3A_53 = tpu.memref_slice %arg3[%add3A_10] : memref<5248xi32, #tpu.memory_space<hbm>> -> memref<128xi32, #tpu.memory_space<hbm>>
      %dma_start3A_54 = tpu.memref_slice %arg3[%add3A_10] : memref<5248xi32, #tpu.memory_space<hbm>> -> memref<128xi32, #tpu.memory_space<hbm>>
      tpu.enqueue_dma source(%dma_start3A_54 : memref<128xi32, #tpu.memory_space<hbm>>) target(%arg7 : memref<128xi32, #tpu.memory_space<vmem>>) target_semaphore(%run_scoped3A : memref<!tpu.dma_semaphore, #tpu.memory_space<semaphore_mem>>)
      %dma_wait3A_55 = tpu.memref_slice %arg3[%add3A_10] : memref<5248xi32, #tpu.memory_space<hbm>> -> memref<128xi32, #tpu.memory_space<hbm>>
      %dma_wait3A_56 = tpu.memref_slice %arg3[%add3A_10] : memref<5248xi32, #tpu.memory_space<hbm>> -> memref<128xi32, #tpu.memory_space<hbm>>
      tpu.wait_dma2 semaphore(%run_scoped3A : memref<!tpu.dma_semaphore, #tpu.memory_space<semaphore_mem>>) src(%dma_wait3A_56 : memref<128xi32, #tpu.memory_space<hbm>>) dst(%arg7 : memref<128xi32, #tpu.memory_space<vmem>>)
      tpu.yield
    }) : () -> ()
    "tpu.region"() ({
      %run_scoped3A = tpu.sem_alloc : memref<!tpu.dma_semaphore, #tpu.memory_space<semaphore_mem>>
      %dma_start3A_53 = arith.constant 0 : i32
      %dma_start3A_54 = arith.constant 0 : i32
      %dma_start3A_55 = tpu.memref_slice %arg10[%dma_start3A_53, %dma_start3A_54] : memref<5248x128xf32, #tpu.memory_space<vmem_shared>> -> memref<5248x128xf32, #tpu.memory_space<vmem_shared>>
      tpu.enqueue_indirect_dma source(%arg8 : memref<128x128xf32, #tpu.memory_space<vmem>>) target(%dma_start3A_55 : memref<5248x128xf32, #tpu.memory_space<vmem_shared>>) offsets(%arg7 : memref<128xi32, #tpu.memory_space<vmem>>) semaphore(%run_scoped3A : memref<!tpu.dma_semaphore, #tpu.memory_space<semaphore_mem>>)
      %dma_wait3A_56 = arith.constant 0 : i32
      %dma_wait3A_57 = arith.constant 0 : i32
      %dma_wait3A_58 = tpu.memref_slice %arg10[%dma_wait3A_56, %dma_wait3A_57] : memref<5248x128xf32, #tpu.memory_space<vmem_shared>> -> memref<5248x128xf32, #tpu.memory_space<vmem_shared>>
      tpu.wait_indirect_dma semaphore(%run_scoped3A : memref<!tpu.dma_semaphore, #tpu.memory_space<semaphore_mem>>) src(%arg8 : memref<128x128xf32, #tpu.memory_space<vmem>>) dst(%dma_wait3A_58 : memref<5248x128xf32, #tpu.memory_space<vmem_shared>>)
      tpu.yield
    }) : () -> ()
    %add3A_11 = arith.constant 256 : i32
    %add3A_12 = arith.addi %mul3A_7, %add3A_11 : i32
    "tpu.region"() ({
      %run_scoped3A = tpu.sem_alloc : memref<!tpu.dma_semaphore, #tpu.memory_space<semaphore_mem>>
      %dma_start3A_53 = tpu.memref_slice %arg3[%add3A_12] : memref<5248xi32, #tpu.memory_space<hbm>> -> memref<128xi32, #tpu.memory_space<hbm>>
      %dma_start3A_54 = tpu.memref_slice %arg3[%add3A_12] : memref<5248xi32, #tpu.memory_space<hbm>> -> memref<128xi32, #tpu.memory_space<hbm>>
      tpu.enqueue_dma source(%dma_start3A_54 : memref<128xi32, #tpu.memory_space<hbm>>) target(%arg7 : memref<128xi32, #tpu.memory_space<vmem>>) target_semaphore(%run_scoped3A : memref<!tpu.dma_semaphore, #tpu.memory_space<semaphore_mem>>)
      %dma_wait3A_55 = tpu.memref_slice %arg3[%add3A_12] : memref<5248xi32, #tpu.memory_space<hbm>> -> memref<128xi32, #tpu.memory_space<hbm>>
      %dma_wait3A_56 = tpu.memref_slice %arg3[%add3A_12] : memref<5248xi32, #tpu.memory_space<hbm>> -> memref<128xi32, #tpu.memory_space<hbm>>
      tpu.wait_dma2 semaphore(%run_scoped3A : memref<!tpu.dma_semaphore, #tpu.memory_space<semaphore_mem>>) src(%dma_wait3A_56 : memref<128xi32, #tpu.memory_space<hbm>>) dst(%arg7 : memref<128xi32, #tpu.memory_space<vmem>>)
      tpu.yield
    }) : () -> ()
    "tpu.region"() ({
      %run_scoped3A = tpu.sem_alloc : memref<!tpu.dma_semaphore, #tpu.memory_space<semaphore_mem>>
      %dma_start3A_53 = arith.constant 0 : i32
      %dma_start3A_54 = arith.constant 0 : i32
      %dma_start3A_55 = tpu.memref_slice %arg10[%dma_start3A_53, %dma_start3A_54] : memref<5248x128xf32, #tpu.memory_space<vmem_shared>> -> memref<5248x128xf32, #tpu.memory_space<vmem_shared>>
      tpu.enqueue_indirect_dma source(%arg8 : memref<128x128xf32, #tpu.memory_space<vmem>>) target(%dma_start3A_55 : memref<5248x128xf32, #tpu.memory_space<vmem_shared>>) offsets(%arg7 : memref<128xi32, #tpu.memory_space<vmem>>) semaphore(%run_scoped3A : memref<!tpu.dma_semaphore, #tpu.memory_space<semaphore_mem>>)
      %dma_wait3A_56 = arith.constant 0 : i32
      %dma_wait3A_57 = arith.constant 0 : i32
      %dma_wait3A_58 = tpu.memref_slice %arg10[%dma_wait3A_56, %dma_wait3A_57] : memref<5248x128xf32, #tpu.memory_space<vmem_shared>> -> memref<5248x128xf32, #tpu.memory_space<vmem_shared>>
      tpu.wait_indirect_dma semaphore(%run_scoped3A : memref<!tpu.dma_semaphore, #tpu.memory_space<semaphore_mem>>) src(%arg8 : memref<128x128xf32, #tpu.memory_space<vmem>>) dst(%dma_wait3A_58 : memref<5248x128xf32, #tpu.memory_space<vmem_shared>>)
      tpu.yield
    }) : () -> ()
    %barrier3A = arith.constant 0 : index
    tpu.barrier barrier_id(%barrier3A)
    %mul3A_13 = arith.constant 5056 : i32
    %mul3A_14 = arith.muli %arg0, %mul3A_13 : i32
    %mul3A_15 = arith.constant 160 : i32
    %mul3A_16 = arith.muli %arg1, %mul3A_15 : i32
    %mul3A_17 = arith.constant 128 : i32
    %mul3A_18 = arith.muli %mul3A_16, %mul3A_17 : i32
    %scan3A_19 = arith.constant 0 : i32
    %scan3A_20 = arith.constant 160 : i32
    %scan3A_21 = arith.addi %scan3A_19, %scan3A_20 : i32
    %scan3A_22 = arith.constant 1 : i32
    scf.for %scan3A_53 = %scan3A_19 to %scan3A_21 step %scan3A_22  : i32 {
      %mul3A_54 = arith.constant 1 : i32
      %mul3A_55 = arith.muli %scan3A_53, %mul3A_54 : i32
      %add3A_56 = arith.constant 0 : i32
      %add3A_57 = arith.addi %add3A_56, %mul3A_55 : i32
      %mul3A_58 = arith.constant 128 : i32
      %mul3A_59 = arith.muli %add3A_57, %mul3A_58 : i32
      %add3A_60 = arith.addi %mul3A_18, %mul3A_59 : i32
      "tpu.region"() ({
        %run_scoped3A = tpu.sem_alloc : memref<!tpu.dma_semaphore, #tpu.memory_space<semaphore_mem>>
        %dma_start3A_205 = tpu.memref_slice %arg2[%add3A_60] : memref<327680xi32, #tpu.memory_space<hbm>> -> memref<128xi32, #tpu.memory_space<hbm>>
        %dma_start3A_206 = tpu.memref_slice %arg2[%add3A_60] : memref<327680xi32, #tpu.memory_space<hbm>> -> memref<128xi32, #tpu.memory_space<hbm>>
        tpu.enqueue_dma source(%dma_start3A_206 : memref<128xi32, #tpu.memory_space<hbm>>) target(%arg5 : memref<128xi32, #tpu.memory_space<vmem>>) target_semaphore(%run_scoped3A : memref<!tpu.dma_semaphore, #tpu.memory_space<semaphore_mem>>)
        %dma_wait3A_207 = tpu.memref_slice %arg2[%add3A_60] : memref<327680xi32, #tpu.memory_space<hbm>> -> memref<128xi32, #tpu.memory_space<hbm>>
        %dma_wait3A_208 = tpu.memref_slice %arg2[%add3A_60] : memref<327680xi32, #tpu.memory_space<hbm>> -> memref<128xi32, #tpu.memory_space<hbm>>
        tpu.wait_dma2 semaphore(%run_scoped3A : memref<!tpu.dma_semaphore, #tpu.memory_space<semaphore_mem>>) src(%dma_wait3A_208 : memref<128xi32, #tpu.memory_space<hbm>>) dst(%arg5 : memref<128xi32, #tpu.memory_space<vmem>>)
        tpu.yield
      }) : () -> ()
      %get3A = arith.constant 0 : index
      %get3A_61 = tpu.vector_load %arg5[%get3A] {strides = array<i32>} : memref<128xi32, #tpu.memory_space<vmem>>, vector<16xi32>,
      %get3A_62 = vector.shape_cast %get3A_61 : vector<16xi32> to vector<16xi32>
      %sub3A = vector.broadcast %mul3A_14 : i32 to vector<16xi32>
      %sub3A_63 = arith.subi %get3A_62, %sub3A : vector<16xi32>
      %ge3A = arith.constant 0 : i32
      %ge3A_64 = vector.broadcast %ge3A : i32 to vector<16xi32>
      %ge3A_65 = arith.cmpi sge, %sub3A_63, %ge3A_64 : vector<16xi32>
      %lt3A = arith.constant 5056 : i32
      %lt3A_66 = vector.broadcast %lt3A : i32 to vector<16xi32>
      %lt3A_67 = arith.cmpi slt, %sub3A_63, %lt3A_66 : vector<16xi32>
      %and3A = arith.andi %ge3A_65, %lt3A_67 : vector<16xi1>
      %jit3A = arith.constant 5056 : i32
      %broadcast_in_dim3A_68 = vector.broadcast %jit3A : i32 to vector<16xi32>
      %select_n3A = arith.select %and3A, %sub3A_63, %broadcast_in_dim3A_68 : vector<16xi1>, vector<16xi32>
      %swap3A = arith.constant 0 : index
      %swap3A_69 = tpu.vector_load %arg6[%swap3A] {strides = array<i32>} : memref<128xi32, #tpu.memory_space<vmem>>, vector<16xi32>,
      %swap3A_70 = vector.shape_cast %swap3A_69 : vector<16xi32> to vector<16xi32>
      %swap3A_71 = vector.shape_cast %select_n3A : vector<16xi32> to vector<16xi32>
      tpu.vector_store %arg6[%swap3A], %swap3A_71 {strides = array<i32>} : memref<128xi32, #tpu.memory_space<vmem>>, vector<16xi32>,
      %get3A_72 = arith.constant 16 : index
      %get3A_73 = tpu.vector_load %arg5[%get3A_72] {strides = array<i32>} : memref<128xi32, #tpu.memory_space<vmem>>, vector<16xi32>,
      %get3A_74 = vector.shape_cast %get3A_73 : vector<16xi32> to vector<16xi32>
      %sub3A_75 = vector.broadcast %mul3A_14 : i32 to vector<16xi32>
      %sub3A_76 = arith.subi %get3A_74, %sub3A_75 : vector<16xi32>
      %ge3A_77 = arith.constant 0 : i32
      %ge3A_78 = vector.broadcast %ge3A_77 : i32 to vector<16xi32>
      %ge3A_79 = arith.cmpi sge, %sub3A_76, %ge3A_78 : vector<16xi32>
      %lt3A_80 = arith.constant 5056 : i32
      %lt3A_81 = vector.broadcast %lt3A_80 : i32 to vector<16xi32>
      %lt3A_82 = arith.cmpi slt, %sub3A_76, %lt3A_81 : vector<16xi32>
      %and3A_83 = arith.andi %ge3A_79, %lt3A_82 : vector<16xi1>
      %jit3A_84 = arith.constant 5056 : i32
      %broadcast_in_dim3A_85 = vector.broadcast %jit3A_84 : i32 to vector<16xi32>
      %select_n3A_86 = arith.select %and3A_83, %sub3A_76, %broadcast_in_dim3A_85 : vector<16xi1>, vector<16xi32>
      %swap3A_87 = arith.constant 16 : index
      %swap3A_88 = tpu.vector_load %arg6[%swap3A_87] {strides = array<i32>} : memref<128xi32, #tpu.memory_space<vmem>>, vector<16xi32>,
      %swap3A_89 = vector.shape_cast %swap3A_88 : vector<16xi32> to vector<16xi32>
      %swap3A_90 = vector.shape_cast %select_n3A_86 : vector<16xi32> to vector<16xi32>
      tpu.vector_store %arg6[%swap3A_87], %swap3A_90 {strides = array<i32>} : memref<128xi32, #tpu.memory_space<vmem>>, vector<16xi32>,
      %get3A_91 = arith.constant 32 : index
      %get3A_92 = tpu.vector_load %arg5[%get3A_91] {strides = array<i32>} : memref<128xi32, #tpu.memory_space<vmem>>, vector<16xi32>,
      %get3A_93 = vector.shape_cast %get3A_92 : vector<16xi32> to vector<16xi32>
      %sub3A_94 = vector.broadcast %mul3A_14 : i32 to vector<16xi32>
      %sub3A_95 = arith.subi %get3A_93, %sub3A_94 : vector<16xi32>
      %ge3A_96 = arith.constant 0 : i32
      %ge3A_97 = vector.broadcast %ge3A_96 : i32 to vector<16xi32>
      %ge3A_98 = arith.cmpi sge, %sub3A_95, %ge3A_97 : vector<16xi32>
      %lt3A_99 = arith.constant 5056 : i32
      %lt3A_100 = vector.broadcast %lt3A_99 : i32 to vector<16xi32>
      %lt3A_101 = arith.cmpi slt, %sub3A_95, %lt3A_100 : vector<16xi32>
      %and3A_102 = arith.andi %ge3A_98, %lt3A_101 : vector<16xi1>
      %jit3A_103 = arith.constant 5056 : i32
      %broadcast_in_dim3A_104 = vector.broadcast %jit3A_103 : i32 to vector<16xi32>
      %select_n3A_105 = arith.select %and3A_102, %sub3A_95, %broadcast_in_dim3A_104 : vector<16xi1>, vector<16xi32>
      %swap3A_106 = arith.constant 32 : index
      %swap3A_107 = tpu.vector_load %arg6[%swap3A_106] {strides = array<i32>} : memref<128xi32, #tpu.memory_space<vmem>>, vector<16xi32>,
      %swap3A_108 = vector.shape_cast %swap3A_107 : vector<16xi32> to vector<16xi32>
      %swap3A_109 = vector.shape_cast %select_n3A_105 : vector<16xi32> to vector<16xi32>
      tpu.vector_store %arg6[%swap3A_106], %swap3A_109 {strides = array<i32>} : memref<128xi32, #tpu.memory_space<vmem>>, vector<16xi32>,
      %get3A_110 = arith.constant 48 : index
      %get3A_111 = tpu.vector_load %arg5[%get3A_110] {strides = array<i32>} : memref<128xi32, #tpu.memory_space<vmem>>, vector<16xi32>,
      %get3A_112 = vector.shape_cast %get3A_111 : vector<16xi32> to vector<16xi32>
      %sub3A_113 = vector.broadcast %mul3A_14 : i32 to vector<16xi32>
      %sub3A_114 = arith.subi %get3A_112, %sub3A_113 : vector<16xi32>
      %ge3A_115 = arith.constant 0 : i32
      %ge3A_116 = vector.broadcast %ge3A_115 : i32 to vector<16xi32>
      %ge3A_117 = arith.cmpi sge, %sub3A_114, %ge3A_116 : vector<16xi32>
      %lt3A_118 = arith.constant 5056 : i32
      %lt3A_119 = vector.broadcast %lt3A_118 : i32 to vector<16xi32>
      %lt3A_120 = arith.cmpi slt, %sub3A_114, %lt3A_119 : vector<16xi32>
      %and3A_121 = arith.andi %ge3A_117, %lt3A_120 : vector<16xi1>
      %jit3A_122 = arith.constant 5056 : i32
      %broadcast_in_dim3A_123 = vector.broadcast %jit3A_122 : i32 to vector<16xi32>
      %select_n3A_124 = arith.select %and3A_121, %sub3A_114, %broadcast_in_dim3A_123 : vector<16xi1>, vector<16xi32>
      %swap3A_125 = arith.constant 48 : index
      %swap3A_126 = tpu.vector_load %arg6[%swap3A_125] {strides = array<i32>} : memref<128xi32, #tpu.memory_space<vmem>>, vector<16xi32>,
      %swap3A_127 = vector.shape_cast %swap3A_126 : vector<16xi32> to vector<16xi32>
      %swap3A_128 = vector.shape_cast %select_n3A_124 : vector<16xi32> to vector<16xi32>
      tpu.vector_store %arg6[%swap3A_125], %swap3A_128 {strides = array<i32>} : memref<128xi32, #tpu.memory_space<vmem>>, vector<16xi32>,
      %get3A_129 = arith.constant 64 : index
      %get3A_130 = tpu.vector_load %arg5[%get3A_129] {strides = array<i32>} : memref<128xi32, #tpu.memory_space<vmem>>, vector<16xi32>,
      %get3A_131 = vector.shape_cast %get3A_130 : vector<16xi32> to vector<16xi32>
      %sub3A_132 = vector.broadcast %mul3A_14 : i32 to vector<16xi32>
      %sub3A_133 = arith.subi %get3A_131, %sub3A_132 : vector<16xi32>
      %ge3A_134 = arith.constant 0 : i32
      %ge3A_135 = vector.broadcast %ge3A_134 : i32 to vector<16xi32>
      %ge3A_136 = arith.cmpi sge, %sub3A_133, %ge3A_135 : vector<16xi32>
      %lt3A_137 = arith.constant 5056 : i32
      %lt3A_138 = vector.broadcast %lt3A_137 : i32 to vector<16xi32>
      %lt3A_139 = arith.cmpi slt, %sub3A_133, %lt3A_138 : vector<16xi32>
      %and3A_140 = arith.andi %ge3A_136, %lt3A_139 : vector<16xi1>
      %jit3A_141 = arith.constant 5056 : i32
      %broadcast_in_dim3A_142 = vector.broadcast %jit3A_141 : i32 to vector<16xi32>
      %select_n3A_143 = arith.select %and3A_140, %sub3A_133, %broadcast_in_dim3A_142 : vector<16xi1>, vector<16xi32>
      %swap3A_144 = arith.constant 64 : index
      %swap3A_145 = tpu.vector_load %arg6[%swap3A_144] {strides = array<i32>} : memref<128xi32, #tpu.memory_space<vmem>>, vector<16xi32>,
      %swap3A_146 = vector.shape_cast %swap3A_145 : vector<16xi32> to vector<16xi32>
      %swap3A_147 = vector.shape_cast %select_n3A_143 : vector<16xi32> to vector<16xi32>
      tpu.vector_store %arg6[%swap3A_144], %swap3A_147 {strides = array<i32>} : memref<128xi32, #tpu.memory_space<vmem>>, vector<16xi32>,
      %get3A_148 = arith.constant 80 : index
      %get3A_149 = tpu.vector_load %arg5[%get3A_148] {strides = array<i32>} : memref<128xi32, #tpu.memory_space<vmem>>, vector<16xi32>,
      %get3A_150 = vector.shape_cast %get3A_149 : vector<16xi32> to vector<16xi32>
      %sub3A_151 = vector.broadcast %mul3A_14 : i32 to vector<16xi32>
      %sub3A_152 = arith.subi %get3A_150, %sub3A_151 : vector<16xi32>
      %ge3A_153 = arith.constant 0 : i32
      %ge3A_154 = vector.broadcast %ge3A_153 : i32 to vector<16xi32>
      %ge3A_155 = arith.cmpi sge, %sub3A_152, %ge3A_154 : vector<16xi32>
      %lt3A_156 = arith.constant 5056 : i32
      %lt3A_157 = vector.broadcast %lt3A_156 : i32 to vector<16xi32>
      %lt3A_158 = arith.cmpi slt, %sub3A_152, %lt3A_157 : vector<16xi32>
      %and3A_159 = arith.andi %ge3A_155, %lt3A_158 : vector<16xi1>
      %jit3A_160 = arith.constant 5056 : i32
      %broadcast_in_dim3A_161 = vector.broadcast %jit3A_160 : i32 to vector<16xi32>
      %select_n3A_162 = arith.select %and3A_159, %sub3A_152, %broadcast_in_dim3A_161 : vector<16xi1>, vector<16xi32>
      %swap3A_163 = arith.constant 80 : index
      %swap3A_164 = tpu.vector_load %arg6[%swap3A_163] {strides = array<i32>} : memref<128xi32, #tpu.memory_space<vmem>>, vector<16xi32>,
      %swap3A_165 = vector.shape_cast %swap3A_164 : vector<16xi32> to vector<16xi32>
      %swap3A_166 = vector.shape_cast %select_n3A_162 : vector<16xi32> to vector<16xi32>
      tpu.vector_store %arg6[%swap3A_163], %swap3A_166 {strides = array<i32>} : memref<128xi32, #tpu.memory_space<vmem>>, vector<16xi32>,
      %get3A_167 = arith.constant 96 : index
      %get3A_168 = tpu.vector_load %arg5[%get3A_167] {strides = array<i32>} : memref<128xi32, #tpu.memory_space<vmem>>, vector<16xi32>,
      %get3A_169 = vector.shape_cast %get3A_168 : vector<16xi32> to vector<16xi32>
      %sub3A_170 = vector.broadcast %mul3A_14 : i32 to vector<16xi32>
      %sub3A_171 = arith.subi %get3A_169, %sub3A_170 : vector<16xi32>
      %ge3A_172 = arith.constant 0 : i32
      %ge3A_173 = vector.broadcast %ge3A_172 : i32 to vector<16xi32>
      %ge3A_174 = arith.cmpi sge, %sub3A_171, %ge3A_173 : vector<16xi32>
      %lt3A_175 = arith.constant 5056 : i32
      %lt3A_176 = vector.broadcast %lt3A_175 : i32 to vector<16xi32>
      %lt3A_177 = arith.cmpi slt, %sub3A_171, %lt3A_176 : vector<16xi32>
      %and3A_178 = arith.andi %ge3A_174, %lt3A_177 : vector<16xi1>
      %jit3A_179 = arith.constant 5056 : i32
      %broadcast_in_dim3A_180 = vector.broadcast %jit3A_179 : i32 to vector<16xi32>
      %select_n3A_181 = arith.select %and3A_178, %sub3A_171, %broadcast_in_dim3A_180 : vector<16xi1>, vector<16xi32>
      %swap3A_182 = arith.constant 96 : index
      %swap3A_183 = tpu.vector_load %arg6[%swap3A_182] {strides = array<i32>} : memref<128xi32, #tpu.memory_space<vmem>>, vector<16xi32>,
      %swap3A_184 = vector.shape_cast %swap3A_183 : vector<16xi32> to vector<16xi32>
      %swap3A_185 = vector.shape_cast %select_n3A_181 : vector<16xi32> to vector<16xi32>
      tpu.vector_store %arg6[%swap3A_182], %swap3A_185 {strides = array<i32>} : memref<128xi32, #tpu.memory_space<vmem>>, vector<16xi32>,
      %get3A_186 = arith.constant 112 : index
      %get3A_187 = tpu.vector_load %arg5[%get3A_186] {strides = array<i32>} : memref<128xi32, #tpu.memory_space<vmem>>, vector<16xi32>,
      %get3A_188 = vector.shape_cast %get3A_187 : vector<16xi32> to vector<16xi32>
      %sub3A_189 = vector.broadcast %mul3A_14 : i32 to vector<16xi32>
      %sub3A_190 = arith.subi %get3A_188, %sub3A_189 : vector<16xi32>
      %ge3A_191 = arith.constant 0 : i32
      %ge3A_192 = vector.broadcast %ge3A_191 : i32 to vector<16xi32>
      %ge3A_193 = arith.cmpi sge, %sub3A_190, %ge3A_192 : vector<16xi32>
      %lt3A_194 = arith.constant 5056 : i32
      %lt3A_195 = vector.broadcast %lt3A_194 : i32 to vector<16xi32>
      %lt3A_196 = arith.cmpi slt, %sub3A_190, %lt3A_195 : vector<16xi32>
      %and3A_197 = arith.andi %ge3A_193, %lt3A_196 : vector<16xi1>
      %jit3A_198 = arith.constant 5056 : i32
      %broadcast_in_dim3A_199 = vector.broadcast %jit3A_198 : i32 to vector<16xi32>
      %select_n3A_200 = arith.select %and3A_197, %sub3A_190, %broadcast_in_dim3A_199 : vector<16xi1>, vector<16xi32>
      %swap3A_201 = arith.constant 112 : index
      %swap3A_202 = tpu.vector_load %arg6[%swap3A_201] {strides = array<i32>} : memref<128xi32, #tpu.memory_space<vmem>>, vector<16xi32>,
      %swap3A_203 = vector.shape_cast %swap3A_202 : vector<16xi32> to vector<16xi32>
      %swap3A_204 = vector.shape_cast %select_n3A_200 : vector<16xi32> to vector<16xi32>
      tpu.vector_store %arg6[%swap3A_201], %swap3A_204 {strides = array<i32>} : memref<128xi32, #tpu.memory_space<vmem>>, vector<16xi32>,
      "tpu.region"() ({
        %run_scoped3A = tpu.sem_alloc : memref<!tpu.dma_semaphore, #tpu.memory_space<semaphore_mem>>
        %dma_start3A_205 = arith.constant 0 : i32
        %dma_start3A_206 = arith.constant 0 : i32
        %dma_start3A_207 = tpu.memref_slice %arg10[%dma_start3A_205, %dma_start3A_206] : memref<5248x128xf32, #tpu.memory_space<vmem_shared>> -> memref<5248x128xf32, #tpu.memory_space<vmem_shared>>
        tpu.enqueue_indirect_dma source(%arg9 : memref<128x128xf32, #tpu.memory_space<vmem>>) target(%dma_start3A_207 : memref<5248x128xf32, #tpu.memory_space<vmem_shared>>) offsets(%arg6 : memref<128xi32, #tpu.memory_space<vmem>>) semaphore(%run_scoped3A : memref<!tpu.dma_semaphore, #tpu.memory_space<semaphore_mem>>) {add = true}
        %dma_wait3A_208 = arith.constant 0 : i32
        %dma_wait3A_209 = arith.constant 0 : i32
        %dma_wait3A_210 = tpu.memref_slice %arg10[%dma_wait3A_208, %dma_wait3A_209] : memref<5248x128xf32, #tpu.memory_space<vmem_shared>> -> memref<5248x128xf32, #tpu.memory_space<vmem_shared>>
        tpu.wait_indirect_dma semaphore(%run_scoped3A : memref<!tpu.dma_semaphore, #tpu.memory_space<semaphore_mem>>) src(%arg9 : memref<128x128xf32, #tpu.memory_space<vmem>>) dst(%dma_wait3A_210 : memref<5248x128xf32, #tpu.memory_space<vmem_shared>>)
        tpu.yield
      }) : () -> ()
    }
    %scan3A_23 = arith.constant 160 : i32
    %barrier3A_24 = arith.constant 0 : index
    tpu.barrier barrier_id(%barrier3A_24)
    %add3A_25 = arith.constant 0 : i32
    %add3A_26 = arith.addi %mul3A_7, %add3A_25 : i32
    "tpu.region"() ({
      %run_scoped3A = tpu.sem_alloc : memref<!tpu.dma_semaphore, #tpu.memory_space<semaphore_mem>>
      %dma_start3A_53 = tpu.memref_slice %arg3[%add3A_26] : memref<5248xi32, #tpu.memory_space<hbm>> -> memref<128xi32, #tpu.memory_space<hbm>>
      %dma_start3A_54 = tpu.memref_slice %arg3[%add3A_26] : memref<5248xi32, #tpu.memory_space<hbm>> -> memref<128xi32, #tpu.memory_space<hbm>>
      tpu.enqueue_dma source(%dma_start3A_54 : memref<128xi32, #tpu.memory_space<hbm>>) target(%arg7 : memref<128xi32, #tpu.memory_space<vmem>>) target_semaphore(%run_scoped3A : memref<!tpu.dma_semaphore, #tpu.memory_space<semaphore_mem>>)
      %dma_wait3A_55 = tpu.memref_slice %arg3[%add3A_26] : memref<5248xi32, #tpu.memory_space<hbm>> -> memref<128xi32, #tpu.memory_space<hbm>>
      %dma_wait3A_56 = tpu.memref_slice %arg3[%add3A_26] : memref<5248xi32, #tpu.memory_space<hbm>> -> memref<128xi32, #tpu.memory_space<hbm>>
      tpu.wait_dma2 semaphore(%run_scoped3A : memref<!tpu.dma_semaphore, #tpu.memory_space<semaphore_mem>>) src(%dma_wait3A_56 : memref<128xi32, #tpu.memory_space<hbm>>) dst(%arg7 : memref<128xi32, #tpu.memory_space<vmem>>)
      tpu.yield
    }) : () -> ()
    %dma_start3A = arith.constant 0 : i32
    %dma_start3A_27 = arith.constant 0 : i32
    %dma_start3A_28 = tpu.memref_slice %arg10[%dma_start3A, %dma_start3A_27] : memref<5248x128xf32, #tpu.memory_space<vmem_shared>> -> memref<5248x128xf32, #tpu.memory_space<vmem_shared>>
    tpu.enqueue_indirect_dma source(%dma_start3A_28 : memref<5248x128xf32, #tpu.memory_space<vmem_shared>>) target(%arg8 : memref<128x128xf32, #tpu.memory_space<vmem>>) offsets(%arg7 : memref<128xi32, #tpu.memory_space<vmem>>) semaphore(%arg11 : memref<!tpu.dma_semaphore, #tpu.memory_space<semaphore_mem>>)
    %dma_wait3A = arith.constant 0 : i32
    %dma_wait3A_29 = arith.constant 0 : i32
    %dma_wait3A_30 = tpu.memref_slice %arg10[%dma_wait3A, %dma_wait3A_29] : memref<5248x128xf32, #tpu.memory_space<vmem_shared>> -> memref<5248x128xf32, #tpu.memory_space<vmem_shared>>
    tpu.wait_indirect_dma semaphore(%arg11 : memref<!tpu.dma_semaphore, #tpu.memory_space<semaphore_mem>>) src(%dma_wait3A_30 : memref<5248x128xf32, #tpu.memory_space<vmem_shared>>) dst(%arg8 : memref<128x128xf32, #tpu.memory_space<vmem>>)
    %add3A_31 = arith.constant 0 : i32
    %add3A_32 = arith.addi %mul3A_7, %add3A_31 : i32
    "tpu.region"() ({
      %run_scoped3A = tpu.sem_alloc : memref<!tpu.dma_semaphore, #tpu.memory_space<semaphore_mem>>
      %dma_start3A_53 = arith.constant 0 : i32
      %dma_start3A_54 = tpu.memref_slice %arg4[%arg0, %add3A_32, %dma_start3A_53] : memref<2x5248x128xf32, #tpu.memory_space<hbm>> -> memref<1x128x128xf32, #tpu.memory_space<hbm>>
      %dma_start3A_55 = tpu.memref_squeeze %dma_start3A_54 : memref<1x128x128xf32, #tpu.memory_space<hbm>> -> memref<128x128xf32, #tpu.memory_space<hbm>>
      %dma_start3A_56 = arith.constant 0 : i32
      %dma_start3A_57 = tpu.memref_slice %arg4[%arg0, %add3A_32, %dma_start3A_56] : memref<2x5248x128xf32, #tpu.memory_space<hbm>> -> memref<1x128x128xf32, #tpu.memory_space<hbm>>
      %dma_start3A_58 = tpu.memref_squeeze %dma_start3A_57 : memref<1x128x128xf32, #tpu.memory_space<hbm>> -> memref<128x128xf32, #tpu.memory_space<hbm>>
      tpu.enqueue_dma source(%arg8 : memref<128x128xf32, #tpu.memory_space<vmem>>) target(%dma_start3A_58 : memref<128x128xf32, #tpu.memory_space<hbm>>) target_semaphore(%run_scoped3A : memref<!tpu.dma_semaphore, #tpu.memory_space<semaphore_mem>>)
      %dma_wait3A_59 = arith.constant 0 : i32
      %dma_wait3A_60 = tpu.memref_slice %arg4[%arg0, %add3A_32, %dma_wait3A_59] : memref<2x5248x128xf32, #tpu.memory_space<hbm>> -> memref<1x128x128xf32, #tpu.memory_space<hbm>>
      %dma_wait3A_61 = tpu.memref_squeeze %dma_wait3A_60 : memref<1x128x128xf32, #tpu.memory_space<hbm>> -> memref<128x128xf32, #tpu.memory_space<hbm>>
      %dma_wait3A_62 = arith.constant 0 : i32
      %dma_wait3A_63 = tpu.memref_slice %arg4[%arg0, %add3A_32, %dma_wait3A_62] : memref<2x5248x128xf32, #tpu.memory_space<hbm>> -> memref<1x128x128xf32, #tpu.memory_space<hbm>>
      %dma_wait3A_64 = tpu.memref_squeeze %dma_wait3A_63 : memref<1x128x128xf32, #tpu.memory_space<hbm>> -> memref<128x128xf32, #tpu.memory_space<hbm>>
      tpu.wait_dma2 semaphore(%run_scoped3A : memref<!tpu.dma_semaphore, #tpu.memory_space<semaphore_mem>>) src(%arg8 : memref<128x128xf32, #tpu.memory_space<vmem>>) dst(%dma_wait3A_64 : memref<128x128xf32, #tpu.memory_space<hbm>>)
      tpu.yield
    }) : () -> ()
    %add3A_33 = arith.constant 128 : i32
    %add3A_34 = arith.addi %mul3A_7, %add3A_33 : i32
    "tpu.region"() ({
      %run_scoped3A = tpu.sem_alloc : memref<!tpu.dma_semaphore, #tpu.memory_space<semaphore_mem>>
      %dma_start3A_53 = tpu.memref_slice %arg3[%add3A_34] : memref<5248xi32, #tpu.memory_space<hbm>> -> memref<128xi32, #tpu.memory_space<hbm>>
      %dma_start3A_54 = tpu.memref_slice %arg3[%add3A_34] : memref<5248xi32, #tpu.memory_space<hbm>> -> memref<128xi32, #tpu.memory_space<hbm>>
      tpu.enqueue_dma source(%dma_start3A_54 : memref<128xi32, #tpu.memory_space<hbm>>) target(%arg7 : memref<128xi32, #tpu.memory_space<vmem>>) target_semaphore(%run_scoped3A : memref<!tpu.dma_semaphore, #tpu.memory_space<semaphore_mem>>)
      %dma_wait3A_55 = tpu.memref_slice %arg3[%add3A_34] : memref<5248xi32, #tpu.memory_space<hbm>> -> memref<128xi32, #tpu.memory_space<hbm>>
      %dma_wait3A_56 = tpu.memref_slice %arg3[%add3A_34] : memref<5248xi32, #tpu.memory_space<hbm>> -> memref<128xi32, #tpu.memory_space<hbm>>
      tpu.wait_dma2 semaphore(%run_scoped3A : memref<!tpu.dma_semaphore, #tpu.memory_space<semaphore_mem>>) src(%dma_wait3A_56 : memref<128xi32, #tpu.memory_space<hbm>>) dst(%arg7 : memref<128xi32, #tpu.memory_space<vmem>>)
      tpu.yield
    }) : () -> ()
    %dma_start3A_35 = arith.constant 0 : i32
    %dma_start3A_36 = arith.constant 0 : i32
    %dma_start3A_37 = tpu.memref_slice %arg10[%dma_start3A_35, %dma_start3A_36] : memref<5248x128xf32, #tpu.memory_space<vmem_shared>> -> memref<5248x128xf32, #tpu.memory_space<vmem_shared>>
    tpu.enqueue_indirect_dma source(%dma_start3A_37 : memref<5248x128xf32, #tpu.memory_space<vmem_shared>>) target(%arg8 : memref<128x128xf32, #tpu.memory_space<vmem>>) offsets(%arg7 : memref<128xi32, #tpu.memory_space<vmem>>) semaphore(%arg11 : memref<!tpu.dma_semaphore, #tpu.memory_space<semaphore_mem>>)
    %dma_wait3A_38 = arith.constant 0 : i32
    %dma_wait3A_39 = arith.constant 0 : i32
    %dma_wait3A_40 = tpu.memref_slice %arg10[%dma_wait3A_38, %dma_wait3A_39] : memref<5248x128xf32, #tpu.memory_space<vmem_shared>> -> memref<5248x128xf32, #tpu.memory_space<vmem_shared>>
    tpu.wait_indirect_dma semaphore(%arg11 : memref<!tpu.dma_semaphore, #tpu.memory_space<semaphore_mem>>) src(%dma_wait3A_40 : memref<5248x128xf32, #tpu.memory_space<vmem_shared>>) dst(%arg8 : memref<128x128xf32, #tpu.memory_space<vmem>>)
    %add3A_41 = arith.constant 128 : i32
    %add3A_42 = arith.addi %mul3A_7, %add3A_41 : i32
    "tpu.region"() ({
      %run_scoped3A = tpu.sem_alloc : memref<!tpu.dma_semaphore, #tpu.memory_space<semaphore_mem>>
      %dma_start3A_53 = arith.constant 0 : i32
      %dma_start3A_54 = tpu.memref_slice %arg4[%arg0, %add3A_42, %dma_start3A_53] : memref<2x5248x128xf32, #tpu.memory_space<hbm>> -> memref<1x128x128xf32, #tpu.memory_space<hbm>>
      %dma_start3A_55 = tpu.memref_squeeze %dma_start3A_54 : memref<1x128x128xf32, #tpu.memory_space<hbm>> -> memref<128x128xf32, #tpu.memory_space<hbm>>
      %dma_start3A_56 = arith.constant 0 : i32
      %dma_start3A_57 = tpu.memref_slice %arg4[%arg0, %add3A_42, %dma_start3A_56] : memref<2x5248x128xf32, #tpu.memory_space<hbm>> -> memref<1x128x128xf32, #tpu.memory_space<hbm>>
      %dma_start3A_58 = tpu.memref_squeeze %dma_start3A_57 : memref<1x128x128xf32, #tpu.memory_space<hbm>> -> memref<128x128xf32, #tpu.memory_space<hbm>>
      tpu.enqueue_dma source(%arg8 : memref<128x128xf32, #tpu.memory_space<vmem>>) target(%dma_start3A_58 : memref<128x128xf32, #tpu.memory_space<hbm>>) target_semaphore(%run_scoped3A : memref<!tpu.dma_semaphore, #tpu.memory_space<semaphore_mem>>)
      %dma_wait3A_59 = arith.constant 0 : i32
      %dma_wait3A_60 = tpu.memref_slice %arg4[%arg0, %add3A_42, %dma_wait3A_59] : memref<2x5248x128xf32, #tpu.memory_space<hbm>> -> memref<1x128x128xf32, #tpu.memory_space<hbm>>
      %dma_wait3A_61 = tpu.memref_squeeze %dma_wait3A_60 : memref<1x128x128xf32, #tpu.memory_space<hbm>> -> memref<128x128xf32, #tpu.memory_space<hbm>>
      %dma_wait3A_62 = arith.constant 0 : i32
      %dma_wait3A_63 = tpu.memref_slice %arg4[%arg0, %add3A_42, %dma_wait3A_62] : memref<2x5248x128xf32, #tpu.memory_space<hbm>> -> memref<1x128x128xf32, #tpu.memory_space<hbm>>
      %dma_wait3A_64 = tpu.memref_squeeze %dma_wait3A_63 : memref<1x128x128xf32, #tpu.memory_space<hbm>> -> memref<128x128xf32, #tpu.memory_space<hbm>>
      tpu.wait_dma2 semaphore(%run_scoped3A : memref<!tpu.dma_semaphore, #tpu.memory_space<semaphore_mem>>) src(%arg8 : memref<128x128xf32, #tpu.memory_space<vmem>>) dst(%dma_wait3A_64 : memref<128x128xf32, #tpu.memory_space<hbm>>)
      tpu.yield
    }) : () -> ()
    %add3A_43 = arith.constant 256 : i32
    %add3A_44 = arith.addi %mul3A_7, %add3A_43 : i32
    "tpu.region"() ({
      %run_scoped3A = tpu.sem_alloc : memref<!tpu.dma_semaphore, #tpu.memory_space<semaphore_mem>>
      %dma_start3A_53 = tpu.memref_slice %arg3[%add3A_44] : memref<5248xi32, #tpu.memory_space<hbm>> -> memref<128xi32, #tpu.memory_space<hbm>>
      %dma_start3A_54 = tpu.memref_slice %arg3[%add3A_44] : memref<5248xi32, #tpu.memory_space<hbm>> -> memref<128xi32, #tpu.memory_space<hbm>>
      tpu.enqueue_dma source(%dma_start3A_54 : memref<128xi32, #tpu.memory_space<hbm>>) target(%arg7 : memref<128xi32, #tpu.memory_space<vmem>>) target_semaphore(%run_scoped3A : memref<!tpu.dma_semaphore, #tpu.memory_space<semaphore_mem>>)
      %dma_wait3A_55 = tpu.memref_slice %arg3[%add3A_44] : memref<5248xi32, #tpu.memory_space<hbm>> -> memref<128xi32, #tpu.memory_space<hbm>>
      %dma_wait3A_56 = tpu.memref_slice %arg3[%add3A_44] : memref<5248xi32, #tpu.memory_space<hbm>> -> memref<128xi32, #tpu.memory_space<hbm>>
      tpu.wait_dma2 semaphore(%run_scoped3A : memref<!tpu.dma_semaphore, #tpu.memory_space<semaphore_mem>>) src(%dma_wait3A_56 : memref<128xi32, #tpu.memory_space<hbm>>) dst(%arg7 : memref<128xi32, #tpu.memory_space<vmem>>)
      tpu.yield
    }) : () -> ()
    %dma_start3A_45 = arith.constant 0 : i32
    %dma_start3A_46 = arith.constant 0 : i32
    %dma_start3A_47 = tpu.memref_slice %arg10[%dma_start3A_45, %dma_start3A_46] : memref<5248x128xf32, #tpu.memory_space<vmem_shared>> -> memref<5248x128xf32, #tpu.memory_space<vmem_shared>>
    tpu.enqueue_indirect_dma source(%dma_start3A_47 : memref<5248x128xf32, #tpu.memory_space<vmem_shared>>) target(%arg8 : memref<128x128xf32, #tpu.memory_space<vmem>>) offsets(%arg7 : memref<128xi32, #tpu.memory_space<vmem>>) semaphore(%arg11 : memref<!tpu.dma_semaphore, #tpu.memory_space<semaphore_mem>>)
    %dma_wait3A_48 = arith.constant 0 : i32
    %dma_wait3A_49 = arith.constant 0 : i32
    %dma_wait3A_50 = tpu.memref_slice %arg10[%dma_wait3A_48, %dma_wait3A_49] : memref<5248x128xf32, #tpu.memory_space<vmem_shared>> -> memref<5248x128xf32, #tpu.memory_space<vmem_shared>>
    tpu.wait_indirect_dma semaphore(%arg11 : memref<!tpu.dma_semaphore, #tpu.memory_space<semaphore_mem>>) src(%dma_wait3A_50 : memref<5248x128xf32, #tpu.memory_space<vmem_shared>>) dst(%arg8 : memref<128x128xf32, #tpu.memory_space<vmem>>)
    %add3A_51 = arith.constant 256 : i32
    %add3A_52 = arith.addi %mul3A_7, %add3A_51 : i32
    "tpu.region"() ({
      %run_scoped3A = tpu.sem_alloc : memref<!tpu.dma_semaphore, #tpu.memory_space<semaphore_mem>>
      %dma_start3A_53 = arith.constant 0 : i32
      %dma_start3A_54 = tpu.memref_slice %arg4[%arg0, %add3A_52, %dma_start3A_53] : memref<2x5248x128xf32, #tpu.memory_space<hbm>> -> memref<1x128x128xf32, #tpu.memory_space<hbm>>
      %dma_start3A_55 = tpu.memref_squeeze %dma_start3A_54 : memref<1x128x128xf32, #tpu.memory_space<hbm>> -> memref<128x128xf32, #tpu.memory_space<hbm>>
      %dma_start3A_56 = arith.constant 0 : i32
      %dma_start3A_57 = tpu.memref_slice %arg4[%arg0, %add3A_52, %dma_start3A_56] : memref<2x5248x128xf32, #tpu.memory_space<hbm>> -> memref<1x128x128xf32, #tpu.memory_space<hbm>>
      %dma_start3A_58 = tpu.memref_squeeze %dma_start3A_57 : memref<1x128x128xf32, #tpu.memory_space<hbm>> -> memref<128x128xf32, #tpu.memory_space<hbm>>
      tpu.enqueue_dma source(%arg8 : memref<128x128xf32, #tpu.memory_space<vmem>>) target(%dma_start3A_58 : memref<128x128xf32, #tpu.memory_space<hbm>>) target_semaphore(%run_scoped3A : memref<!tpu.dma_semaphore, #tpu.memory_space<semaphore_mem>>)
      %dma_wait3A_59 = arith.constant 0 : i32
      %dma_wait3A_60 = tpu.memref_slice %arg4[%arg0, %add3A_52, %dma_wait3A_59] : memref<2x5248x128xf32, #tpu.memory_space<hbm>> -> memref<1x128x128xf32, #tpu.memory_space<hbm>>
      %dma_wait3A_61 = tpu.memref_squeeze %dma_wait3A_60 : memref<1x128x128xf32, #tpu.memory_space<hbm>> -> memref<128x128xf32, #tpu.memory_space<hbm>>
      %dma_wait3A_62 = arith.constant 0 : i32
      %dma_wait3A_63 = tpu.memref_slice %arg4[%arg0, %add3A_52, %dma_wait3A_62] : memref<2x5248x128xf32, #tpu.memory_space<hbm>> -> memref<1x128x128xf32, #tpu.memory_space<hbm>>
      %dma_wait3A_64 = tpu.memref_squeeze %dma_wait3A_63 : memref<1x128x128xf32, #tpu.memory_space<hbm>> -> memref<128x128xf32, #tpu.memory_space<hbm>>
      tpu.wait_dma2 semaphore(%run_scoped3A : memref<!tpu.dma_semaphore, #tpu.memory_space<semaphore_mem>>) src(%arg8 : memref<128x128xf32, #tpu.memory_space<vmem>>) dst(%dma_wait3A_64 : memref<128x128xf32, #tpu.memory_space<hbm>>)
      tpu.yield
    }) : () -> ()
    return
  }
}

#map = affine_map<(d0, d1) -> (0, 0)>
#map1 = affine_map<(d0, d1) -> (0)>
#map2 = affine_map<(d0, d1) -> (0, 0, 0)>
module attributes {stable_mosaic.version = 14 : i64} {
  func.func @_sc_body(%arg0: i32, %arg1: i32, %arg2: memref<10000x128xf32, #tpu.memory_space<hbm>>, %arg3: memref<327680xi32, #tpu.memory_space<hbm>>, %arg4: memref<327680xi32, #tpu.memory_space<hbm>>, %arg5: memref<5248xi32, #tpu.memory_space<hbm>>, %arg6: memref<2x5248x128xf32, #tpu.memory_space<hbm>>, %arg7: memref<128xi32, #tpu.memory_space<vmem>>, %arg8: memref<128xi32, #tpu.memory_space<vmem>>, %arg9: memref<128xi32, #tpu.memory_space<vmem>>, %arg10: memref<128xi32, #tpu.memory_space<vmem>>, %arg11: memref<128xi32, #tpu.memory_space<vmem>>, %arg12: memref<128xi32, #tpu.memory_space<vmem>>, %arg13: memref<128xi32, #tpu.memory_space<vmem>>, %arg14: memref<128xi32, #tpu.memory_space<vmem>>, %arg15: memref<128xi32, #tpu.memory_space<vmem>>, %arg16: memref<128xi32, #tpu.memory_space<vmem>>, %arg17: memref<128xi32, #tpu.memory_space<vmem>>, %arg18: memref<128xi32, #tpu.memory_space<vmem>>, %arg19: memref<128x128xf32, #tpu.memory_space<vmem>>, %arg20: memref<128x128xf32, #tpu.memory_space<vmem>>, %arg21: memref<128x128xf32, #tpu.memory_space<vmem>>, %arg22: memref<128x128xf32, #tpu.memory_space<vmem>>, %arg23: memref<128xi32, #tpu.memory_space<vmem>>, %arg24: memref<5248x128xf32, #tpu.memory_space<vmem_shared>>, %arg25: memref<!tpu.dma_semaphore, #tpu.memory_space<semaphore_mem>>) attributes {dimension_semantics = [#tpu.dimension_semantics<core_parallel>, #tpu.dimension_semantics<subcore_parallel>], iteration_bounds = array<i64: 2, 16>, scalar_prefetch = 0 : i64, scratch_operands = 19 : i64, tpu.core_type = #tpu.core_type<sc_vector_subcore>, window_params = [{transform_indices = #map}, {transform_indices = #map1}, {transform_indices = #map1}, {transform_indices = #map1}, {transform_indices = #map2}]} {
    %broadcast_in_dim3A = arith.constant 0.000000e+00 : f32
    %broadcast_in_dim3A_0 = vector.broadcast %broadcast_in_dim3A : f32 to vector<16xf32>
    %scan3A = arith.constant 0 : i32
    %scan3A_1 = arith.constant 128 : i32
    %scan3A_2 = arith.addi %scan3A, %scan3A_1 : i32
    %scan3A_3 = arith.constant 1 : i32
    scf.for %scan3A_51 = %scan3A to %scan3A_2 step %scan3A_3  : i32 {
      %mul3A_52 = arith.constant 1 : i32
      %mul3A_53 = arith.muli %scan3A_51, %mul3A_52 : i32
      %add3A_54 = arith.constant 0 : i32
      %add3A_55 = arith.addi %add3A_54, %mul3A_53 : i32
      %swap3A = arith.index_cast %add3A_55 : i32 to index
      %swap3A_56 = arith.constant 0 : index
      %swap3A_57 = tpu.vector_load %arg19[%swap3A, %swap3A_56] {strides = array<i32>} : memref<128x128xf32, #tpu.memory_space<vmem>>, vector<1x16xf32>,
      %swap3A_58 = vector.shape_cast %swap3A_57 : vector<1x16xf32> to vector<16xf32>
      %swap3A_59 = vector.shape_cast %broadcast_in_dim3A_0 : vector<16xf32> to vector<1x16xf32>
      tpu.vector_store %arg19[%swap3A, %swap3A_56], %swap3A_59 {strides = array<i32>} : memref<128x128xf32, #tpu.memory_space<vmem>>, vector<1x16xf32>,
      %swap3A_60 = arith.index_cast %add3A_55 : i32 to index
      %swap3A_61 = arith.constant 16 : index
      %swap3A_62 = tpu.vector_load %arg19[%swap3A_60, %swap3A_61] {strides = array<i32>} : memref<128x128xf32, #tpu.memory_space<vmem>>, vector<1x16xf32>,
      %swap3A_63 = vector.shape_cast %swap3A_62 : vector<1x16xf32> to vector<16xf32>
      %swap3A_64 = vector.shape_cast %broadcast_in_dim3A_0 : vector<16xf32> to vector<1x16xf32>
      tpu.vector_store %arg19[%swap3A_60, %swap3A_61], %swap3A_64 {strides = array<i32>} : memref<128x128xf32, #tpu.memory_space<vmem>>, vector<1x16xf32>,
      %swap3A_65 = arith.index_cast %add3A_55 : i32 to index
      %swap3A_66 = arith.constant 32 : index
      %swap3A_67 = tpu.vector_load %arg19[%swap3A_65, %swap3A_66] {strides = array<i32>} : memref<128x128xf32, #tpu.memory_space<vmem>>, vector<1x16xf32>,
      %swap3A_68 = vector.shape_cast %swap3A_67 : vector<1x16xf32> to vector<16xf32>
      %swap3A_69 = vector.shape_cast %broadcast_in_dim3A_0 : vector<16xf32> to vector<1x16xf32>
      tpu.vector_store %arg19[%swap3A_65, %swap3A_66], %swap3A_69 {strides = array<i32>} : memref<128x128xf32, #tpu.memory_space<vmem>>, vector<1x16xf32>,
      %swap3A_70 = arith.index_cast %add3A_55 : i32 to index
      %swap3A_71 = arith.constant 48 : index
      %swap3A_72 = tpu.vector_load %arg19[%swap3A_70, %swap3A_71] {strides = array<i32>} : memref<128x128xf32, #tpu.memory_space<vmem>>, vector<1x16xf32>,
      %swap3A_73 = vector.shape_cast %swap3A_72 : vector<1x16xf32> to vector<16xf32>
      %swap3A_74 = vector.shape_cast %broadcast_in_dim3A_0 : vector<16xf32> to vector<1x16xf32>
      tpu.vector_store %arg19[%swap3A_70, %swap3A_71], %swap3A_74 {strides = array<i32>} : memref<128x128xf32, #tpu.memory_space<vmem>>, vector<1x16xf32>,
      %swap3A_75 = arith.index_cast %add3A_55 : i32 to index
      %swap3A_76 = arith.constant 64 : index
      %swap3A_77 = tpu.vector_load %arg19[%swap3A_75, %swap3A_76] {strides = array<i32>} : memref<128x128xf32, #tpu.memory_space<vmem>>, vector<1x16xf32>,
      %swap3A_78 = vector.shape_cast %swap3A_77 : vector<1x16xf32> to vector<16xf32>
      %swap3A_79 = vector.shape_cast %broadcast_in_dim3A_0 : vector<16xf32> to vector<1x16xf32>
      tpu.vector_store %arg19[%swap3A_75, %swap3A_76], %swap3A_79 {strides = array<i32>} : memref<128x128xf32, #tpu.memory_space<vmem>>, vector<1x16xf32>,
      %swap3A_80 = arith.index_cast %add3A_55 : i32 to index
      %swap3A_81 = arith.constant 80 : index
      %swap3A_82 = tpu.vector_load %arg19[%swap3A_80, %swap3A_81] {strides = array<i32>} : memref<128x128xf32, #tpu.memory_space<vmem>>, vector<1x16xf32>,
      %swap3A_83 = vector.shape_cast %swap3A_82 : vector<1x16xf32> to vector<16xf32>
      %swap3A_84 = vector.shape_cast %broadcast_in_dim3A_0 : vector<16xf32> to vector<1x16xf32>
      tpu.vector_store %arg19[%swap3A_80, %swap3A_81], %swap3A_84 {strides = array<i32>} : memref<128x128xf32, #tpu.memory_space<vmem>>, vector<1x16xf32>,
      %swap3A_85 = arith.index_cast %add3A_55 : i32 to index
      %swap3A_86 = arith.constant 96 : index
      %swap3A_87 = tpu.vector_load %arg19[%swap3A_85, %swap3A_86] {strides = array<i32>} : memref<128x128xf32, #tpu.memory_space<vmem>>, vector<1x16xf32>,
      %swap3A_88 = vector.shape_cast %swap3A_87 : vector<1x16xf32> to vector<16xf32>
      %swap3A_89 = vector.shape_cast %broadcast_in_dim3A_0 : vector<16xf32> to vector<1x16xf32>
      tpu.vector_store %arg19[%swap3A_85, %swap3A_86], %swap3A_89 {strides = array<i32>} : memref<128x128xf32, #tpu.memory_space<vmem>>, vector<1x16xf32>,
      %swap3A_90 = arith.index_cast %add3A_55 : i32 to index
      %swap3A_91 = arith.constant 112 : index
      %swap3A_92 = tpu.vector_load %arg19[%swap3A_90, %swap3A_91] {strides = array<i32>} : memref<128x128xf32, #tpu.memory_space<vmem>>, vector<1x16xf32>,
      %swap3A_93 = vector.shape_cast %swap3A_92 : vector<1x16xf32> to vector<16xf32>
      %swap3A_94 = vector.shape_cast %broadcast_in_dim3A_0 : vector<16xf32> to vector<1x16xf32>
      tpu.vector_store %arg19[%swap3A_90, %swap3A_91], %swap3A_94 {strides = array<i32>} : memref<128x128xf32, #tpu.memory_space<vmem>>, vector<1x16xf32>,
    }
    %scan3A_4 = arith.constant 128 : i32
    %mul3A = arith.constant 320 : i32
    %mul3A_5 = arith.muli %arg1, %mul3A : i32
    %add3A = arith.constant 0 : i32
    %add3A_6 = arith.addi %mul3A_5, %add3A : i32
    "tpu.region"() ({
      %run_scoped3A = tpu.sem_alloc : memref<!tpu.dma_semaphore, #tpu.memory_space<semaphore_mem>>
      %dma_start3A_51 = tpu.memref_slice %arg5[%add3A_6] : memref<5248xi32, #tpu.memory_space<hbm>> -> memref<128xi32, #tpu.memory_space<hbm>>
      %dma_start3A_52 = tpu.memref_slice %arg5[%add3A_6] : memref<5248xi32, #tpu.memory_space<hbm>> -> memref<128xi32, #tpu.memory_space<hbm>>
      tpu.enqueue_dma source(%dma_start3A_52 : memref<128xi32, #tpu.memory_space<hbm>>) target(%arg23 : memref<128xi32, #tpu.memory_space<vmem>>) target_semaphore(%run_scoped3A : memref<!tpu.dma_semaphore, #tpu.memory_space<semaphore_mem>>)
      %dma_wait3A_53 = tpu.memref_slice %arg5[%add3A_6] : memref<5248xi32, #tpu.memory_space<hbm>> -> memref<128xi32, #tpu.memory_space<hbm>>
      %dma_wait3A_54 = tpu.memref_slice %arg5[%add3A_6] : memref<5248xi32, #tpu.memory_space<hbm>> -> memref<128xi32, #tpu.memory_space<hbm>>
      tpu.wait_dma2 semaphore(%run_scoped3A : memref<!tpu.dma_semaphore, #tpu.memory_space<semaphore_mem>>) src(%dma_wait3A_54 : memref<128xi32, #tpu.memory_space<hbm>>) dst(%arg23 : memref<128xi32, #tpu.memory_space<vmem>>)
      tpu.yield
    }) : () -> ()
    "tpu.region"() ({
      %run_scoped3A = tpu.sem_alloc : memref<!tpu.dma_semaphore, #tpu.memory_space<semaphore_mem>>
      %dma_start3A_51 = arith.constant 0 : i32
      %dma_start3A_52 = arith.constant 0 : i32
      %dma_start3A_53 = tpu.memref_slice %arg24[%dma_start3A_51, %dma_start3A_52] : memref<5248x128xf32, #tpu.memory_space<vmem_shared>> -> memref<5248x128xf32, #tpu.memory_space<vmem_shared>>
      tpu.enqueue_indirect_dma source(%arg19 : memref<128x128xf32, #tpu.memory_space<vmem>>) target(%dma_start3A_53 : memref<5248x128xf32, #tpu.memory_space<vmem_shared>>) offsets(%arg23 : memref<128xi32, #tpu.memory_space<vmem>>) semaphore(%run_scoped3A : memref<!tpu.dma_semaphore, #tpu.memory_space<semaphore_mem>>)
      %dma_wait3A_54 = arith.constant 0 : i32
      %dma_wait3A_55 = arith.constant 0 : i32
      %dma_wait3A_56 = tpu.memref_slice %arg24[%dma_wait3A_54, %dma_wait3A_55] : memref<5248x128xf32, #tpu.memory_space<vmem_shared>> -> memref<5248x128xf32, #tpu.memory_space<vmem_shared>>
      tpu.wait_indirect_dma semaphore(%run_scoped3A : memref<!tpu.dma_semaphore, #tpu.memory_space<semaphore_mem>>) src(%arg19 : memref<128x128xf32, #tpu.memory_space<vmem>>) dst(%dma_wait3A_56 : memref<5248x128xf32, #tpu.memory_space<vmem_shared>>)
      tpu.yield
    }) : () -> ()
    %add3A_7 = arith.constant 128 : i32
    %add3A_8 = arith.addi %mul3A_5, %add3A_7 : i32
    "tpu.region"() ({
      %run_scoped3A = tpu.sem_alloc : memref<!tpu.dma_semaphore, #tpu.memory_space<semaphore_mem>>
      %dma_start3A_51 = tpu.memref_slice %arg5[%add3A_8] : memref<5248xi32, #tpu.memory_space<hbm>> -> memref<128xi32, #tpu.memory_space<hbm>>
      %dma_start3A_52 = tpu.memref_slice %arg5[%add3A_8] : memref<5248xi32, #tpu.memory_space<hbm>> -> memref<128xi32, #tpu.memory_space<hbm>>
      tpu.enqueue_dma source(%dma_start3A_52 : memref<128xi32, #tpu.memory_space<hbm>>) target(%arg23 : memref<128xi32, #tpu.memory_space<vmem>>) target_semaphore(%run_scoped3A : memref<!tpu.dma_semaphore, #tpu.memory_space<semaphore_mem>>)
      %dma_wait3A_53 = tpu.memref_slice %arg5[%add3A_8] : memref<5248xi32, #tpu.memory_space<hbm>> -> memref<128xi32, #tpu.memory_space<hbm>>
      %dma_wait3A_54 = tpu.memref_slice %arg5[%add3A_8] : memref<5248xi32, #tpu.memory_space<hbm>> -> memref<128xi32, #tpu.memory_space<hbm>>
      tpu.wait_dma2 semaphore(%run_scoped3A : memref<!tpu.dma_semaphore, #tpu.memory_space<semaphore_mem>>) src(%dma_wait3A_54 : memref<128xi32, #tpu.memory_space<hbm>>) dst(%arg23 : memref<128xi32, #tpu.memory_space<vmem>>)
      tpu.yield
    }) : () -> ()
    "tpu.region"() ({
      %run_scoped3A = tpu.sem_alloc : memref<!tpu.dma_semaphore, #tpu.memory_space<semaphore_mem>>
      %dma_start3A_51 = arith.constant 0 : i32
      %dma_start3A_52 = arith.constant 0 : i32
      %dma_start3A_53 = tpu.memref_slice %arg24[%dma_start3A_51, %dma_start3A_52] : memref<5248x128xf32, #tpu.memory_space<vmem_shared>> -> memref<5248x128xf32, #tpu.memory_space<vmem_shared>>
      tpu.enqueue_indirect_dma source(%arg19 : memref<128x128xf32, #tpu.memory_space<vmem>>) target(%dma_start3A_53 : memref<5248x128xf32, #tpu.memory_space<vmem_shared>>) offsets(%arg23 : memref<128xi32, #tpu.memory_space<vmem>>) semaphore(%run_scoped3A : memref<!tpu.dma_semaphore, #tpu.memory_space<semaphore_mem>>)
      %dma_wait3A_54 = arith.constant 0 : i32
      %dma_wait3A_55 = arith.constant 0 : i32
      %dma_wait3A_56 = tpu.memref_slice %arg24[%dma_wait3A_54, %dma_wait3A_55] : memref<5248x128xf32, #tpu.memory_space<vmem_shared>> -> memref<5248x128xf32, #tpu.memory_space<vmem_shared>>
      tpu.wait_indirect_dma semaphore(%run_scoped3A : memref<!tpu.dma_semaphore, #tpu.memory_space<semaphore_mem>>) src(%arg19 : memref<128x128xf32, #tpu.memory_space<vmem>>) dst(%dma_wait3A_56 : memref<5248x128xf32, #tpu.memory_space<vmem_shared>>)
      tpu.yield
    }) : () -> ()
    %add3A_9 = arith.constant 256 : i32
    %add3A_10 = arith.addi %mul3A_5, %add3A_9 : i32
    "tpu.region"() ({
      %run_scoped3A = tpu.sem_alloc : memref<!tpu.dma_semaphore, #tpu.memory_space<semaphore_mem>>
      %dma_start3A_51 = tpu.memref_slice %arg5[%add3A_10] : memref<5248xi32, #tpu.memory_space<hbm>> -> memref<128xi32, #tpu.memory_space<hbm>>
      %dma_start3A_52 = tpu.memref_slice %arg5[%add3A_10] : memref<5248xi32, #tpu.memory_space<hbm>> -> memref<128xi32, #tpu.memory_space<hbm>>
      tpu.enqueue_dma source(%dma_start3A_52 : memref<128xi32, #tpu.memory_space<hbm>>) target(%arg23 : memref<128xi32, #tpu.memory_space<vmem>>) target_semaphore(%run_scoped3A : memref<!tpu.dma_semaphore, #tpu.memory_space<semaphore_mem>>)
      %dma_wait3A_53 = tpu.memref_slice %arg5[%add3A_10] : memref<5248xi32, #tpu.memory_space<hbm>> -> memref<128xi32, #tpu.memory_space<hbm>>
      %dma_wait3A_54 = tpu.memref_slice %arg5[%add3A_10] : memref<5248xi32, #tpu.memory_space<hbm>> -> memref<128xi32, #tpu.memory_space<hbm>>
      tpu.wait_dma2 semaphore(%run_scoped3A : memref<!tpu.dma_semaphore, #tpu.memory_space<semaphore_mem>>) src(%dma_wait3A_54 : memref<128xi32, #tpu.memory_space<hbm>>) dst(%arg23 : memref<128xi32, #tpu.memory_space<vmem>>)
      tpu.yield
    }) : () -> ()
    "tpu.region"() ({
      %run_scoped3A = tpu.sem_alloc : memref<!tpu.dma_semaphore, #tpu.memory_space<semaphore_mem>>
      %dma_start3A_51 = arith.constant 0 : i32
      %dma_start3A_52 = arith.constant 0 : i32
      %dma_start3A_53 = tpu.memref_slice %arg24[%dma_start3A_51, %dma_start3A_52] : memref<5248x128xf32, #tpu.memory_space<vmem_shared>> -> memref<5248x128xf32, #tpu.memory_space<vmem_shared>>
      tpu.enqueue_indirect_dma source(%arg19 : memref<128x128xf32, #tpu.memory_space<vmem>>) target(%dma_start3A_53 : memref<5248x128xf32, #tpu.memory_space<vmem_shared>>) offsets(%arg23 : memref<128xi32, #tpu.memory_space<vmem>>) semaphore(%run_scoped3A : memref<!tpu.dma_semaphore, #tpu.memory_space<semaphore_mem>>)
      %dma_wait3A_54 = arith.constant 0 : i32
      %dma_wait3A_55 = arith.constant 0 : i32
      %dma_wait3A_56 = tpu.memref_slice %arg24[%dma_wait3A_54, %dma_wait3A_55] : memref<5248x128xf32, #tpu.memory_space<vmem_shared>> -> memref<5248x128xf32, #tpu.memory_space<vmem_shared>>
      tpu.wait_indirect_dma semaphore(%run_scoped3A : memref<!tpu.dma_semaphore, #tpu.memory_space<semaphore_mem>>) src(%arg19 : memref<128x128xf32, #tpu.memory_space<vmem>>) dst(%dma_wait3A_56 : memref<5248x128xf32, #tpu.memory_space<vmem_shared>>)
      tpu.yield
    }) : () -> ()
    %barrier3A = arith.constant 0 : index
    tpu.barrier barrier_id(%barrier3A)
    %mul3A_11 = arith.constant 5056 : i32
    %mul3A_12 = arith.muli %arg0, %mul3A_11 : i32
    %mul3A_13 = arith.constant 160 : i32
    %mul3A_14 = arith.muli %arg1, %mul3A_13 : i32
    %mul3A_15 = arith.constant 128 : i32
    %mul3A_16 = arith.muli %mul3A_14, %mul3A_15 : i32
    %scan3A_17 = arith.constant 0 : i32
    %scan3A_18 = arith.constant 40 : i32
    %scan3A_19 = arith.addi %scan3A_17, %scan3A_18 : i32
    %scan3A_20 = arith.constant 1 : i32
    scf.for %scan3A_51 = %scan3A_17 to %scan3A_19 step %scan3A_20  : i32 {
      %mul3A_52 = arith.constant 1 : i32
      %mul3A_53 = arith.muli %scan3A_51, %mul3A_52 : i32
      %add3A_54 = arith.constant 0 : i32
      %add3A_55 = arith.addi %add3A_54, %mul3A_53 : i32
      %mul3A_56 = arith.constant 512 : i32
      %mul3A_57 = arith.muli %add3A_55, %mul3A_56 : i32
      %add3A_58 = arith.addi %mul3A_16, %mul3A_57 : i32
      %add3A_59 = arith.constant 0 : i32
      %add3A_60 = arith.addi %add3A_58, %add3A_59 : i32
      "tpu.region"() ({
        %run_scoped3A = tpu.sem_alloc : memref<!tpu.dma_semaphore, #tpu.memory_space<semaphore_mem>>
        %dma_start3A_699 = tpu.memref_slice %arg3[%add3A_60] : memref<327680xi32, #tpu.memory_space<hbm>> -> memref<128xi32, #tpu.memory_space<hbm>>
        %dma_start3A_700 = tpu.memref_slice %arg3[%add3A_60] : memref<327680xi32, #tpu.memory_space<hbm>> -> memref<128xi32, #tpu.memory_space<hbm>>
        tpu.enqueue_dma source(%dma_start3A_700 : memref<128xi32, #tpu.memory_space<hbm>>) target(%arg7 : memref<128xi32, #tpu.memory_space<vmem>>) target_semaphore(%run_scoped3A : memref<!tpu.dma_semaphore, #tpu.memory_space<semaphore_mem>>)
        %dma_wait3A_701 = tpu.memref_slice %arg3[%add3A_60] : memref<327680xi32, #tpu.memory_space<hbm>> -> memref<128xi32, #tpu.memory_space<hbm>>
        %dma_wait3A_702 = tpu.memref_slice %arg3[%add3A_60] : memref<327680xi32, #tpu.memory_space<hbm>> -> memref<128xi32, #tpu.memory_space<hbm>>
        tpu.wait_dma2 semaphore(%run_scoped3A : memref<!tpu.dma_semaphore, #tpu.memory_space<semaphore_mem>>) src(%dma_wait3A_702 : memref<128xi32, #tpu.memory_space<hbm>>) dst(%arg7 : memref<128xi32, #tpu.memory_space<vmem>>)
        tpu.yield
      }) : () -> ()
      %add3A_61 = arith.constant 0 : i32
      %add3A_62 = arith.addi %add3A_58, %add3A_61 : i32
      "tpu.region"() ({
        %run_scoped3A = tpu.sem_alloc : memref<!tpu.dma_semaphore, #tpu.memory_space<semaphore_mem>>
        %dma_start3A_699 = tpu.memref_slice %arg4[%add3A_62] : memref<327680xi32, #tpu.memory_space<hbm>> -> memref<128xi32, #tpu.memory_space<hbm>>
        %dma_start3A_700 = tpu.memref_slice %arg4[%add3A_62] : memref<327680xi32, #tpu.memory_space<hbm>> -> memref<128xi32, #tpu.memory_space<hbm>>
        tpu.enqueue_dma source(%dma_start3A_700 : memref<128xi32, #tpu.memory_space<hbm>>) target(%arg11 : memref<128xi32, #tpu.memory_space<vmem>>) target_semaphore(%run_scoped3A : memref<!tpu.dma_semaphore, #tpu.memory_space<semaphore_mem>>)
        %dma_wait3A_701 = tpu.memref_slice %arg4[%add3A_62] : memref<327680xi32, #tpu.memory_space<hbm>> -> memref<128xi32, #tpu.memory_space<hbm>>
        %dma_wait3A_702 = tpu.memref_slice %arg4[%add3A_62] : memref<327680xi32, #tpu.memory_space<hbm>> -> memref<128xi32, #tpu.memory_space<hbm>>
        tpu.wait_dma2 semaphore(%run_scoped3A : memref<!tpu.dma_semaphore, #tpu.memory_space<semaphore_mem>>) src(%dma_wait3A_702 : memref<128xi32, #tpu.memory_space<hbm>>) dst(%arg11 : memref<128xi32, #tpu.memory_space<vmem>>)
        tpu.yield
      }) : () -> ()
      %dma_start3A_63 = arith.constant 0 : i32
      %dma_start3A_64 = arith.constant 0 : i32
      %dma_start3A_65 = tpu.memref_slice %arg2[%dma_start3A_63, %dma_start3A_64] : memref<10000x128xf32, #tpu.memory_space<hbm>> -> memref<10000x128xf32, #tpu.memory_space<hbm>>
      tpu.enqueue_indirect_dma source(%dma_start3A_65 : memref<10000x128xf32, #tpu.memory_space<hbm>>) target(%arg19 : memref<128x128xf32, #tpu.memory_space<vmem>>) offsets(%arg7 : memref<128xi32, #tpu.memory_space<vmem>>) semaphore(%arg25 : memref<!tpu.dma_semaphore, #tpu.memory_space<semaphore_mem>>)
      %add3A_66 = arith.constant 128 : i32
      %add3A_67 = arith.addi %add3A_58, %add3A_66 : i32
      "tpu.region"() ({
        %run_scoped3A = tpu.sem_alloc : memref<!tpu.dma_semaphore, #tpu.memory_space<semaphore_mem>>
        %dma_start3A_699 = tpu.memref_slice %arg3[%add3A_67] : memref<327680xi32, #tpu.memory_space<hbm>> -> memref<128xi32, #tpu.memory_space<hbm>>
        %dma_start3A_700 = tpu.memref_slice %arg3[%add3A_67] : memref<327680xi32, #tpu.memory_space<hbm>> -> memref<128xi32, #tpu.memory_space<hbm>>
        tpu.enqueue_dma source(%dma_start3A_700 : memref<128xi32, #tpu.memory_space<hbm>>) target(%arg8 : memref<128xi32, #tpu.memory_space<vmem>>) target_semaphore(%run_scoped3A : memref<!tpu.dma_semaphore, #tpu.memory_space<semaphore_mem>>)
        %dma_wait3A_701 = tpu.memref_slice %arg3[%add3A_67] : memref<327680xi32, #tpu.memory_space<hbm>> -> memref<128xi32, #tpu.memory_space<hbm>>
        %dma_wait3A_702 = tpu.memref_slice %arg3[%add3A_67] : memref<327680xi32, #tpu.memory_space<hbm>> -> memref<128xi32, #tpu.memory_space<hbm>>
        tpu.wait_dma2 semaphore(%run_scoped3A : memref<!tpu.dma_semaphore, #tpu.memory_space<semaphore_mem>>) src(%dma_wait3A_702 : memref<128xi32, #tpu.memory_space<hbm>>) dst(%arg8 : memref<128xi32, #tpu.memory_space<vmem>>)
        tpu.yield
      }) : () -> ()
      %add3A_68 = arith.constant 128 : i32
      %add3A_69 = arith.addi %add3A_58, %add3A_68 : i32
      "tpu.region"() ({
        %run_scoped3A = tpu.sem_alloc : memref<!tpu.dma_semaphore, #tpu.memory_space<semaphore_mem>>
        %dma_start3A_699 = tpu.memref_slice %arg4[%add3A_69] : memref<327680xi32, #tpu.memory_space<hbm>> -> memref<128xi32, #tpu.memory_space<hbm>>
        %dma_start3A_700 = tpu.memref_slice %arg4[%add3A_69] : memref<327680xi32, #tpu.memory_space<hbm>> -> memref<128xi32, #tpu.memory_space<hbm>>
        tpu.enqueue_dma source(%dma_start3A_700 : memref<128xi32, #tpu.memory_space<hbm>>) target(%arg12 : memref<128xi32, #tpu.memory_space<vmem>>) target_semaphore(%run_scoped3A : memref<!tpu.dma_semaphore, #tpu.memory_space<semaphore_mem>>)
        %dma_wait3A_701 = tpu.memref_slice %arg4[%add3A_69] : memref<327680xi32, #tpu.memory_space<hbm>> -> memref<128xi32, #tpu.memory_space<hbm>>
        %dma_wait3A_702 = tpu.memref_slice %arg4[%add3A_69] : memref<327680xi32, #tpu.memory_space<hbm>> -> memref<128xi32, #tpu.memory_space<hbm>>
        tpu.wait_dma2 semaphore(%run_scoped3A : memref<!tpu.dma_semaphore, #tpu.memory_space<semaphore_mem>>) src(%dma_wait3A_702 : memref<128xi32, #tpu.memory_space<hbm>>) dst(%arg12 : memref<128xi32, #tpu.memory_space<vmem>>)
        tpu.yield
      }) : () -> ()
      %dma_start3A_70 = arith.constant 0 : i32
      %dma_start3A_71 = arith.constant 0 : i32
      %dma_start3A_72 = tpu.memref_slice %arg2[%dma_start3A_70, %dma_start3A_71] : memref<10000x128xf32, #tpu.memory_space<hbm>> -> memref<10000x128xf32, #tpu.memory_space<hbm>>
      tpu.enqueue_indirect_dma source(%dma_start3A_72 : memref<10000x128xf32, #tpu.memory_space<hbm>>) target(%arg20 : memref<128x128xf32, #tpu.memory_space<vmem>>) offsets(%arg8 : memref<128xi32, #tpu.memory_space<vmem>>) semaphore(%arg25 : memref<!tpu.dma_semaphore, #tpu.memory_space<semaphore_mem>>)
      %add3A_73 = arith.constant 256 : i32
      %add3A_74 = arith.addi %add3A_58, %add3A_73 : i32
      "tpu.region"() ({
        %run_scoped3A = tpu.sem_alloc : memref<!tpu.dma_semaphore, #tpu.memory_space<semaphore_mem>>
        %dma_start3A_699 = tpu.memref_slice %arg3[%add3A_74] : memref<327680xi32, #tpu.memory_space<hbm>> -> memref<128xi32, #tpu.memory_space<hbm>>
        %dma_start3A_700 = tpu.memref_slice %arg3[%add3A_74] : memref<327680xi32, #tpu.memory_space<hbm>> -> memref<128xi32, #tpu.memory_space<hbm>>
        tpu.enqueue_dma source(%dma_start3A_700 : memref<128xi32, #tpu.memory_space<hbm>>) target(%arg9 : memref<128xi32, #tpu.memory_space<vmem>>) target_semaphore(%run_scoped3A : memref<!tpu.dma_semaphore, #tpu.memory_space<semaphore_mem>>)
        %dma_wait3A_701 = tpu.memref_slice %arg3[%add3A_74] : memref<327680xi32, #tpu.memory_space<hbm>> -> memref<128xi32, #tpu.memory_space<hbm>>
        %dma_wait3A_702 = tpu.memref_slice %arg3[%add3A_74] : memref<327680xi32, #tpu.memory_space<hbm>> -> memref<128xi32, #tpu.memory_space<hbm>>
        tpu.wait_dma2 semaphore(%run_scoped3A : memref<!tpu.dma_semaphore, #tpu.memory_space<semaphore_mem>>) src(%dma_wait3A_702 : memref<128xi32, #tpu.memory_space<hbm>>) dst(%arg9 : memref<128xi32, #tpu.memory_space<vmem>>)
        tpu.yield
      }) : () -> ()
      %add3A_75 = arith.constant 256 : i32
      %add3A_76 = arith.addi %add3A_58, %add3A_75 : i32
      "tpu.region"() ({
        %run_scoped3A = tpu.sem_alloc : memref<!tpu.dma_semaphore, #tpu.memory_space<semaphore_mem>>
        %dma_start3A_699 = tpu.memref_slice %arg4[%add3A_76] : memref<327680xi32, #tpu.memory_space<hbm>> -> memref<128xi32, #tpu.memory_space<hbm>>
        %dma_start3A_700 = tpu.memref_slice %arg4[%add3A_76] : memref<327680xi32, #tpu.memory_space<hbm>> -> memref<128xi32, #tpu.memory_space<hbm>>
        tpu.enqueue_dma source(%dma_start3A_700 : memref<128xi32, #tpu.memory_space<hbm>>) target(%arg13 : memref<128xi32, #tpu.memory_space<vmem>>) target_semaphore(%run_scoped3A : memref<!tpu.dma_semaphore, #tpu.memory_space<semaphore_mem>>)
        %dma_wait3A_701 = tpu.memref_slice %arg4[%add3A_76] : memref<327680xi32, #tpu.memory_space<hbm>> -> memref<128xi32, #tpu.memory_space<hbm>>
        %dma_wait3A_702 = tpu.memref_slice %arg4[%add3A_76] : memref<327680xi32, #tpu.memory_space<hbm>> -> memref<128xi32, #tpu.memory_space<hbm>>
        tpu.wait_dma2 semaphore(%run_scoped3A : memref<!tpu.dma_semaphore, #tpu.memory_space<semaphore_mem>>) src(%dma_wait3A_702 : memref<128xi32, #tpu.memory_space<hbm>>) dst(%arg13 : memref<128xi32, #tpu.memory_space<vmem>>)
        tpu.yield
      }) : () -> ()
      %dma_start3A_77 = arith.constant 0 : i32
      %dma_start3A_78 = arith.constant 0 : i32
      %dma_start3A_79 = tpu.memref_slice %arg2[%dma_start3A_77, %dma_start3A_78] : memref<10000x128xf32, #tpu.memory_space<hbm>> -> memref<10000x128xf32, #tpu.memory_space<hbm>>
      tpu.enqueue_indirect_dma source(%dma_start3A_79 : memref<10000x128xf32, #tpu.memory_space<hbm>>) target(%arg21 : memref<128x128xf32, #tpu.memory_space<vmem>>) offsets(%arg9 : memref<128xi32, #tpu.memory_space<vmem>>) semaphore(%arg25 : memref<!tpu.dma_semaphore, #tpu.memory_space<semaphore_mem>>)
      %add3A_80 = arith.constant 384 : i32
      %add3A_81 = arith.addi %add3A_58, %add3A_80 : i32
      "tpu.region"() ({
        %run_scoped3A = tpu.sem_alloc : memref<!tpu.dma_semaphore, #tpu.memory_space<semaphore_mem>>
        %dma_start3A_699 = tpu.memref_slice %arg3[%add3A_81] : memref<327680xi32, #tpu.memory_space<hbm>> -> memref<128xi32, #tpu.memory_space<hbm>>
        %dma_start3A_700 = tpu.memref_slice %arg3[%add3A_81] : memref<327680xi32, #tpu.memory_space<hbm>> -> memref<128xi32, #tpu.memory_space<hbm>>
        tpu.enqueue_dma source(%dma_start3A_700 : memref<128xi32, #tpu.memory_space<hbm>>) target(%arg10 : memref<128xi32, #tpu.memory_space<vmem>>) target_semaphore(%run_scoped3A : memref<!tpu.dma_semaphore, #tpu.memory_space<semaphore_mem>>)
        %dma_wait3A_701 = tpu.memref_slice %arg3[%add3A_81] : memref<327680xi32, #tpu.memory_space<hbm>> -> memref<128xi32, #tpu.memory_space<hbm>>
        %dma_wait3A_702 = tpu.memref_slice %arg3[%add3A_81] : memref<327680xi32, #tpu.memory_space<hbm>> -> memref<128xi32, #tpu.memory_space<hbm>>
        tpu.wait_dma2 semaphore(%run_scoped3A : memref<!tpu.dma_semaphore, #tpu.memory_space<semaphore_mem>>) src(%dma_wait3A_702 : memref<128xi32, #tpu.memory_space<hbm>>) dst(%arg10 : memref<128xi32, #tpu.memory_space<vmem>>)
        tpu.yield
      }) : () -> ()
      %add3A_82 = arith.constant 384 : i32
      %add3A_83 = arith.addi %add3A_58, %add3A_82 : i32
      "tpu.region"() ({
        %run_scoped3A = tpu.sem_alloc : memref<!tpu.dma_semaphore, #tpu.memory_space<semaphore_mem>>
        %dma_start3A_699 = tpu.memref_slice %arg4[%add3A_83] : memref<327680xi32, #tpu.memory_space<hbm>> -> memref<128xi32, #tpu.memory_space<hbm>>
        %dma_start3A_700 = tpu.memref_slice %arg4[%add3A_83] : memref<327680xi32, #tpu.memory_space<hbm>> -> memref<128xi32, #tpu.memory_space<hbm>>
        tpu.enqueue_dma source(%dma_start3A_700 : memref<128xi32, #tpu.memory_space<hbm>>) target(%arg14 : memref<128xi32, #tpu.memory_space<vmem>>) target_semaphore(%run_scoped3A : memref<!tpu.dma_semaphore, #tpu.memory_space<semaphore_mem>>)
        %dma_wait3A_701 = tpu.memref_slice %arg4[%add3A_83] : memref<327680xi32, #tpu.memory_space<hbm>> -> memref<128xi32, #tpu.memory_space<hbm>>
        %dma_wait3A_702 = tpu.memref_slice %arg4[%add3A_83] : memref<327680xi32, #tpu.memory_space<hbm>> -> memref<128xi32, #tpu.memory_space<hbm>>
        tpu.wait_dma2 semaphore(%run_scoped3A : memref<!tpu.dma_semaphore, #tpu.memory_space<semaphore_mem>>) src(%dma_wait3A_702 : memref<128xi32, #tpu.memory_space<hbm>>) dst(%arg14 : memref<128xi32, #tpu.memory_space<vmem>>)
        tpu.yield
      }) : () -> ()
      %dma_start3A_84 = arith.constant 0 : i32
      %dma_start3A_85 = arith.constant 0 : i32
      %dma_start3A_86 = tpu.memref_slice %arg2[%dma_start3A_84, %dma_start3A_85] : memref<10000x128xf32, #tpu.memory_space<hbm>> -> memref<10000x128xf32, #tpu.memory_space<hbm>>
      tpu.enqueue_indirect_dma source(%dma_start3A_86 : memref<10000x128xf32, #tpu.memory_space<hbm>>) target(%arg22 : memref<128x128xf32, #tpu.memory_space<vmem>>) offsets(%arg10 : memref<128xi32, #tpu.memory_space<vmem>>) semaphore(%arg25 : memref<!tpu.dma_semaphore, #tpu.memory_space<semaphore_mem>>)
      %get3A = arith.constant 0 : index
      %get3A_87 = tpu.vector_load %arg11[%get3A] {strides = array<i32>} : memref<128xi32, #tpu.memory_space<vmem>>, vector<16xi32>,
      %get3A_88 = vector.shape_cast %get3A_87 : vector<16xi32> to vector<16xi32>
      %sub3A = vector.broadcast %mul3A_12 : i32 to vector<16xi32>
      %sub3A_89 = arith.subi %get3A_88, %sub3A : vector<16xi32>
      %ge3A = arith.constant 0 : i32
      %ge3A_90 = vector.broadcast %ge3A : i32 to vector<16xi32>
      %ge3A_91 = arith.cmpi sge, %sub3A_89, %ge3A_90 : vector<16xi32>
      %lt3A = arith.constant 5056 : i32
      %lt3A_92 = vector.broadcast %lt3A : i32 to vector<16xi32>
      %lt3A_93 = arith.cmpi slt, %sub3A_89, %lt3A_92 : vector<16xi32>
      %and3A = arith.andi %ge3A_91, %lt3A_93 : vector<16xi1>
      %jit3A = arith.constant 5056 : i32
      %broadcast_in_dim3A_94 = vector.broadcast %jit3A : i32 to vector<16xi32>
      %select_n3A = arith.select %and3A, %sub3A_89, %broadcast_in_dim3A_94 : vector<16xi1>, vector<16xi32>
      %swap3A = arith.constant 0 : index
      %swap3A_95 = tpu.vector_load %arg15[%swap3A] {strides = array<i32>} : memref<128xi32, #tpu.memory_space<vmem>>, vector<16xi32>,
      %swap3A_96 = vector.shape_cast %swap3A_95 : vector<16xi32> to vector<16xi32>
      %swap3A_97 = vector.shape_cast %select_n3A : vector<16xi32> to vector<16xi32>
      tpu.vector_store %arg15[%swap3A], %swap3A_97 {strides = array<i32>} : memref<128xi32, #tpu.memory_space<vmem>>, vector<16xi32>,
      %get3A_98 = arith.constant 16 : index
      %get3A_99 = tpu.vector_load %arg11[%get3A_98] {strides = array<i32>} : memref<128xi32, #tpu.memory_space<vmem>>, vector<16xi32>,
      %get3A_100 = vector.shape_cast %get3A_99 : vector<16xi32> to vector<16xi32>
      %sub3A_101 = vector.broadcast %mul3A_12 : i32 to vector<16xi32>
      %sub3A_102 = arith.subi %get3A_100, %sub3A_101 : vector<16xi32>
      %ge3A_103 = arith.constant 0 : i32
      %ge3A_104 = vector.broadcast %ge3A_103 : i32 to vector<16xi32>
      %ge3A_105 = arith.cmpi sge, %sub3A_102, %ge3A_104 : vector<16xi32>
      %lt3A_106 = arith.constant 5056 : i32
      %lt3A_107 = vector.broadcast %lt3A_106 : i32 to vector<16xi32>
      %lt3A_108 = arith.cmpi slt, %sub3A_102, %lt3A_107 : vector<16xi32>
      %and3A_109 = arith.andi %ge3A_105, %lt3A_108 : vector<16xi1>
      %jit3A_110 = arith.constant 5056 : i32
      %broadcast_in_dim3A_111 = vector.broadcast %jit3A_110 : i32 to vector<16xi32>
      %select_n3A_112 = arith.select %and3A_109, %sub3A_102, %broadcast_in_dim3A_111 : vector<16xi1>, vector<16xi32>
      %swap3A_113 = arith.constant 16 : index
      %swap3A_114 = tpu.vector_load %arg15[%swap3A_113] {strides = array<i32>} : memref<128xi32, #tpu.memory_space<vmem>>, vector<16xi32>,
      %swap3A_115 = vector.shape_cast %swap3A_114 : vector<16xi32> to vector<16xi32>
      %swap3A_116 = vector.shape_cast %select_n3A_112 : vector<16xi32> to vector<16xi32>
      tpu.vector_store %arg15[%swap3A_113], %swap3A_116 {strides = array<i32>} : memref<128xi32, #tpu.memory_space<vmem>>, vector<16xi32>,
      %get3A_117 = arith.constant 32 : index
      %get3A_118 = tpu.vector_load %arg11[%get3A_117] {strides = array<i32>} : memref<128xi32, #tpu.memory_space<vmem>>, vector<16xi32>,
      %get3A_119 = vector.shape_cast %get3A_118 : vector<16xi32> to vector<16xi32>
      %sub3A_120 = vector.broadcast %mul3A_12 : i32 to vector<16xi32>
      %sub3A_121 = arith.subi %get3A_119, %sub3A_120 : vector<16xi32>
      %ge3A_122 = arith.constant 0 : i32
      %ge3A_123 = vector.broadcast %ge3A_122 : i32 to vector<16xi32>
      %ge3A_124 = arith.cmpi sge, %sub3A_121, %ge3A_123 : vector<16xi32>
      %lt3A_125 = arith.constant 5056 : i32
      %lt3A_126 = vector.broadcast %lt3A_125 : i32 to vector<16xi32>
      %lt3A_127 = arith.cmpi slt, %sub3A_121, %lt3A_126 : vector<16xi32>
      %and3A_128 = arith.andi %ge3A_124, %lt3A_127 : vector<16xi1>
      %jit3A_129 = arith.constant 5056 : i32
      %broadcast_in_dim3A_130 = vector.broadcast %jit3A_129 : i32 to vector<16xi32>
      %select_n3A_131 = arith.select %and3A_128, %sub3A_121, %broadcast_in_dim3A_130 : vector<16xi1>, vector<16xi32>
      %swap3A_132 = arith.constant 32 : index
      %swap3A_133 = tpu.vector_load %arg15[%swap3A_132] {strides = array<i32>} : memref<128xi32, #tpu.memory_space<vmem>>, vector<16xi32>,
      %swap3A_134 = vector.shape_cast %swap3A_133 : vector<16xi32> to vector<16xi32>
      %swap3A_135 = vector.shape_cast %select_n3A_131 : vector<16xi32> to vector<16xi32>
      tpu.vector_store %arg15[%swap3A_132], %swap3A_135 {strides = array<i32>} : memref<128xi32, #tpu.memory_space<vmem>>, vector<16xi32>,
      %get3A_136 = arith.constant 48 : index
      %get3A_137 = tpu.vector_load %arg11[%get3A_136] {strides = array<i32>} : memref<128xi32, #tpu.memory_space<vmem>>, vector<16xi32>,
      %get3A_138 = vector.shape_cast %get3A_137 : vector<16xi32> to vector<16xi32>
      %sub3A_139 = vector.broadcast %mul3A_12 : i32 to vector<16xi32>
      %sub3A_140 = arith.subi %get3A_138, %sub3A_139 : vector<16xi32>
      %ge3A_141 = arith.constant 0 : i32
      %ge3A_142 = vector.broadcast %ge3A_141 : i32 to vector<16xi32>
      %ge3A_143 = arith.cmpi sge, %sub3A_140, %ge3A_142 : vector<16xi32>
      %lt3A_144 = arith.constant 5056 : i32
      %lt3A_145 = vector.broadcast %lt3A_144 : i32 to vector<16xi32>
      %lt3A_146 = arith.cmpi slt, %sub3A_140, %lt3A_145 : vector<16xi32>
      %and3A_147 = arith.andi %ge3A_143, %lt3A_146 : vector<16xi1>
      %jit3A_148 = arith.constant 5056 : i32
      %broadcast_in_dim3A_149 = vector.broadcast %jit3A_148 : i32 to vector<16xi32>
      %select_n3A_150 = arith.select %and3A_147, %sub3A_140, %broadcast_in_dim3A_149 : vector<16xi1>, vector<16xi32>
      %swap3A_151 = arith.constant 48 : index
      %swap3A_152 = tpu.vector_load %arg15[%swap3A_151] {strides = array<i32>} : memref<128xi32, #tpu.memory_space<vmem>>, vector<16xi32>,
      %swap3A_153 = vector.shape_cast %swap3A_152 : vector<16xi32> to vector<16xi32>
      %swap3A_154 = vector.shape_cast %select_n3A_150 : vector<16xi32> to vector<16xi32>
      tpu.vector_store %arg15[%swap3A_151], %swap3A_154 {strides = array<i32>} : memref<128xi32, #tpu.memory_space<vmem>>, vector<16xi32>,
      %get3A_155 = arith.constant 64 : index
      %get3A_156 = tpu.vector_load %arg11[%get3A_155] {strides = array<i32>} : memref<128xi32, #tpu.memory_space<vmem>>, vector<16xi32>,
      %get3A_157 = vector.shape_cast %get3A_156 : vector<16xi32> to vector<16xi32>
      %sub3A_158 = vector.broadcast %mul3A_12 : i32 to vector<16xi32>
      %sub3A_159 = arith.subi %get3A_157, %sub3A_158 : vector<16xi32>
      %ge3A_160 = arith.constant 0 : i32
      %ge3A_161 = vector.broadcast %ge3A_160 : i32 to vector<16xi32>
      %ge3A_162 = arith.cmpi sge, %sub3A_159, %ge3A_161 : vector<16xi32>
      %lt3A_163 = arith.constant 5056 : i32
      %lt3A_164 = vector.broadcast %lt3A_163 : i32 to vector<16xi32>
      %lt3A_165 = arith.cmpi slt, %sub3A_159, %lt3A_164 : vector<16xi32>
      %and3A_166 = arith.andi %ge3A_162, %lt3A_165 : vector<16xi1>
      %jit3A_167 = arith.constant 5056 : i32
      %broadcast_in_dim3A_168 = vector.broadcast %jit3A_167 : i32 to vector<16xi32>
      %select_n3A_169 = arith.select %and3A_166, %sub3A_159, %broadcast_in_dim3A_168 : vector<16xi1>, vector<16xi32>
      %swap3A_170 = arith.constant 64 : index
      %swap3A_171 = tpu.vector_load %arg15[%swap3A_170] {strides = array<i32>} : memref<128xi32, #tpu.memory_space<vmem>>, vector<16xi32>,
      %swap3A_172 = vector.shape_cast %swap3A_171 : vector<16xi32> to vector<16xi32>
      %swap3A_173 = vector.shape_cast %select_n3A_169 : vector<16xi32> to vector<16xi32>
      tpu.vector_store %arg15[%swap3A_170], %swap3A_173 {strides = array<i32>} : memref<128xi32, #tpu.memory_space<vmem>>, vector<16xi32>,
      %get3A_174 = arith.constant 80 : index
      %get3A_175 = tpu.vector_load %arg11[%get3A_174] {strides = array<i32>} : memref<128xi32, #tpu.memory_space<vmem>>, vector<16xi32>,
      %get3A_176 = vector.shape_cast %get3A_175 : vector<16xi32> to vector<16xi32>
      %sub3A_177 = vector.broadcast %mul3A_12 : i32 to vector<16xi32>
      %sub3A_178 = arith.subi %get3A_176, %sub3A_177 : vector<16xi32>
      %ge3A_179 = arith.constant 0 : i32
      %ge3A_180 = vector.broadcast %ge3A_179 : i32 to vector<16xi32>
      %ge3A_181 = arith.cmpi sge, %sub3A_178, %ge3A_180 : vector<16xi32>
      %lt3A_182 = arith.constant 5056 : i32
      %lt3A_183 = vector.broadcast %lt3A_182 : i32 to vector<16xi32>
      %lt3A_184 = arith.cmpi slt, %sub3A_178, %lt3A_183 : vector<16xi32>
      %and3A_185 = arith.andi %ge3A_181, %lt3A_184 : vector<16xi1>
      %jit3A_186 = arith.constant 5056 : i32
      %broadcast_in_dim3A_187 = vector.broadcast %jit3A_186 : i32 to vector<16xi32>
      %select_n3A_188 = arith.select %and3A_185, %sub3A_178, %broadcast_in_dim3A_187 : vector<16xi1>, vector<16xi32>
      %swap3A_189 = arith.constant 80 : index
      %swap3A_190 = tpu.vector_load %arg15[%swap3A_189] {strides = array<i32>} : memref<128xi32, #tpu.memory_space<vmem>>, vector<16xi32>,
      %swap3A_191 = vector.shape_cast %swap3A_190 : vector<16xi32> to vector<16xi32>
      %swap3A_192 = vector.shape_cast %select_n3A_188 : vector<16xi32> to vector<16xi32>
      tpu.vector_store %arg15[%swap3A_189], %swap3A_192 {strides = array<i32>} : memref<128xi32, #tpu.memory_space<vmem>>, vector<16xi32>,
      %get3A_193 = arith.constant 96 : index
      %get3A_194 = tpu.vector_load %arg11[%get3A_193] {strides = array<i32>} : memref<128xi32, #tpu.memory_space<vmem>>, vector<16xi32>,
      %get3A_195 = vector.shape_cast %get3A_194 : vector<16xi32> to vector<16xi32>
      %sub3A_196 = vector.broadcast %mul3A_12 : i32 to vector<16xi32>
      %sub3A_197 = arith.subi %get3A_195, %sub3A_196 : vector<16xi32>
      %ge3A_198 = arith.constant 0 : i32
      %ge3A_199 = vector.broadcast %ge3A_198 : i32 to vector<16xi32>
      %ge3A_200 = arith.cmpi sge, %sub3A_197, %ge3A_199 : vector<16xi32>
      %lt3A_201 = arith.constant 5056 : i32
      %lt3A_202 = vector.broadcast %lt3A_201 : i32 to vector<16xi32>
      %lt3A_203 = arith.cmpi slt, %sub3A_197, %lt3A_202 : vector<16xi32>
      %and3A_204 = arith.andi %ge3A_200, %lt3A_203 : vector<16xi1>
      %jit3A_205 = arith.constant 5056 : i32
      %broadcast_in_dim3A_206 = vector.broadcast %jit3A_205 : i32 to vector<16xi32>
      %select_n3A_207 = arith.select %and3A_204, %sub3A_197, %broadcast_in_dim3A_206 : vector<16xi1>, vector<16xi32>
      %swap3A_208 = arith.constant 96 : index
      %swap3A_209 = tpu.vector_load %arg15[%swap3A_208] {strides = array<i32>} : memref<128xi32, #tpu.memory_space<vmem>>, vector<16xi32>,
      %swap3A_210 = vector.shape_cast %swap3A_209 : vector<16xi32> to vector<16xi32>
      %swap3A_211 = vector.shape_cast %select_n3A_207 : vector<16xi32> to vector<16xi32>
      tpu.vector_store %arg15[%swap3A_208], %swap3A_211 {strides = array<i32>} : memref<128xi32, #tpu.memory_space<vmem>>, vector<16xi32>,
      %get3A_212 = arith.constant 112 : index
      %get3A_213 = tpu.vector_load %arg11[%get3A_212] {strides = array<i32>} : memref<128xi32, #tpu.memory_space<vmem>>, vector<16xi32>,
      %get3A_214 = vector.shape_cast %get3A_213 : vector<16xi32> to vector<16xi32>
      %sub3A_215 = vector.broadcast %mul3A_12 : i32 to vector<16xi32>
      %sub3A_216 = arith.subi %get3A_214, %sub3A_215 : vector<16xi32>
      %ge3A_217 = arith.constant 0 : i32
      %ge3A_218 = vector.broadcast %ge3A_217 : i32 to vector<16xi32>
      %ge3A_219 = arith.cmpi sge, %sub3A_216, %ge3A_218 : vector<16xi32>
      %lt3A_220 = arith.constant 5056 : i32
      %lt3A_221 = vector.broadcast %lt3A_220 : i32 to vector<16xi32>
      %lt3A_222 = arith.cmpi slt, %sub3A_216, %lt3A_221 : vector<16xi32>
      %and3A_223 = arith.andi %ge3A_219, %lt3A_222 : vector<16xi1>
      %jit3A_224 = arith.constant 5056 : i32
      %broadcast_in_dim3A_225 = vector.broadcast %jit3A_224 : i32 to vector<16xi32>
      %select_n3A_226 = arith.select %and3A_223, %sub3A_216, %broadcast_in_dim3A_225 : vector<16xi1>, vector<16xi32>
      %swap3A_227 = arith.constant 112 : index
      %swap3A_228 = tpu.vector_load %arg15[%swap3A_227] {strides = array<i32>} : memref<128xi32, #tpu.memory_space<vmem>>, vector<16xi32>,
      %swap3A_229 = vector.shape_cast %swap3A_228 : vector<16xi32> to vector<16xi32>
      %swap3A_230 = vector.shape_cast %select_n3A_226 : vector<16xi32> to vector<16xi32>
      tpu.vector_store %arg15[%swap3A_227], %swap3A_230 {strides = array<i32>} : memref<128xi32, #tpu.memory_space<vmem>>, vector<16xi32>,
      %get3A_231 = arith.constant 0 : index
      %get3A_232 = tpu.vector_load %arg12[%get3A_231] {strides = array<i32>} : memref<128xi32, #tpu.memory_space<vmem>>, vector<16xi32>,
      %get3A_233 = vector.shape_cast %get3A_232 : vector<16xi32> to vector<16xi32>
      %sub3A_234 = vector.broadcast %mul3A_12 : i32 to vector<16xi32>
      %sub3A_235 = arith.subi %get3A_233, %sub3A_234 : vector<16xi32>
      %ge3A_236 = arith.constant 0 : i32
      %ge3A_237 = vector.broadcast %ge3A_236 : i32 to vector<16xi32>
      %ge3A_238 = arith.cmpi sge, %sub3A_235, %ge3A_237 : vector<16xi32>
      %lt3A_239 = arith.constant 5056 : i32
      %lt3A_240 = vector.broadcast %lt3A_239 : i32 to vector<16xi32>
      %lt3A_241 = arith.cmpi slt, %sub3A_235, %lt3A_240 : vector<16xi32>
      %and3A_242 = arith.andi %ge3A_238, %lt3A_241 : vector<16xi1>
      %jit3A_243 = arith.constant 5056 : i32
      %broadcast_in_dim3A_244 = vector.broadcast %jit3A_243 : i32 to vector<16xi32>
      %select_n3A_245 = arith.select %and3A_242, %sub3A_235, %broadcast_in_dim3A_244 : vector<16xi1>, vector<16xi32>
      %swap3A_246 = arith.constant 0 : index
      %swap3A_247 = tpu.vector_load %arg16[%swap3A_246] {strides = array<i32>} : memref<128xi32, #tpu.memory_space<vmem>>, vector<16xi32>,
      %swap3A_248 = vector.shape_cast %swap3A_247 : vector<16xi32> to vector<16xi32>
      %swap3A_249 = vector.shape_cast %select_n3A_245 : vector<16xi32> to vector<16xi32>
      tpu.vector_store %arg16[%swap3A_246], %swap3A_249 {strides = array<i32>} : memref<128xi32, #tpu.memory_space<vmem>>, vector<16xi32>,
      %get3A_250 = arith.constant 16 : index
      %get3A_251 = tpu.vector_load %arg12[%get3A_250] {strides = array<i32>} : memref<128xi32, #tpu.memory_space<vmem>>, vector<16xi32>,
      %get3A_252 = vector.shape_cast %get3A_251 : vector<16xi32> to vector<16xi32>
      %sub3A_253 = vector.broadcast %mul3A_12 : i32 to vector<16xi32>
      %sub3A_254 = arith.subi %get3A_252, %sub3A_253 : vector<16xi32>
      %ge3A_255 = arith.constant 0 : i32
      %ge3A_256 = vector.broadcast %ge3A_255 : i32 to vector<16xi32>
      %ge3A_257 = arith.cmpi sge, %sub3A_254, %ge3A_256 : vector<16xi32>
      %lt3A_258 = arith.constant 5056 : i32
      %lt3A_259 = vector.broadcast %lt3A_258 : i32 to vector<16xi32>
      %lt3A_260 = arith.cmpi slt, %sub3A_254, %lt3A_259 : vector<16xi32>
      %and3A_261 = arith.andi %ge3A_257, %lt3A_260 : vector<16xi1>
      %jit3A_262 = arith.constant 5056 : i32
      %broadcast_in_dim3A_263 = vector.broadcast %jit3A_262 : i32 to vector<16xi32>
      %select_n3A_264 = arith.select %and3A_261, %sub3A_254, %broadcast_in_dim3A_263 : vector<16xi1>, vector<16xi32>
      %swap3A_265 = arith.constant 16 : index
      %swap3A_266 = tpu.vector_load %arg16[%swap3A_265] {strides = array<i32>} : memref<128xi32, #tpu.memory_space<vmem>>, vector<16xi32>,
      %swap3A_267 = vector.shape_cast %swap3A_266 : vector<16xi32> to vector<16xi32>
      %swap3A_268 = vector.shape_cast %select_n3A_264 : vector<16xi32> to vector<16xi32>
      tpu.vector_store %arg16[%swap3A_265], %swap3A_268 {strides = array<i32>} : memref<128xi32, #tpu.memory_space<vmem>>, vector<16xi32>,
      %get3A_269 = arith.constant 32 : index
      %get3A_270 = tpu.vector_load %arg12[%get3A_269] {strides = array<i32>} : memref<128xi32, #tpu.memory_space<vmem>>, vector<16xi32>,
      %get3A_271 = vector.shape_cast %get3A_270 : vector<16xi32> to vector<16xi32>
      %sub3A_272 = vector.broadcast %mul3A_12 : i32 to vector<16xi32>
      %sub3A_273 = arith.subi %get3A_271, %sub3A_272 : vector<16xi32>
      %ge3A_274 = arith.constant 0 : i32
      %ge3A_275 = vector.broadcast %ge3A_274 : i32 to vector<16xi32>
      %ge3A_276 = arith.cmpi sge, %sub3A_273, %ge3A_275 : vector<16xi32>
      %lt3A_277 = arith.constant 5056 : i32
      %lt3A_278 = vector.broadcast %lt3A_277 : i32 to vector<16xi32>
      %lt3A_279 = arith.cmpi slt, %sub3A_273, %lt3A_278 : vector<16xi32>
      %and3A_280 = arith.andi %ge3A_276, %lt3A_279 : vector<16xi1>
      %jit3A_281 = arith.constant 5056 : i32
      %broadcast_in_dim3A_282 = vector.broadcast %jit3A_281 : i32 to vector<16xi32>
      %select_n3A_283 = arith.select %and3A_280, %sub3A_273, %broadcast_in_dim3A_282 : vector<16xi1>, vector<16xi32>
      %swap3A_284 = arith.constant 32 : index
      %swap3A_285 = tpu.vector_load %arg16[%swap3A_284] {strides = array<i32>} : memref<128xi32, #tpu.memory_space<vmem>>, vector<16xi32>,
      %swap3A_286 = vector.shape_cast %swap3A_285 : vector<16xi32> to vector<16xi32>
      %swap3A_287 = vector.shape_cast %select_n3A_283 : vector<16xi32> to vector<16xi32>
      tpu.vector_store %arg16[%swap3A_284], %swap3A_287 {strides = array<i32>} : memref<128xi32, #tpu.memory_space<vmem>>, vector<16xi32>,
      %get3A_288 = arith.constant 48 : index
      %get3A_289 = tpu.vector_load %arg12[%get3A_288] {strides = array<i32>} : memref<128xi32, #tpu.memory_space<vmem>>, vector<16xi32>,
      %get3A_290 = vector.shape_cast %get3A_289 : vector<16xi32> to vector<16xi32>
      %sub3A_291 = vector.broadcast %mul3A_12 : i32 to vector<16xi32>
      %sub3A_292 = arith.subi %get3A_290, %sub3A_291 : vector<16xi32>
      %ge3A_293 = arith.constant 0 : i32
      %ge3A_294 = vector.broadcast %ge3A_293 : i32 to vector<16xi32>
      %ge3A_295 = arith.cmpi sge, %sub3A_292, %ge3A_294 : vector<16xi32>
      %lt3A_296 = arith.constant 5056 : i32
      %lt3A_297 = vector.broadcast %lt3A_296 : i32 to vector<16xi32>
      %lt3A_298 = arith.cmpi slt, %sub3A_292, %lt3A_297 : vector<16xi32>
      %and3A_299 = arith.andi %ge3A_295, %lt3A_298 : vector<16xi1>
      %jit3A_300 = arith.constant 5056 : i32
      %broadcast_in_dim3A_301 = vector.broadcast %jit3A_300 : i32 to vector<16xi32>
      %select_n3A_302 = arith.select %and3A_299, %sub3A_292, %broadcast_in_dim3A_301 : vector<16xi1>, vector<16xi32>
      %swap3A_303 = arith.constant 48 : index
      %swap3A_304 = tpu.vector_load %arg16[%swap3A_303] {strides = array<i32>} : memref<128xi32, #tpu.memory_space<vmem>>, vector<16xi32>,
      %swap3A_305 = vector.shape_cast %swap3A_304 : vector<16xi32> to vector<16xi32>
      %swap3A_306 = vector.shape_cast %select_n3A_302 : vector<16xi32> to vector<16xi32>
      tpu.vector_store %arg16[%swap3A_303], %swap3A_306 {strides = array<i32>} : memref<128xi32, #tpu.memory_space<vmem>>, vector<16xi32>,
      %get3A_307 = arith.constant 64 : index
      %get3A_308 = tpu.vector_load %arg12[%get3A_307] {strides = array<i32>} : memref<128xi32, #tpu.memory_space<vmem>>, vector<16xi32>,
      %get3A_309 = vector.shape_cast %get3A_308 : vector<16xi32> to vector<16xi32>
      %sub3A_310 = vector.broadcast %mul3A_12 : i32 to vector<16xi32>
      %sub3A_311 = arith.subi %get3A_309, %sub3A_310 : vector<16xi32>
      %ge3A_312 = arith.constant 0 : i32
      %ge3A_313 = vector.broadcast %ge3A_312 : i32 to vector<16xi32>
      %ge3A_314 = arith.cmpi sge, %sub3A_311, %ge3A_313 : vector<16xi32>
      %lt3A_315 = arith.constant 5056 : i32
      %lt3A_316 = vector.broadcast %lt3A_315 : i32 to vector<16xi32>
      %lt3A_317 = arith.cmpi slt, %sub3A_311, %lt3A_316 : vector<16xi32>
      %and3A_318 = arith.andi %ge3A_314, %lt3A_317 : vector<16xi1>
      %jit3A_319 = arith.constant 5056 : i32
      %broadcast_in_dim3A_320 = vector.broadcast %jit3A_319 : i32 to vector<16xi32>
      %select_n3A_321 = arith.select %and3A_318, %sub3A_311, %broadcast_in_dim3A_320 : vector<16xi1>, vector<16xi32>
      %swap3A_322 = arith.constant 64 : index
      %swap3A_323 = tpu.vector_load %arg16[%swap3A_322] {strides = array<i32>} : memref<128xi32, #tpu.memory_space<vmem>>, vector<16xi32>,
      %swap3A_324 = vector.shape_cast %swap3A_323 : vector<16xi32> to vector<16xi32>
      %swap3A_325 = vector.shape_cast %select_n3A_321 : vector<16xi32> to vector<16xi32>
      tpu.vector_store %arg16[%swap3A_322], %swap3A_325 {strides = array<i32>} : memref<128xi32, #tpu.memory_space<vmem>>, vector<16xi32>,
      %get3A_326 = arith.constant 80 : index
      %get3A_327 = tpu.vector_load %arg12[%get3A_326] {strides = array<i32>} : memref<128xi32, #tpu.memory_space<vmem>>, vector<16xi32>,
      %get3A_328 = vector.shape_cast %get3A_327 : vector<16xi32> to vector<16xi32>
      %sub3A_329 = vector.broadcast %mul3A_12 : i32 to vector<16xi32>
      %sub3A_330 = arith.subi %get3A_328, %sub3A_329 : vector<16xi32>
      %ge3A_331 = arith.constant 0 : i32
      %ge3A_332 = vector.broadcast %ge3A_331 : i32 to vector<16xi32>
      %ge3A_333 = arith.cmpi sge, %sub3A_330, %ge3A_332 : vector<16xi32>
      %lt3A_334 = arith.constant 5056 : i32
      %lt3A_335 = vector.broadcast %lt3A_334 : i32 to vector<16xi32>
      %lt3A_336 = arith.cmpi slt, %sub3A_330, %lt3A_335 : vector<16xi32>
      %and3A_337 = arith.andi %ge3A_333, %lt3A_336 : vector<16xi1>
      %jit3A_338 = arith.constant 5056 : i32
      %broadcast_in_dim3A_339 = vector.broadcast %jit3A_338 : i32 to vector<16xi32>
      %select_n3A_340 = arith.select %and3A_337, %sub3A_330, %broadcast_in_dim3A_339 : vector<16xi1>, vector<16xi32>
      %swap3A_341 = arith.constant 80 : index
      %swap3A_342 = tpu.vector_load %arg16[%swap3A_341] {strides = array<i32>} : memref<128xi32, #tpu.memory_space<vmem>>, vector<16xi32>,
      %swap3A_343 = vector.shape_cast %swap3A_342 : vector<16xi32> to vector<16xi32>
      %swap3A_344 = vector.shape_cast %select_n3A_340 : vector<16xi32> to vector<16xi32>
      tpu.vector_store %arg16[%swap3A_341], %swap3A_344 {strides = array<i32>} : memref<128xi32, #tpu.memory_space<vmem>>, vector<16xi32>,
      %get3A_345 = arith.constant 96 : index
      %get3A_346 = tpu.vector_load %arg12[%get3A_345] {strides = array<i32>} : memref<128xi32, #tpu.memory_space<vmem>>, vector<16xi32>,
      %get3A_347 = vector.shape_cast %get3A_346 : vector<16xi32> to vector<16xi32>
      %sub3A_348 = vector.broadcast %mul3A_12 : i32 to vector<16xi32>
      %sub3A_349 = arith.subi %get3A_347, %sub3A_348 : vector<16xi32>
      %ge3A_350 = arith.constant 0 : i32
      %ge3A_351 = vector.broadcast %ge3A_350 : i32 to vector<16xi32>
      %ge3A_352 = arith.cmpi sge, %sub3A_349, %ge3A_351 : vector<16xi32>
      %lt3A_353 = arith.constant 5056 : i32
      %lt3A_354 = vector.broadcast %lt3A_353 : i32 to vector<16xi32>
      %lt3A_355 = arith.cmpi slt, %sub3A_349, %lt3A_354 : vector<16xi32>
      %and3A_356 = arith.andi %ge3A_352, %lt3A_355 : vector<16xi1>
      %jit3A_357 = arith.constant 5056 : i32
      %broadcast_in_dim3A_358 = vector.broadcast %jit3A_357 : i32 to vector<16xi32>
      %select_n3A_359 = arith.select %and3A_356, %sub3A_349, %broadcast_in_dim3A_358 : vector<16xi1>, vector<16xi32>
      %swap3A_360 = arith.constant 96 : index
      %swap3A_361 = tpu.vector_load %arg16[%swap3A_360] {strides = array<i32>} : memref<128xi32, #tpu.memory_space<vmem>>, vector<16xi32>,
      %swap3A_362 = vector.shape_cast %swap3A_361 : vector<16xi32> to vector<16xi32>
      %swap3A_363 = vector.shape_cast %select_n3A_359 : vector<16xi32> to vector<16xi32>
      tpu.vector_store %arg16[%swap3A_360], %swap3A_363 {strides = array<i32>} : memref<128xi32, #tpu.memory_space<vmem>>, vector<16xi32>,
      %get3A_364 = arith.constant 112 : index
      %get3A_365 = tpu.vector_load %arg12[%get3A_364] {strides = array<i32>} : memref<128xi32, #tpu.memory_space<vmem>>, vector<16xi32>,
      %get3A_366 = vector.shape_cast %get3A_365 : vector<16xi32> to vector<16xi32>
      %sub3A_367 = vector.broadcast %mul3A_12 : i32 to vector<16xi32>
      %sub3A_368 = arith.subi %get3A_366, %sub3A_367 : vector<16xi32>
      %ge3A_369 = arith.constant 0 : i32
      %ge3A_370 = vector.broadcast %ge3A_369 : i32 to vector<16xi32>
      %ge3A_371 = arith.cmpi sge, %sub3A_368, %ge3A_370 : vector<16xi32>
      %lt3A_372 = arith.constant 5056 : i32
      %lt3A_373 = vector.broadcast %lt3A_372 : i32 to vector<16xi32>
      %lt3A_374 = arith.cmpi slt, %sub3A_368, %lt3A_373 : vector<16xi32>
      %and3A_375 = arith.andi %ge3A_371, %lt3A_374 : vector<16xi1>
      %jit3A_376 = arith.constant 5056 : i32
      %broadcast_in_dim3A_377 = vector.broadcast %jit3A_376 : i32 to vector<16xi32>
      %select_n3A_378 = arith.select %and3A_375, %sub3A_368, %broadcast_in_dim3A_377 : vector<16xi1>, vector<16xi32>
      %swap3A_379 = arith.constant 112 : index
      %swap3A_380 = tpu.vector_load %arg16[%swap3A_379] {strides = array<i32>} : memref<128xi32, #tpu.memory_space<vmem>>, vector<16xi32>,
      %swap3A_381 = vector.shape_cast %swap3A_380 : vector<16xi32> to vector<16xi32>
      %swap3A_382 = vector.shape_cast %select_n3A_378 : vector<16xi32> to vector<16xi32>
      tpu.vector_store %arg16[%swap3A_379], %swap3A_382 {strides = array<i32>} : memref<128xi32, #tpu.memory_space<vmem>>, vector<16xi32>,
      %get3A_383 = arith.constant 0 : index
      %get3A_384 = tpu.vector_load %arg13[%get3A_383] {strides = array<i32>} : memref<128xi32, #tpu.memory_space<vmem>>, vector<16xi32>,
      %get3A_385 = vector.shape_cast %get3A_384 : vector<16xi32> to vector<16xi32>
      %sub3A_386 = vector.broadcast %mul3A_12 : i32 to vector<16xi32>
      %sub3A_387 = arith.subi %get3A_385, %sub3A_386 : vector<16xi32>
      %ge3A_388 = arith.constant 0 : i32
      %ge3A_389 = vector.broadcast %ge3A_388 : i32 to vector<16xi32>
      %ge3A_390 = arith.cmpi sge, %sub3A_387, %ge3A_389 : vector<16xi32>
      %lt3A_391 = arith.constant 5056 : i32
      %lt3A_392 = vector.broadcast %lt3A_391 : i32 to vector<16xi32>
      %lt3A_393 = arith.cmpi slt, %sub3A_387, %lt3A_392 : vector<16xi32>
      %and3A_394 = arith.andi %ge3A_390, %lt3A_393 : vector<16xi1>
      %jit3A_395 = arith.constant 5056 : i32
      %broadcast_in_dim3A_396 = vector.broadcast %jit3A_395 : i32 to vector<16xi32>
      %select_n3A_397 = arith.select %and3A_394, %sub3A_387, %broadcast_in_dim3A_396 : vector<16xi1>, vector<16xi32>
      %swap3A_398 = arith.constant 0 : index
      %swap3A_399 = tpu.vector_load %arg17[%swap3A_398] {strides = array<i32>} : memref<128xi32, #tpu.memory_space<vmem>>, vector<16xi32>,
      %swap3A_400 = vector.shape_cast %swap3A_399 : vector<16xi32> to vector<16xi32>
      %swap3A_401 = vector.shape_cast %select_n3A_397 : vector<16xi32> to vector<16xi32>
      tpu.vector_store %arg17[%swap3A_398], %swap3A_401 {strides = array<i32>} : memref<128xi32, #tpu.memory_space<vmem>>, vector<16xi32>,
      %get3A_402 = arith.constant 16 : index
      %get3A_403 = tpu.vector_load %arg13[%get3A_402] {strides = array<i32>} : memref<128xi32, #tpu.memory_space<vmem>>, vector<16xi32>,
      %get3A_404 = vector.shape_cast %get3A_403 : vector<16xi32> to vector<16xi32>
      %sub3A_405 = vector.broadcast %mul3A_12 : i32 to vector<16xi32>
      %sub3A_406 = arith.subi %get3A_404, %sub3A_405 : vector<16xi32>
      %ge3A_407 = arith.constant 0 : i32
      %ge3A_408 = vector.broadcast %ge3A_407 : i32 to vector<16xi32>
      %ge3A_409 = arith.cmpi sge, %sub3A_406, %ge3A_408 : vector<16xi32>
      %lt3A_410 = arith.constant 5056 : i32
      %lt3A_411 = vector.broadcast %lt3A_410 : i32 to vector<16xi32>
      %lt3A_412 = arith.cmpi slt, %sub3A_406, %lt3A_411 : vector<16xi32>
      %and3A_413 = arith.andi %ge3A_409, %lt3A_412 : vector<16xi1>
      %jit3A_414 = arith.constant 5056 : i32
      %broadcast_in_dim3A_415 = vector.broadcast %jit3A_414 : i32 to vector<16xi32>
      %select_n3A_416 = arith.select %and3A_413, %sub3A_406, %broadcast_in_dim3A_415 : vector<16xi1>, vector<16xi32>
      %swap3A_417 = arith.constant 16 : index
      %swap3A_418 = tpu.vector_load %arg17[%swap3A_417] {strides = array<i32>} : memref<128xi32, #tpu.memory_space<vmem>>, vector<16xi32>,
      %swap3A_419 = vector.shape_cast %swap3A_418 : vector<16xi32> to vector<16xi32>
      %swap3A_420 = vector.shape_cast %select_n3A_416 : vector<16xi32> to vector<16xi32>
      tpu.vector_store %arg17[%swap3A_417], %swap3A_420 {strides = array<i32>} : memref<128xi32, #tpu.memory_space<vmem>>, vector<16xi32>,
      %get3A_421 = arith.constant 32 : index
      %get3A_422 = tpu.vector_load %arg13[%get3A_421] {strides = array<i32>} : memref<128xi32, #tpu.memory_space<vmem>>, vector<16xi32>,
      %get3A_423 = vector.shape_cast %get3A_422 : vector<16xi32> to vector<16xi32>
      %sub3A_424 = vector.broadcast %mul3A_12 : i32 to vector<16xi32>
      %sub3A_425 = arith.subi %get3A_423, %sub3A_424 : vector<16xi32>
      %ge3A_426 = arith.constant 0 : i32
      %ge3A_427 = vector.broadcast %ge3A_426 : i32 to vector<16xi32>
      %ge3A_428 = arith.cmpi sge, %sub3A_425, %ge3A_427 : vector<16xi32>
      %lt3A_429 = arith.constant 5056 : i32
      %lt3A_430 = vector.broadcast %lt3A_429 : i32 to vector<16xi32>
      %lt3A_431 = arith.cmpi slt, %sub3A_425, %lt3A_430 : vector<16xi32>
      %and3A_432 = arith.andi %ge3A_428, %lt3A_431 : vector<16xi1>
      %jit3A_433 = arith.constant 5056 : i32
      %broadcast_in_dim3A_434 = vector.broadcast %jit3A_433 : i32 to vector<16xi32>
      %select_n3A_435 = arith.select %and3A_432, %sub3A_425, %broadcast_in_dim3A_434 : vector<16xi1>, vector<16xi32>
      %swap3A_436 = arith.constant 32 : index
      %swap3A_437 = tpu.vector_load %arg17[%swap3A_436] {strides = array<i32>} : memref<128xi32, #tpu.memory_space<vmem>>, vector<16xi32>,
      %swap3A_438 = vector.shape_cast %swap3A_437 : vector<16xi32> to vector<16xi32>
      %swap3A_439 = vector.shape_cast %select_n3A_435 : vector<16xi32> to vector<16xi32>
      tpu.vector_store %arg17[%swap3A_436], %swap3A_439 {strides = array<i32>} : memref<128xi32, #tpu.memory_space<vmem>>, vector<16xi32>,
      %get3A_440 = arith.constant 48 : index
      %get3A_441 = tpu.vector_load %arg13[%get3A_440] {strides = array<i32>} : memref<128xi32, #tpu.memory_space<vmem>>, vector<16xi32>,
      %get3A_442 = vector.shape_cast %get3A_441 : vector<16xi32> to vector<16xi32>
      %sub3A_443 = vector.broadcast %mul3A_12 : i32 to vector<16xi32>
      %sub3A_444 = arith.subi %get3A_442, %sub3A_443 : vector<16xi32>
      %ge3A_445 = arith.constant 0 : i32
      %ge3A_446 = vector.broadcast %ge3A_445 : i32 to vector<16xi32>
      %ge3A_447 = arith.cmpi sge, %sub3A_444, %ge3A_446 : vector<16xi32>
      %lt3A_448 = arith.constant 5056 : i32
      %lt3A_449 = vector.broadcast %lt3A_448 : i32 to vector<16xi32>
      %lt3A_450 = arith.cmpi slt, %sub3A_444, %lt3A_449 : vector<16xi32>
      %and3A_451 = arith.andi %ge3A_447, %lt3A_450 : vector<16xi1>
      %jit3A_452 = arith.constant 5056 : i32
      %broadcast_in_dim3A_453 = vector.broadcast %jit3A_452 : i32 to vector<16xi32>
      %select_n3A_454 = arith.select %and3A_451, %sub3A_444, %broadcast_in_dim3A_453 : vector<16xi1>, vector<16xi32>
      %swap3A_455 = arith.constant 48 : index
      %swap3A_456 = tpu.vector_load %arg17[%swap3A_455] {strides = array<i32>} : memref<128xi32, #tpu.memory_space<vmem>>, vector<16xi32>,
      %swap3A_457 = vector.shape_cast %swap3A_456 : vector<16xi32> to vector<16xi32>
      %swap3A_458 = vector.shape_cast %select_n3A_454 : vector<16xi32> to vector<16xi32>
      tpu.vector_store %arg17[%swap3A_455], %swap3A_458 {strides = array<i32>} : memref<128xi32, #tpu.memory_space<vmem>>, vector<16xi32>,
      %get3A_459 = arith.constant 64 : index
      %get3A_460 = tpu.vector_load %arg13[%get3A_459] {strides = array<i32>} : memref<128xi32, #tpu.memory_space<vmem>>, vector<16xi32>,
      %get3A_461 = vector.shape_cast %get3A_460 : vector<16xi32> to vector<16xi32>
      %sub3A_462 = vector.broadcast %mul3A_12 : i32 to vector<16xi32>
      %sub3A_463 = arith.subi %get3A_461, %sub3A_462 : vector<16xi32>
      %ge3A_464 = arith.constant 0 : i32
      %ge3A_465 = vector.broadcast %ge3A_464 : i32 to vector<16xi32>
      %ge3A_466 = arith.cmpi sge, %sub3A_463, %ge3A_465 : vector<16xi32>
      %lt3A_467 = arith.constant 5056 : i32
      %lt3A_468 = vector.broadcast %lt3A_467 : i32 to vector<16xi32>
      %lt3A_469 = arith.cmpi slt, %sub3A_463, %lt3A_468 : vector<16xi32>
      %and3A_470 = arith.andi %ge3A_466, %lt3A_469 : vector<16xi1>
      %jit3A_471 = arith.constant 5056 : i32
      %broadcast_in_dim3A_472 = vector.broadcast %jit3A_471 : i32 to vector<16xi32>
      %select_n3A_473 = arith.select %and3A_470, %sub3A_463, %broadcast_in_dim3A_472 : vector<16xi1>, vector<16xi32>
      %swap3A_474 = arith.constant 64 : index
      %swap3A_475 = tpu.vector_load %arg17[%swap3A_474] {strides = array<i32>} : memref<128xi32, #tpu.memory_space<vmem>>, vector<16xi32>,
      %swap3A_476 = vector.shape_cast %swap3A_475 : vector<16xi32> to vector<16xi32>
      %swap3A_477 = vector.shape_cast %select_n3A_473 : vector<16xi32> to vector<16xi32>
      tpu.vector_store %arg17[%swap3A_474], %swap3A_477 {strides = array<i32>} : memref<128xi32, #tpu.memory_space<vmem>>, vector<16xi32>,
      %get3A_478 = arith.constant 80 : index
      %get3A_479 = tpu.vector_load %arg13[%get3A_478] {strides = array<i32>} : memref<128xi32, #tpu.memory_space<vmem>>, vector<16xi32>,
      %get3A_480 = vector.shape_cast %get3A_479 : vector<16xi32> to vector<16xi32>
      %sub3A_481 = vector.broadcast %mul3A_12 : i32 to vector<16xi32>
      %sub3A_482 = arith.subi %get3A_480, %sub3A_481 : vector<16xi32>
      %ge3A_483 = arith.constant 0 : i32
      %ge3A_484 = vector.broadcast %ge3A_483 : i32 to vector<16xi32>
      %ge3A_485 = arith.cmpi sge, %sub3A_482, %ge3A_484 : vector<16xi32>
      %lt3A_486 = arith.constant 5056 : i32
      %lt3A_487 = vector.broadcast %lt3A_486 : i32 to vector<16xi32>
      %lt3A_488 = arith.cmpi slt, %sub3A_482, %lt3A_487 : vector<16xi32>
      %and3A_489 = arith.andi %ge3A_485, %lt3A_488 : vector<16xi1>
      %jit3A_490 = arith.constant 5056 : i32
      %broadcast_in_dim3A_491 = vector.broadcast %jit3A_490 : i32 to vector<16xi32>
      %select_n3A_492 = arith.select %and3A_489, %sub3A_482, %broadcast_in_dim3A_491 : vector<16xi1>, vector<16xi32>
      %swap3A_493 = arith.constant 80 : index
      %swap3A_494 = tpu.vector_load %arg17[%swap3A_493] {strides = array<i32>} : memref<128xi32, #tpu.memory_space<vmem>>, vector<16xi32>,
      %swap3A_495 = vector.shape_cast %swap3A_494 : vector<16xi32> to vector<16xi32>
      %swap3A_496 = vector.shape_cast %select_n3A_492 : vector<16xi32> to vector<16xi32>
      tpu.vector_store %arg17[%swap3A_493], %swap3A_496 {strides = array<i32>} : memref<128xi32, #tpu.memory_space<vmem>>, vector<16xi32>,
      %get3A_497 = arith.constant 96 : index
      %get3A_498 = tpu.vector_load %arg13[%get3A_497] {strides = array<i32>} : memref<128xi32, #tpu.memory_space<vmem>>, vector<16xi32>,
      %get3A_499 = vector.shape_cast %get3A_498 : vector<16xi32> to vector<16xi32>
      %sub3A_500 = vector.broadcast %mul3A_12 : i32 to vector<16xi32>
      %sub3A_501 = arith.subi %get3A_499, %sub3A_500 : vector<16xi32>
      %ge3A_502 = arith.constant 0 : i32
      %ge3A_503 = vector.broadcast %ge3A_502 : i32 to vector<16xi32>
      %ge3A_504 = arith.cmpi sge, %sub3A_501, %ge3A_503 : vector<16xi32>
      %lt3A_505 = arith.constant 5056 : i32
      %lt3A_506 = vector.broadcast %lt3A_505 : i32 to vector<16xi32>
      %lt3A_507 = arith.cmpi slt, %sub3A_501, %lt3A_506 : vector<16xi32>
      %and3A_508 = arith.andi %ge3A_504, %lt3A_507 : vector<16xi1>
      %jit3A_509 = arith.constant 5056 : i32
      %broadcast_in_dim3A_510 = vector.broadcast %jit3A_509 : i32 to vector<16xi32>
      %select_n3A_511 = arith.select %and3A_508, %sub3A_501, %broadcast_in_dim3A_510 : vector<16xi1>, vector<16xi32>
      %swap3A_512 = arith.constant 96 : index
      %swap3A_513 = tpu.vector_load %arg17[%swap3A_512] {strides = array<i32>} : memref<128xi32, #tpu.memory_space<vmem>>, vector<16xi32>,
      %swap3A_514 = vector.shape_cast %swap3A_513 : vector<16xi32> to vector<16xi32>
      %swap3A_515 = vector.shape_cast %select_n3A_511 : vector<16xi32> to vector<16xi32>
      tpu.vector_store %arg17[%swap3A_512], %swap3A_515 {strides = array<i32>} : memref<128xi32, #tpu.memory_space<vmem>>, vector<16xi32>,
      %get3A_516 = arith.constant 112 : index
      %get3A_517 = tpu.vector_load %arg13[%get3A_516] {strides = array<i32>} : memref<128xi32, #tpu.memory_space<vmem>>, vector<16xi32>,
      %get3A_518 = vector.shape_cast %get3A_517 : vector<16xi32> to vector<16xi32>
      %sub3A_519 = vector.broadcast %mul3A_12 : i32 to vector<16xi32>
      %sub3A_520 = arith.subi %get3A_518, %sub3A_519 : vector<16xi32>
      %ge3A_521 = arith.constant 0 : i32
      %ge3A_522 = vector.broadcast %ge3A_521 : i32 to vector<16xi32>
      %ge3A_523 = arith.cmpi sge, %sub3A_520, %ge3A_522 : vector<16xi32>
      %lt3A_524 = arith.constant 5056 : i32
      %lt3A_525 = vector.broadcast %lt3A_524 : i32 to vector<16xi32>
      %lt3A_526 = arith.cmpi slt, %sub3A_520, %lt3A_525 : vector<16xi32>
      %and3A_527 = arith.andi %ge3A_523, %lt3A_526 : vector<16xi1>
      %jit3A_528 = arith.constant 5056 : i32
      %broadcast_in_dim3A_529 = vector.broadcast %jit3A_528 : i32 to vector<16xi32>
      %select_n3A_530 = arith.select %and3A_527, %sub3A_520, %broadcast_in_dim3A_529 : vector<16xi1>, vector<16xi32>
      %swap3A_531 = arith.constant 112 : index
      %swap3A_532 = tpu.vector_load %arg17[%swap3A_531] {strides = array<i32>} : memref<128xi32, #tpu.memory_space<vmem>>, vector<16xi32>,
      %swap3A_533 = vector.shape_cast %swap3A_532 : vector<16xi32> to vector<16xi32>
      %swap3A_534 = vector.shape_cast %select_n3A_530 : vector<16xi32> to vector<16xi32>
      tpu.vector_store %arg17[%swap3A_531], %swap3A_534 {strides = array<i32>} : memref<128xi32, #tpu.memory_space<vmem>>, vector<16xi32>,
      %get3A_535 = arith.constant 0 : index
      %get3A_536 = tpu.vector_load %arg14[%get3A_535] {strides = array<i32>} : memref<128xi32, #tpu.memory_space<vmem>>, vector<16xi32>,
      %get3A_537 = vector.shape_cast %get3A_536 : vector<16xi32> to vector<16xi32>
      %sub3A_538 = vector.broadcast %mul3A_12 : i32 to vector<16xi32>
      %sub3A_539 = arith.subi %get3A_537, %sub3A_538 : vector<16xi32>
      %ge3A_540 = arith.constant 0 : i32
      %ge3A_541 = vector.broadcast %ge3A_540 : i32 to vector<16xi32>
      %ge3A_542 = arith.cmpi sge, %sub3A_539, %ge3A_541 : vector<16xi32>
      %lt3A_543 = arith.constant 5056 : i32
      %lt3A_544 = vector.broadcast %lt3A_543 : i32 to vector<16xi32>
      %lt3A_545 = arith.cmpi slt, %sub3A_539, %lt3A_544 : vector<16xi32>
      %and3A_546 = arith.andi %ge3A_542, %lt3A_545 : vector<16xi1>
      %jit3A_547 = arith.constant 5056 : i32
      %broadcast_in_dim3A_548 = vector.broadcast %jit3A_547 : i32 to vector<16xi32>
      %select_n3A_549 = arith.select %and3A_546, %sub3A_539, %broadcast_in_dim3A_548 : vector<16xi1>, vector<16xi32>
      %swap3A_550 = arith.constant 0 : index
      %swap3A_551 = tpu.vector_load %arg18[%swap3A_550] {strides = array<i32>} : memref<128xi32, #tpu.memory_space<vmem>>, vector<16xi32>,
      %swap3A_552 = vector.shape_cast %swap3A_551 : vector<16xi32> to vector<16xi32>
      %swap3A_553 = vector.shape_cast %select_n3A_549 : vector<16xi32> to vector<16xi32>
      tpu.vector_store %arg18[%swap3A_550], %swap3A_553 {strides = array<i32>} : memref<128xi32, #tpu.memory_space<vmem>>, vector<16xi32>,
      %get3A_554 = arith.constant 16 : index
      %get3A_555 = tpu.vector_load %arg14[%get3A_554] {strides = array<i32>} : memref<128xi32, #tpu.memory_space<vmem>>, vector<16xi32>,
      %get3A_556 = vector.shape_cast %get3A_555 : vector<16xi32> to vector<16xi32>
      %sub3A_557 = vector.broadcast %mul3A_12 : i32 to vector<16xi32>
      %sub3A_558 = arith.subi %get3A_556, %sub3A_557 : vector<16xi32>
      %ge3A_559 = arith.constant 0 : i32
      %ge3A_560 = vector.broadcast %ge3A_559 : i32 to vector<16xi32>
      %ge3A_561 = arith.cmpi sge, %sub3A_558, %ge3A_560 : vector<16xi32>
      %lt3A_562 = arith.constant 5056 : i32
      %lt3A_563 = vector.broadcast %lt3A_562 : i32 to vector<16xi32>
      %lt3A_564 = arith.cmpi slt, %sub3A_558, %lt3A_563 : vector<16xi32>
      %and3A_565 = arith.andi %ge3A_561, %lt3A_564 : vector<16xi1>
      %jit3A_566 = arith.constant 5056 : i32
      %broadcast_in_dim3A_567 = vector.broadcast %jit3A_566 : i32 to vector<16xi32>
      %select_n3A_568 = arith.select %and3A_565, %sub3A_558, %broadcast_in_dim3A_567 : vector<16xi1>, vector<16xi32>
      %swap3A_569 = arith.constant 16 : index
      %swap3A_570 = tpu.vector_load %arg18[%swap3A_569] {strides = array<i32>} : memref<128xi32, #tpu.memory_space<vmem>>, vector<16xi32>,
      %swap3A_571 = vector.shape_cast %swap3A_570 : vector<16xi32> to vector<16xi32>
      %swap3A_572 = vector.shape_cast %select_n3A_568 : vector<16xi32> to vector<16xi32>
      tpu.vector_store %arg18[%swap3A_569], %swap3A_572 {strides = array<i32>} : memref<128xi32, #tpu.memory_space<vmem>>, vector<16xi32>,
      %get3A_573 = arith.constant 32 : index
      %get3A_574 = tpu.vector_load %arg14[%get3A_573] {strides = array<i32>} : memref<128xi32, #tpu.memory_space<vmem>>, vector<16xi32>,
      %get3A_575 = vector.shape_cast %get3A_574 : vector<16xi32> to vector<16xi32>
      %sub3A_576 = vector.broadcast %mul3A_12 : i32 to vector<16xi32>
      %sub3A_577 = arith.subi %get3A_575, %sub3A_576 : vector<16xi32>
      %ge3A_578 = arith.constant 0 : i32
      %ge3A_579 = vector.broadcast %ge3A_578 : i32 to vector<16xi32>
      %ge3A_580 = arith.cmpi sge, %sub3A_577, %ge3A_579 : vector<16xi32>
      %lt3A_581 = arith.constant 5056 : i32
      %lt3A_582 = vector.broadcast %lt3A_581 : i32 to vector<16xi32>
      %lt3A_583 = arith.cmpi slt, %sub3A_577, %lt3A_582 : vector<16xi32>
      %and3A_584 = arith.andi %ge3A_580, %lt3A_583 : vector<16xi1>
      %jit3A_585 = arith.constant 5056 : i32
      %broadcast_in_dim3A_586 = vector.broadcast %jit3A_585 : i32 to vector<16xi32>
      %select_n3A_587 = arith.select %and3A_584, %sub3A_577, %broadcast_in_dim3A_586 : vector<16xi1>, vector<16xi32>
      %swap3A_588 = arith.constant 32 : index
      %swap3A_589 = tpu.vector_load %arg18[%swap3A_588] {strides = array<i32>} : memref<128xi32, #tpu.memory_space<vmem>>, vector<16xi32>,
      %swap3A_590 = vector.shape_cast %swap3A_589 : vector<16xi32> to vector<16xi32>
      %swap3A_591 = vector.shape_cast %select_n3A_587 : vector<16xi32> to vector<16xi32>
      tpu.vector_store %arg18[%swap3A_588], %swap3A_591 {strides = array<i32>} : memref<128xi32, #tpu.memory_space<vmem>>, vector<16xi32>,
      %get3A_592 = arith.constant 48 : index
      %get3A_593 = tpu.vector_load %arg14[%get3A_592] {strides = array<i32>} : memref<128xi32, #tpu.memory_space<vmem>>, vector<16xi32>,
      %get3A_594 = vector.shape_cast %get3A_593 : vector<16xi32> to vector<16xi32>
      %sub3A_595 = vector.broadcast %mul3A_12 : i32 to vector<16xi32>
      %sub3A_596 = arith.subi %get3A_594, %sub3A_595 : vector<16xi32>
      %ge3A_597 = arith.constant 0 : i32
      %ge3A_598 = vector.broadcast %ge3A_597 : i32 to vector<16xi32>
      %ge3A_599 = arith.cmpi sge, %sub3A_596, %ge3A_598 : vector<16xi32>
      %lt3A_600 = arith.constant 5056 : i32
      %lt3A_601 = vector.broadcast %lt3A_600 : i32 to vector<16xi32>
      %lt3A_602 = arith.cmpi slt, %sub3A_596, %lt3A_601 : vector<16xi32>
      %and3A_603 = arith.andi %ge3A_599, %lt3A_602 : vector<16xi1>
      %jit3A_604 = arith.constant 5056 : i32
      %broadcast_in_dim3A_605 = vector.broadcast %jit3A_604 : i32 to vector<16xi32>
      %select_n3A_606 = arith.select %and3A_603, %sub3A_596, %broadcast_in_dim3A_605 : vector<16xi1>, vector<16xi32>
      %swap3A_607 = arith.constant 48 : index
      %swap3A_608 = tpu.vector_load %arg18[%swap3A_607] {strides = array<i32>} : memref<128xi32, #tpu.memory_space<vmem>>, vector<16xi32>,
      %swap3A_609 = vector.shape_cast %swap3A_608 : vector<16xi32> to vector<16xi32>
      %swap3A_610 = vector.shape_cast %select_n3A_606 : vector<16xi32> to vector<16xi32>
      tpu.vector_store %arg18[%swap3A_607], %swap3A_610 {strides = array<i32>} : memref<128xi32, #tpu.memory_space<vmem>>, vector<16xi32>,
      %get3A_611 = arith.constant 64 : index
      %get3A_612 = tpu.vector_load %arg14[%get3A_611] {strides = array<i32>} : memref<128xi32, #tpu.memory_space<vmem>>, vector<16xi32>,
      %get3A_613 = vector.shape_cast %get3A_612 : vector<16xi32> to vector<16xi32>
      %sub3A_614 = vector.broadcast %mul3A_12 : i32 to vector<16xi32>
      %sub3A_615 = arith.subi %get3A_613, %sub3A_614 : vector<16xi32>
      %ge3A_616 = arith.constant 0 : i32
      %ge3A_617 = vector.broadcast %ge3A_616 : i32 to vector<16xi32>
      %ge3A_618 = arith.cmpi sge, %sub3A_615, %ge3A_617 : vector<16xi32>
      %lt3A_619 = arith.constant 5056 : i32
      %lt3A_620 = vector.broadcast %lt3A_619 : i32 to vector<16xi32>
      %lt3A_621 = arith.cmpi slt, %sub3A_615, %lt3A_620 : vector<16xi32>
      %and3A_622 = arith.andi %ge3A_618, %lt3A_621 : vector<16xi1>
      %jit3A_623 = arith.constant 5056 : i32
      %broadcast_in_dim3A_624 = vector.broadcast %jit3A_623 : i32 to vector<16xi32>
      %select_n3A_625 = arith.select %and3A_622, %sub3A_615, %broadcast_in_dim3A_624 : vector<16xi1>, vector<16xi32>
      %swap3A_626 = arith.constant 64 : index
      %swap3A_627 = tpu.vector_load %arg18[%swap3A_626] {strides = array<i32>} : memref<128xi32, #tpu.memory_space<vmem>>, vector<16xi32>,
      %swap3A_628 = vector.shape_cast %swap3A_627 : vector<16xi32> to vector<16xi32>
      %swap3A_629 = vector.shape_cast %select_n3A_625 : vector<16xi32> to vector<16xi32>
      tpu.vector_store %arg18[%swap3A_626], %swap3A_629 {strides = array<i32>} : memref<128xi32, #tpu.memory_space<vmem>>, vector<16xi32>,
      %get3A_630 = arith.constant 80 : index
      %get3A_631 = tpu.vector_load %arg14[%get3A_630] {strides = array<i32>} : memref<128xi32, #tpu.memory_space<vmem>>, vector<16xi32>,
      %get3A_632 = vector.shape_cast %get3A_631 : vector<16xi32> to vector<16xi32>
      %sub3A_633 = vector.broadcast %mul3A_12 : i32 to vector<16xi32>
      %sub3A_634 = arith.subi %get3A_632, %sub3A_633 : vector<16xi32>
      %ge3A_635 = arith.constant 0 : i32
      %ge3A_636 = vector.broadcast %ge3A_635 : i32 to vector<16xi32>
      %ge3A_637 = arith.cmpi sge, %sub3A_634, %ge3A_636 : vector<16xi32>
      %lt3A_638 = arith.constant 5056 : i32
      %lt3A_639 = vector.broadcast %lt3A_638 : i32 to vector<16xi32>
      %lt3A_640 = arith.cmpi slt, %sub3A_634, %lt3A_639 : vector<16xi32>
      %and3A_641 = arith.andi %ge3A_637, %lt3A_640 : vector<16xi1>
      %jit3A_642 = arith.constant 5056 : i32
      %broadcast_in_dim3A_643 = vector.broadcast %jit3A_642 : i32 to vector<16xi32>
      %select_n3A_644 = arith.select %and3A_641, %sub3A_634, %broadcast_in_dim3A_643 : vector<16xi1>, vector<16xi32>
      %swap3A_645 = arith.constant 80 : index
      %swap3A_646 = tpu.vector_load %arg18[%swap3A_645] {strides = array<i32>} : memref<128xi32, #tpu.memory_space<vmem>>, vector<16xi32>,
      %swap3A_647 = vector.shape_cast %swap3A_646 : vector<16xi32> to vector<16xi32>
      %swap3A_648 = vector.shape_cast %select_n3A_644 : vector<16xi32> to vector<16xi32>
      tpu.vector_store %arg18[%swap3A_645], %swap3A_648 {strides = array<i32>} : memref<128xi32, #tpu.memory_space<vmem>>, vector<16xi32>,
      %get3A_649 = arith.constant 96 : index
      %get3A_650 = tpu.vector_load %arg14[%get3A_649] {strides = array<i32>} : memref<128xi32, #tpu.memory_space<vmem>>, vector<16xi32>,
      %get3A_651 = vector.shape_cast %get3A_650 : vector<16xi32> to vector<16xi32>
      %sub3A_652 = vector.broadcast %mul3A_12 : i32 to vector<16xi32>
      %sub3A_653 = arith.subi %get3A_651, %sub3A_652 : vector<16xi32>
      %ge3A_654 = arith.constant 0 : i32
      %ge3A_655 = vector.broadcast %ge3A_654 : i32 to vector<16xi32>
      %ge3A_656 = arith.cmpi sge, %sub3A_653, %ge3A_655 : vector<16xi32>
      %lt3A_657 = arith.constant 5056 : i32
      %lt3A_658 = vector.broadcast %lt3A_657 : i32 to vector<16xi32>
      %lt3A_659 = arith.cmpi slt, %sub3A_653, %lt3A_658 : vector<16xi32>
      %and3A_660 = arith.andi %ge3A_656, %lt3A_659 : vector<16xi1>
      %jit3A_661 = arith.constant 5056 : i32
      %broadcast_in_dim3A_662 = vector.broadcast %jit3A_661 : i32 to vector<16xi32>
      %select_n3A_663 = arith.select %and3A_660, %sub3A_653, %broadcast_in_dim3A_662 : vector<16xi1>, vector<16xi32>
      %swap3A_664 = arith.constant 96 : index
      %swap3A_665 = tpu.vector_load %arg18[%swap3A_664] {strides = array<i32>} : memref<128xi32, #tpu.memory_space<vmem>>, vector<16xi32>,
      %swap3A_666 = vector.shape_cast %swap3A_665 : vector<16xi32> to vector<16xi32>
      %swap3A_667 = vector.shape_cast %select_n3A_663 : vector<16xi32> to vector<16xi32>
      tpu.vector_store %arg18[%swap3A_664], %swap3A_667 {strides = array<i32>} : memref<128xi32, #tpu.memory_space<vmem>>, vector<16xi32>,
      %get3A_668 = arith.constant 112 : index
      %get3A_669 = tpu.vector_load %arg14[%get3A_668] {strides = array<i32>} : memref<128xi32, #tpu.memory_space<vmem>>, vector<16xi32>,
      %get3A_670 = vector.shape_cast %get3A_669 : vector<16xi32> to vector<16xi32>
      %sub3A_671 = vector.broadcast %mul3A_12 : i32 to vector<16xi32>
      %sub3A_672 = arith.subi %get3A_670, %sub3A_671 : vector<16xi32>
      %ge3A_673 = arith.constant 0 : i32
      %ge3A_674 = vector.broadcast %ge3A_673 : i32 to vector<16xi32>
      %ge3A_675 = arith.cmpi sge, %sub3A_672, %ge3A_674 : vector<16xi32>
      %lt3A_676 = arith.constant 5056 : i32
      %lt3A_677 = vector.broadcast %lt3A_676 : i32 to vector<16xi32>
      %lt3A_678 = arith.cmpi slt, %sub3A_672, %lt3A_677 : vector<16xi32>
      %and3A_679 = arith.andi %ge3A_675, %lt3A_678 : vector<16xi1>
      %jit3A_680 = arith.constant 5056 : i32
      %broadcast_in_dim3A_681 = vector.broadcast %jit3A_680 : i32 to vector<16xi32>
      %select_n3A_682 = arith.select %and3A_679, %sub3A_672, %broadcast_in_dim3A_681 : vector<16xi1>, vector<16xi32>
      %swap3A_683 = arith.constant 112 : index
      %swap3A_684 = tpu.vector_load %arg18[%swap3A_683] {strides = array<i32>} : memref<128xi32, #tpu.memory_space<vmem>>, vector<16xi32>,
      %swap3A_685 = vector.shape_cast %swap3A_684 : vector<16xi32> to vector<16xi32>
      %swap3A_686 = vector.shape_cast %select_n3A_682 : vector<16xi32> to vector<16xi32>
      tpu.vector_store %arg18[%swap3A_683], %swap3A_686 {strides = array<i32>} : memref<128xi32, #tpu.memory_space<vmem>>, vector<16xi32>,
      %dma_wait3A_687 = arith.constant 0 : i32
      %dma_wait3A_688 = arith.constant 0 : i32
      %dma_wait3A_689 = tpu.memref_slice %arg2[%dma_wait3A_687, %dma_wait3A_688] : memref<10000x128xf32, #tpu.memory_space<hbm>> -> memref<10000x128xf32, #tpu.memory_space<hbm>>
      tpu.wait_indirect_dma semaphore(%arg25 : memref<!tpu.dma_semaphore, #tpu.memory_space<semaphore_mem>>) src(%dma_wait3A_689 : memref<10000x128xf32, #tpu.memory_space<hbm>>) dst(%arg19 : memref<128x128xf32, #tpu.memory_space<vmem>>)
      %dma_wait3A_690 = arith.constant 0 : i32
      %dma_wait3A_691 = arith.constant 0 : i32
      %dma_wait3A_692 = tpu.memref_slice %arg2[%dma_wait3A_690, %dma_wait3A_691] : memref<10000x128xf32, #tpu.memory_space<hbm>> -> memref<10000x128xf32, #tpu.memory_space<hbm>>
      tpu.wait_indirect_dma semaphore(%arg25 : memref<!tpu.dma_semaphore, #tpu.memory_space<semaphore_mem>>) src(%dma_wait3A_692 : memref<10000x128xf32, #tpu.memory_space<hbm>>) dst(%arg20 : memref<128x128xf32, #tpu.memory_space<vmem>>)
      %dma_wait3A_693 = arith.constant 0 : i32
      %dma_wait3A_694 = arith.constant 0 : i32
      %dma_wait3A_695 = tpu.memref_slice %arg2[%dma_wait3A_693, %dma_wait3A_694] : memref<10000x128xf32, #tpu.memory_space<hbm>> -> memref<10000x128xf32, #tpu.memory_space<hbm>>
      tpu.wait_indirect_dma semaphore(%arg25 : memref<!tpu.dma_semaphore, #tpu.memory_space<semaphore_mem>>) src(%dma_wait3A_695 : memref<10000x128xf32, #tpu.memory_space<hbm>>) dst(%arg21 : memref<128x128xf32, #tpu.memory_space<vmem>>)
      %dma_wait3A_696 = arith.constant 0 : i32
      %dma_wait3A_697 = arith.constant 0 : i32
      %dma_wait3A_698 = tpu.memref_slice %arg2[%dma_wait3A_696, %dma_wait3A_697] : memref<10000x128xf32, #tpu.memory_space<hbm>> -> memref<10000x128xf32, #tpu.memory_space<hbm>>
      tpu.wait_indirect_dma semaphore(%arg25 : memref<!tpu.dma_semaphore, #tpu.memory_space<semaphore_mem>>) src(%dma_wait3A_698 : memref<10000x128xf32, #tpu.memory_space<hbm>>) dst(%arg22 : memref<128x128xf32, #tpu.memory_space<vmem>>)
      "tpu.region"() ({
        %run_scoped3A = tpu.sem_alloc : memref<!tpu.dma_semaphore, #tpu.memory_space<semaphore_mem>>
        %dma_start3A_699 = arith.constant 0 : i32
        %dma_start3A_700 = arith.constant 0 : i32
        %dma_start3A_701 = tpu.memref_slice %arg24[%dma_start3A_699, %dma_start3A_700] : memref<5248x128xf32, #tpu.memory_space<vmem_shared>> -> memref<5248x128xf32, #tpu.memory_space<vmem_shared>>
        tpu.enqueue_indirect_dma source(%arg19 : memref<128x128xf32, #tpu.memory_space<vmem>>) target(%dma_start3A_701 : memref<5248x128xf32, #tpu.memory_space<vmem_shared>>) offsets(%arg15 : memref<128xi32, #tpu.memory_space<vmem>>) semaphore(%run_scoped3A : memref<!tpu.dma_semaphore, #tpu.memory_space<semaphore_mem>>) {add = true}
        %dma_wait3A_702 = arith.constant 0 : i32
        %dma_wait3A_703 = arith.constant 0 : i32
        %dma_wait3A_704 = tpu.memref_slice %arg24[%dma_wait3A_702, %dma_wait3A_703] : memref<5248x128xf32, #tpu.memory_space<vmem_shared>> -> memref<5248x128xf32, #tpu.memory_space<vmem_shared>>
        tpu.wait_indirect_dma semaphore(%run_scoped3A : memref<!tpu.dma_semaphore, #tpu.memory_space<semaphore_mem>>) src(%arg19 : memref<128x128xf32, #tpu.memory_space<vmem>>) dst(%dma_wait3A_704 : memref<5248x128xf32, #tpu.memory_space<vmem_shared>>)
        tpu.yield
      }) : () -> ()
      "tpu.region"() ({
        %run_scoped3A = tpu.sem_alloc : memref<!tpu.dma_semaphore, #tpu.memory_space<semaphore_mem>>
        %dma_start3A_699 = arith.constant 0 : i32
        %dma_start3A_700 = arith.constant 0 : i32
        %dma_start3A_701 = tpu.memref_slice %arg24[%dma_start3A_699, %dma_start3A_700] : memref<5248x128xf32, #tpu.memory_space<vmem_shared>> -> memref<5248x128xf32, #tpu.memory_space<vmem_shared>>
        tpu.enqueue_indirect_dma source(%arg20 : memref<128x128xf32, #tpu.memory_space<vmem>>) target(%dma_start3A_701 : memref<5248x128xf32, #tpu.memory_space<vmem_shared>>) offsets(%arg16 : memref<128xi32, #tpu.memory_space<vmem>>) semaphore(%run_scoped3A : memref<!tpu.dma_semaphore, #tpu.memory_space<semaphore_mem>>) {add = true}
        %dma_wait3A_702 = arith.constant 0 : i32
        %dma_wait3A_703 = arith.constant 0 : i32
        %dma_wait3A_704 = tpu.memref_slice %arg24[%dma_wait3A_702, %dma_wait3A_703] : memref<5248x128xf32, #tpu.memory_space<vmem_shared>> -> memref<5248x128xf32, #tpu.memory_space<vmem_shared>>
        tpu.wait_indirect_dma semaphore(%run_scoped3A : memref<!tpu.dma_semaphore, #tpu.memory_space<semaphore_mem>>) src(%arg20 : memref<128x128xf32, #tpu.memory_space<vmem>>) dst(%dma_wait3A_704 : memref<5248x128xf32, #tpu.memory_space<vmem_shared>>)
        tpu.yield
      }) : () -> ()
      "tpu.region"() ({
        %run_scoped3A = tpu.sem_alloc : memref<!tpu.dma_semaphore, #tpu.memory_space<semaphore_mem>>
        %dma_start3A_699 = arith.constant 0 : i32
        %dma_start3A_700 = arith.constant 0 : i32
        %dma_start3A_701 = tpu.memref_slice %arg24[%dma_start3A_699, %dma_start3A_700] : memref<5248x128xf32, #tpu.memory_space<vmem_shared>> -> memref<5248x128xf32, #tpu.memory_space<vmem_shared>>
        tpu.enqueue_indirect_dma source(%arg21 : memref<128x128xf32, #tpu.memory_space<vmem>>) target(%dma_start3A_701 : memref<5248x128xf32, #tpu.memory_space<vmem_shared>>) offsets(%arg17 : memref<128xi32, #tpu.memory_space<vmem>>) semaphore(%run_scoped3A : memref<!tpu.dma_semaphore, #tpu.memory_space<semaphore_mem>>) {add = true}
        %dma_wait3A_702 = arith.constant 0 : i32
        %dma_wait3A_703 = arith.constant 0 : i32
        %dma_wait3A_704 = tpu.memref_slice %arg24[%dma_wait3A_702, %dma_wait3A_703] : memref<5248x128xf32, #tpu.memory_space<vmem_shared>> -> memref<5248x128xf32, #tpu.memory_space<vmem_shared>>
        tpu.wait_indirect_dma semaphore(%run_scoped3A : memref<!tpu.dma_semaphore, #tpu.memory_space<semaphore_mem>>) src(%arg21 : memref<128x128xf32, #tpu.memory_space<vmem>>) dst(%dma_wait3A_704 : memref<5248x128xf32, #tpu.memory_space<vmem_shared>>)
        tpu.yield
      }) : () -> ()
      "tpu.region"() ({
        %run_scoped3A = tpu.sem_alloc : memref<!tpu.dma_semaphore, #tpu.memory_space<semaphore_mem>>
        %dma_start3A_699 = arith.constant 0 : i32
        %dma_start3A_700 = arith.constant 0 : i32
        %dma_start3A_701 = tpu.memref_slice %arg24[%dma_start3A_699, %dma_start3A_700] : memref<5248x128xf32, #tpu.memory_space<vmem_shared>> -> memref<5248x128xf32, #tpu.memory_space<vmem_shared>>
        tpu.enqueue_indirect_dma source(%arg22 : memref<128x128xf32, #tpu.memory_space<vmem>>) target(%dma_start3A_701 : memref<5248x128xf32, #tpu.memory_space<vmem_shared>>) offsets(%arg18 : memref<128xi32, #tpu.memory_space<vmem>>) semaphore(%run_scoped3A : memref<!tpu.dma_semaphore, #tpu.memory_space<semaphore_mem>>) {add = true}
        %dma_wait3A_702 = arith.constant 0 : i32
        %dma_wait3A_703 = arith.constant 0 : i32
        %dma_wait3A_704 = tpu.memref_slice %arg24[%dma_wait3A_702, %dma_wait3A_703] : memref<5248x128xf32, #tpu.memory_space<vmem_shared>> -> memref<5248x128xf32, #tpu.memory_space<vmem_shared>>
        tpu.wait_indirect_dma semaphore(%run_scoped3A : memref<!tpu.dma_semaphore, #tpu.memory_space<semaphore_mem>>) src(%arg22 : memref<128x128xf32, #tpu.memory_space<vmem>>) dst(%dma_wait3A_704 : memref<5248x128xf32, #tpu.memory_space<vmem_shared>>)
        tpu.yield
      }) : () -> ()
    }
    %scan3A_21 = arith.constant 40 : i32
    %barrier3A_22 = arith.constant 0 : index
    tpu.barrier barrier_id(%barrier3A_22)
    %add3A_23 = arith.constant 0 : i32
    %add3A_24 = arith.addi %mul3A_5, %add3A_23 : i32
    "tpu.region"() ({
      %run_scoped3A = tpu.sem_alloc : memref<!tpu.dma_semaphore, #tpu.memory_space<semaphore_mem>>
      %dma_start3A_51 = tpu.memref_slice %arg5[%add3A_24] : memref<5248xi32, #tpu.memory_space<hbm>> -> memref<128xi32, #tpu.memory_space<hbm>>
      %dma_start3A_52 = tpu.memref_slice %arg5[%add3A_24] : memref<5248xi32, #tpu.memory_space<hbm>> -> memref<128xi32, #tpu.memory_space<hbm>>
      tpu.enqueue_dma source(%dma_start3A_52 : memref<128xi32, #tpu.memory_space<hbm>>) target(%arg23 : memref<128xi32, #tpu.memory_space<vmem>>) target_semaphore(%run_scoped3A : memref<!tpu.dma_semaphore, #tpu.memory_space<semaphore_mem>>)
      %dma_wait3A_53 = tpu.memref_slice %arg5[%add3A_24] : memref<5248xi32, #tpu.memory_space<hbm>> -> memref<128xi32, #tpu.memory_space<hbm>>
      %dma_wait3A_54 = tpu.memref_slice %arg5[%add3A_24] : memref<5248xi32, #tpu.memory_space<hbm>> -> memref<128xi32, #tpu.memory_space<hbm>>
      tpu.wait_dma2 semaphore(%run_scoped3A : memref<!tpu.dma_semaphore, #tpu.memory_space<semaphore_mem>>) src(%dma_wait3A_54 : memref<128xi32, #tpu.memory_space<hbm>>) dst(%arg23 : memref<128xi32, #tpu.memory_space<vmem>>)
      tpu.yield
    }) : () -> ()
    %dma_start3A = arith.constant 0 : i32
    %dma_start3A_25 = arith.constant 0 : i32
    %dma_start3A_26 = tpu.memref_slice %arg24[%dma_start3A, %dma_start3A_25] : memref<5248x128xf32, #tpu.memory_space<vmem_shared>> -> memref<5248x128xf32, #tpu.memory_space<vmem_shared>>
    tpu.enqueue_indirect_dma source(%dma_start3A_26 : memref<5248x128xf32, #tpu.memory_space<vmem_shared>>) target(%arg19 : memref<128x128xf32, #tpu.memory_space<vmem>>) offsets(%arg23 : memref<128xi32, #tpu.memory_space<vmem>>) semaphore(%arg25 : memref<!tpu.dma_semaphore, #tpu.memory_space<semaphore_mem>>)
    %dma_wait3A = arith.constant 0 : i32
    %dma_wait3A_27 = arith.constant 0 : i32
    %dma_wait3A_28 = tpu.memref_slice %arg24[%dma_wait3A, %dma_wait3A_27] : memref<5248x128xf32, #tpu.memory_space<vmem_shared>> -> memref<5248x128xf32, #tpu.memory_space<vmem_shared>>
    tpu.wait_indirect_dma semaphore(%arg25 : memref<!tpu.dma_semaphore, #tpu.memory_space<semaphore_mem>>) src(%dma_wait3A_28 : memref<5248x128xf32, #tpu.memory_space<vmem_shared>>) dst(%arg19 : memref<128x128xf32, #tpu.memory_space<vmem>>)
    %add3A_29 = arith.constant 0 : i32
    %add3A_30 = arith.addi %mul3A_5, %add3A_29 : i32
    "tpu.region"() ({
      %run_scoped3A = tpu.sem_alloc : memref<!tpu.dma_semaphore, #tpu.memory_space<semaphore_mem>>
      %dma_start3A_51 = arith.constant 0 : i32
      %dma_start3A_52 = tpu.memref_slice %arg6[%arg0, %add3A_30, %dma_start3A_51] : memref<2x5248x128xf32, #tpu.memory_space<hbm>> -> memref<1x128x128xf32, #tpu.memory_space<hbm>>
      %dma_start3A_53 = tpu.memref_squeeze %dma_start3A_52 : memref<1x128x128xf32, #tpu.memory_space<hbm>> -> memref<128x128xf32, #tpu.memory_space<hbm>>
      %dma_start3A_54 = arith.constant 0 : i32
      %dma_start3A_55 = tpu.memref_slice %arg6[%arg0, %add3A_30, %dma_start3A_54] : memref<2x5248x128xf32, #tpu.memory_space<hbm>> -> memref<1x128x128xf32, #tpu.memory_space<hbm>>
      %dma_start3A_56 = tpu.memref_squeeze %dma_start3A_55 : memref<1x128x128xf32, #tpu.memory_space<hbm>> -> memref<128x128xf32, #tpu.memory_space<hbm>>
      tpu.enqueue_dma source(%arg19 : memref<128x128xf32, #tpu.memory_space<vmem>>) target(%dma_start3A_56 : memref<128x128xf32, #tpu.memory_space<hbm>>) target_semaphore(%run_scoped3A : memref<!tpu.dma_semaphore, #tpu.memory_space<semaphore_mem>>)
      %dma_wait3A_57 = arith.constant 0 : i32
      %dma_wait3A_58 = tpu.memref_slice %arg6[%arg0, %add3A_30, %dma_wait3A_57] : memref<2x5248x128xf32, #tpu.memory_space<hbm>> -> memref<1x128x128xf32, #tpu.memory_space<hbm>>
      %dma_wait3A_59 = tpu.memref_squeeze %dma_wait3A_58 : memref<1x128x128xf32, #tpu.memory_space<hbm>> -> memref<128x128xf32, #tpu.memory_space<hbm>>
      %dma_wait3A_60 = arith.constant 0 : i32
      %dma_wait3A_61 = tpu.memref_slice %arg6[%arg0, %add3A_30, %dma_wait3A_60] : memref<2x5248x128xf32, #tpu.memory_space<hbm>> -> memref<1x128x128xf32, #tpu.memory_space<hbm>>
      %dma_wait3A_62 = tpu.memref_squeeze %dma_wait3A_61 : memref<1x128x128xf32, #tpu.memory_space<hbm>> -> memref<128x128xf32, #tpu.memory_space<hbm>>
      tpu.wait_dma2 semaphore(%run_scoped3A : memref<!tpu.dma_semaphore, #tpu.memory_space<semaphore_mem>>) src(%arg19 : memref<128x128xf32, #tpu.memory_space<vmem>>) dst(%dma_wait3A_62 : memref<128x128xf32, #tpu.memory_space<hbm>>)
      tpu.yield
    }) : () -> ()
    %add3A_31 = arith.constant 128 : i32
    %add3A_32 = arith.addi %mul3A_5, %add3A_31 : i32
    "tpu.region"() ({
      %run_scoped3A = tpu.sem_alloc : memref<!tpu.dma_semaphore, #tpu.memory_space<semaphore_mem>>
      %dma_start3A_51 = tpu.memref_slice %arg5[%add3A_32] : memref<5248xi32, #tpu.memory_space<hbm>> -> memref<128xi32, #tpu.memory_space<hbm>>
      %dma_start3A_52 = tpu.memref_slice %arg5[%add3A_32] : memref<5248xi32, #tpu.memory_space<hbm>> -> memref<128xi32, #tpu.memory_space<hbm>>
      tpu.enqueue_dma source(%dma_start3A_52 : memref<128xi32, #tpu.memory_space<hbm>>) target(%arg23 : memref<128xi32, #tpu.memory_space<vmem>>) target_semaphore(%run_scoped3A : memref<!tpu.dma_semaphore, #tpu.memory_space<semaphore_mem>>)
      %dma_wait3A_53 = tpu.memref_slice %arg5[%add3A_32] : memref<5248xi32, #tpu.memory_space<hbm>> -> memref<128xi32, #tpu.memory_space<hbm>>
      %dma_wait3A_54 = tpu.memref_slice %arg5[%add3A_32] : memref<5248xi32, #tpu.memory_space<hbm>> -> memref<128xi32, #tpu.memory_space<hbm>>
      tpu.wait_dma2 semaphore(%run_scoped3A : memref<!tpu.dma_semaphore, #tpu.memory_space<semaphore_mem>>) src(%dma_wait3A_54 : memref<128xi32, #tpu.memory_space<hbm>>) dst(%arg23 : memref<128xi32, #tpu.memory_space<vmem>>)
      tpu.yield
    }) : () -> ()
    %dma_start3A_33 = arith.constant 0 : i32
    %dma_start3A_34 = arith.constant 0 : i32
    %dma_start3A_35 = tpu.memref_slice %arg24[%dma_start3A_33, %dma_start3A_34] : memref<5248x128xf32, #tpu.memory_space<vmem_shared>> -> memref<5248x128xf32, #tpu.memory_space<vmem_shared>>
    tpu.enqueue_indirect_dma source(%dma_start3A_35 : memref<5248x128xf32, #tpu.memory_space<vmem_shared>>) target(%arg19 : memref<128x128xf32, #tpu.memory_space<vmem>>) offsets(%arg23 : memref<128xi32, #tpu.memory_space<vmem>>) semaphore(%arg25 : memref<!tpu.dma_semaphore, #tpu.memory_space<semaphore_mem>>)
    %dma_wait3A_36 = arith.constant 0 : i32
    %dma_wait3A_37 = arith.constant 0 : i32
    %dma_wait3A_38 = tpu.memref_slice %arg24[%dma_wait3A_36, %dma_wait3A_37] : memref<5248x128xf32, #tpu.memory_space<vmem_shared>> -> memref<5248x128xf32, #tpu.memory_space<vmem_shared>>
    tpu.wait_indirect_dma semaphore(%arg25 : memref<!tpu.dma_semaphore, #tpu.memory_space<semaphore_mem>>) src(%dma_wait3A_38 : memref<5248x128xf32, #tpu.memory_space<vmem_shared>>) dst(%arg19 : memref<128x128xf32, #tpu.memory_space<vmem>>)
    %add3A_39 = arith.constant 128 : i32
    %add3A_40 = arith.addi %mul3A_5, %add3A_39 : i32
    "tpu.region"() ({
      %run_scoped3A = tpu.sem_alloc : memref<!tpu.dma_semaphore, #tpu.memory_space<semaphore_mem>>
      %dma_start3A_51 = arith.constant 0 : i32
      %dma_start3A_52 = tpu.memref_slice %arg6[%arg0, %add3A_40, %dma_start3A_51] : memref<2x5248x128xf32, #tpu.memory_space<hbm>> -> memref<1x128x128xf32, #tpu.memory_space<hbm>>
      %dma_start3A_53 = tpu.memref_squeeze %dma_start3A_52 : memref<1x128x128xf32, #tpu.memory_space<hbm>> -> memref<128x128xf32, #tpu.memory_space<hbm>>
      %dma_start3A_54 = arith.constant 0 : i32
      %dma_start3A_55 = tpu.memref_slice %arg6[%arg0, %add3A_40, %dma_start3A_54] : memref<2x5248x128xf32, #tpu.memory_space<hbm>> -> memref<1x128x128xf32, #tpu.memory_space<hbm>>
      %dma_start3A_56 = tpu.memref_squeeze %dma_start3A_55 : memref<1x128x128xf32, #tpu.memory_space<hbm>> -> memref<128x128xf32, #tpu.memory_space<hbm>>
      tpu.enqueue_dma source(%arg19 : memref<128x128xf32, #tpu.memory_space<vmem>>) target(%dma_start3A_56 : memref<128x128xf32, #tpu.memory_space<hbm>>) target_semaphore(%run_scoped3A : memref<!tpu.dma_semaphore, #tpu.memory_space<semaphore_mem>>)
      %dma_wait3A_57 = arith.constant 0 : i32
      %dma_wait3A_58 = tpu.memref_slice %arg6[%arg0, %add3A_40, %dma_wait3A_57] : memref<2x5248x128xf32, #tpu.memory_space<hbm>> -> memref<1x128x128xf32, #tpu.memory_space<hbm>>
      %dma_wait3A_59 = tpu.memref_squeeze %dma_wait3A_58 : memref<1x128x128xf32, #tpu.memory_space<hbm>> -> memref<128x128xf32, #tpu.memory_space<hbm>>
      %dma_wait3A_60 = arith.constant 0 : i32
      %dma_wait3A_61 = tpu.memref_slice %arg6[%arg0, %add3A_40, %dma_wait3A_60] : memref<2x5248x128xf32, #tpu.memory_space<hbm>> -> memref<1x128x128xf32, #tpu.memory_space<hbm>>
      %dma_wait3A_62 = tpu.memref_squeeze %dma_wait3A_61 : memref<1x128x128xf32, #tpu.memory_space<hbm>> -> memref<128x128xf32, #tpu.memory_space<hbm>>
      tpu.wait_dma2 semaphore(%run_scoped3A : memref<!tpu.dma_semaphore, #tpu.memory_space<semaphore_mem>>) src(%arg19 : memref<128x128xf32, #tpu.memory_space<vmem>>) dst(%dma_wait3A_62 : memref<128x128xf32, #tpu.memory_space<hbm>>)
      tpu.yield
    }) : () -> ()
    %add3A_41 = arith.constant 256 : i32
    %add3A_42 = arith.addi %mul3A_5, %add3A_41 : i32
    "tpu.region"() ({
      %run_scoped3A = tpu.sem_alloc : memref<!tpu.dma_semaphore, #tpu.memory_space<semaphore_mem>>
      %dma_start3A_51 = tpu.memref_slice %arg5[%add3A_42] : memref<5248xi32, #tpu.memory_space<hbm>> -> memref<128xi32, #tpu.memory_space<hbm>>
      %dma_start3A_52 = tpu.memref_slice %arg5[%add3A_42] : memref<5248xi32, #tpu.memory_space<hbm>> -> memref<128xi32, #tpu.memory_space<hbm>>
      tpu.enqueue_dma source(%dma_start3A_52 : memref<128xi32, #tpu.memory_space<hbm>>) target(%arg23 : memref<128xi32, #tpu.memory_space<vmem>>) target_semaphore(%run_scoped3A : memref<!tpu.dma_semaphore, #tpu.memory_space<semaphore_mem>>)
      %dma_wait3A_53 = tpu.memref_slice %arg5[%add3A_42] : memref<5248xi32, #tpu.memory_space<hbm>> -> memref<128xi32, #tpu.memory_space<hbm>>
      %dma_wait3A_54 = tpu.memref_slice %arg5[%add3A_42] : memref<5248xi32, #tpu.memory_space<hbm>> -> memref<128xi32, #tpu.memory_space<hbm>>
      tpu.wait_dma2 semaphore(%run_scoped3A : memref<!tpu.dma_semaphore, #tpu.memory_space<semaphore_mem>>) src(%dma_wait3A_54 : memref<128xi32, #tpu.memory_space<hbm>>) dst(%arg23 : memref<128xi32, #tpu.memory_space<vmem>>)
      tpu.yield
    }) : () -> ()
    %dma_start3A_43 = arith.constant 0 : i32
    %dma_start3A_44 = arith.constant 0 : i32
    %dma_start3A_45 = tpu.memref_slice %arg24[%dma_start3A_43, %dma_start3A_44] : memref<5248x128xf32, #tpu.memory_space<vmem_shared>> -> memref<5248x128xf32, #tpu.memory_space<vmem_shared>>
    tpu.enqueue_indirect_dma source(%dma_start3A_45 : memref<5248x128xf32, #tpu.memory_space<vmem_shared>>) target(%arg19 : memref<128x128xf32, #tpu.memory_space<vmem>>) offsets(%arg23 : memref<128xi32, #tpu.memory_space<vmem>>) semaphore(%arg25 : memref<!tpu.dma_semaphore, #tpu.memory_space<semaphore_mem>>)
    %dma_wait3A_46 = arith.constant 0 : i32
    %dma_wait3A_47 = arith.constant 0 : i32
    %dma_wait3A_48 = tpu.memref_slice %arg24[%dma_wait3A_46, %dma_wait3A_47] : memref<5248x128xf32, #tpu.memory_space<vmem_shared>> -> memref<5248x128xf32, #tpu.memory_space<vmem_shared>>
    tpu.wait_indirect_dma semaphore(%arg25 : memref<!tpu.dma_semaphore, #tpu.memory_space<semaphore_mem>>) src(%dma_wait3A_48 : memref<5248x128xf32, #tpu.memory_space<vmem_shared>>) dst(%arg19 : memref<128x128xf32, #tpu.memory_space<vmem>>)
    %add3A_49 = arith.constant 256 : i32
    %add3A_50 = arith.addi %mul3A_5, %add3A_49 : i32
    "tpu.region"() ({
      %run_scoped3A = tpu.sem_alloc : memref<!tpu.dma_semaphore, #tpu.memory_space<semaphore_mem>>
      %dma_start3A_51 = arith.constant 0 : i32
      %dma_start3A_52 = tpu.memref_slice %arg6[%arg0, %add3A_50, %dma_start3A_51] : memref<2x5248x128xf32, #tpu.memory_space<hbm>> -> memref<1x128x128xf32, #tpu.memory_space<hbm>>
      %dma_start3A_53 = tpu.memref_squeeze %dma_start3A_52 : memref<1x128x128xf32, #tpu.memory_space<hbm>> -> memref<128x128xf32, #tpu.memory_space<hbm>>
      %dma_start3A_54 = arith.constant 0 : i32
      %dma_start3A_55 = tpu.memref_slice %arg6[%arg0, %add3A_50, %dma_start3A_54] : memref<2x5248x128xf32, #tpu.memory_space<hbm>> -> memref<1x128x128xf32, #tpu.memory_space<hbm>>
      %dma_start3A_56 = tpu.memref_squeeze %dma_start3A_55 : memref<1x128x128xf32, #tpu.memory_space<hbm>> -> memref<128x128xf32, #tpu.memory_space<hbm>>
      tpu.enqueue_dma source(%arg19 : memref<128x128xf32, #tpu.memory_space<vmem>>) target(%dma_start3A_56 : memref<128x128xf32, #tpu.memory_space<hbm>>) target_semaphore(%run_scoped3A : memref<!tpu.dma_semaphore, #tpu.memory_space<semaphore_mem>>)
      %dma_wait3A_57 = arith.constant 0 : i32
      %dma_wait3A_58 = tpu.memref_slice %arg6[%arg0, %add3A_50, %dma_wait3A_57] : memref<2x5248x128xf32, #tpu.memory_space<hbm>> -> memref<1x128x128xf32, #tpu.memory_space<hbm>>
      %dma_wait3A_59 = tpu.memref_squeeze %dma_wait3A_58 : memref<1x128x128xf32, #tpu.memory_space<hbm>> -> memref<128x128xf32, #tpu.memory_space<hbm>>
      %dma_wait3A_60 = arith.constant 0 : i32
      %dma_wait3A_61 = tpu.memref_slice %arg6[%arg0, %add3A_50, %dma_wait3A_60] : memref<2x5248x128xf32, #tpu.memory_space<hbm>> -> memref<1x128x128xf32, #tpu.memory_space<hbm>>
      %dma_wait3A_62 = tpu.memref_squeeze %dma_wait3A_61 : memref<1x128x128xf32, #tpu.memory_space<hbm>> -> memref<128x128xf32, #tpu.memory_space<hbm>>
      tpu.wait_dma2 semaphore(%run_scoped3A : memref<!tpu.dma_semaphore, #tpu.memory_space<semaphore_mem>>) src(%arg19 : memref<128x128xf32, #tpu.memory_space<vmem>>) dst(%dma_wait3A_62 : memref<128x128xf32, #tpu.memory_space<hbm>>)
      tpu.yield
    }) : () -> ()
    return
  }
}

module attributes {stable_mosaic.version = 14 : i64} {
  func.func @_relu_body(%arg0: memref<10000x128xf32, #tpu.memory_space<vmem>>, %arg1: memref<10000x128xf32, #tpu.memory_space<vmem>>) attributes {dimension_semantics = [], scalar_prefetch = 0 : i64, scratch_operands = 0 : i64, tpu.core_type = #tpu.core_type<tc>} {
    %get3A = arith.constant 0 : index
    %get3A_0 = arith.constant 0 : index
    %get3A_1 = vector.load %arg0[%get3A, %get3A_0] : memref<10000x128xf32, #tpu.memory_space<vmem>>, vector<10000x128xf32>
    %max3A = arith.constant 0.000000e+00 : f32
    %max3A_2 = vector.broadcast %max3A : f32 to vector<10000x128xf32>
    %max3A_3 = arith.maximumf %get3A_1, %max3A_2 : vector<10000x128xf32>
    %swap3A = arith.constant 0 : index
    %swap3A_4 = arith.constant 0 : index
    %swap3A_5 = vector.load %arg1[%swap3A, %swap3A_4] : memref<10000x128xf32, #tpu.memory_space<vmem>>, vector<10000x128xf32>
    tpu.vector_store %arg1[%swap3A, %swap3A_4], %max3A_3 {strides = array<i32>} : memref<10000x128xf32, #tpu.memory_space<vmem>>, vector<10000x128xf32>,
    return
  }
}

module attributes {stable_mosaic.version = 14 : i64} {
  func.func @_combine_body(%arg0: memref<10000x128xf32, #tpu.memory_space<vmem>>, %arg1: memref<2x5248x128xf32, #tpu.memory_space<vmem>>, %arg2: memref<2x5248x128xf32, #tpu.memory_space<vmem>>, %arg3: memref<128x128xf32, #tpu.memory_space<vmem>>, %arg4: memref<1x128xf32, #tpu.memory_space<vmem>>, %arg5: memref<128x128xf32, #tpu.memory_space<vmem>>, %arg6: memref<1x128xf32, #tpu.memory_space<vmem>>, %arg7: memref<1x128xf32, #tpu.memory_space<vmem>>, %arg8: memref<10000x128xf32, #tpu.memory_space<vmem>>) attributes {dimension_semantics = [], scalar_prefetch = 0 : i64, scratch_operands = 0 : i64, tpu.core_type = #tpu.core_type<tc>} {
    %get3A = arith.constant 0 : index
    %get3A_0 = arith.constant 0 : index
    %get3A_1 = arith.constant 0 : index
    %get3A_2 = vector.load %arg1[%get3A, %get3A_0, %get3A_1] : memref<2x5248x128xf32, #tpu.memory_space<vmem>>, vector<1x5056x128xf32>
    %get3A_3 = vector.shape_cast %get3A_2 : vector<1x5056x128xf32> to vector<5056x128xf32>
    %get3A_4 = arith.constant 1 : index
    %get3A_5 = arith.constant 0 : index
    %get3A_6 = arith.constant 0 : index
    %get3A_7 = vector.load %arg1[%get3A_4, %get3A_5, %get3A_6] : memref<2x5248x128xf32, #tpu.memory_space<vmem>>, vector<1x4944x128xf32>
    %get3A_8 = vector.shape_cast %get3A_7 : vector<1x4944x128xf32> to vector<4944x128xf32>
    %concatenate3A = tpu.concatenate %get3A_3, %get3A_8 in 0 : vector<5056x128xf32>, vector<4944x128xf32> -> vector<10000x128xf32>
    %get3A_9 = arith.constant 0 : index
    %get3A_10 = arith.constant 0 : index
    %get3A_11 = arith.constant 0 : index
    %get3A_12 = vector.load %arg2[%get3A_9, %get3A_10, %get3A_11] : memref<2x5248x128xf32, #tpu.memory_space<vmem>>, vector<1x5056x1xf32>
    %get3A_13 = vector.shape_cast %get3A_12 : vector<1x5056x1xf32> to vector<5056x1xf32>
    %get3A_14 = arith.constant 1 : index
    %get3A_15 = arith.constant 0 : index
    %get3A_16 = arith.constant 0 : index
    %get3A_17 = vector.load %arg2[%get3A_14, %get3A_15, %get3A_16] : memref<2x5248x128xf32, #tpu.memory_space<vmem>>, vector<1x4944x1xf32>
    %get3A_18 = vector.shape_cast %get3A_17 : vector<1x4944x1xf32> to vector<4944x1xf32>
    %concatenate3A_19 = tpu.concatenate %get3A_13, %get3A_18 in 0 : vector<5056x1xf32>, vector<4944x1xf32> -> vector<10000x1xf32>
    %max3A = arith.constant 1.000000e+00 : f32
    %max3A_20 = vector.broadcast %max3A : f32 to vector<10000x1xf32>
    %max3A_21 = arith.maximumf %concatenate3A_19, %max3A_20 : vector<10000x1xf32>
    %div3A = vector.broadcast %max3A_21 : vector<10000x1xf32> to vector<10000x128xf32>
    %div3A_22 = arith.divf %concatenate3A, %div3A : vector<10000x128xf32>
    %get3A_23 = arith.constant 0 : index
    %get3A_24 = arith.constant 0 : index
    %get3A_25 = vector.load %arg0[%get3A_23, %get3A_24] : memref<10000x128xf32, #tpu.memory_space<vmem>>, vector<10000x128xf32>
    %get3A_26 = arith.constant 0 : index
    %get3A_27 = arith.constant 0 : index
    %get3A_28 = vector.load %arg3[%get3A_26, %get3A_27] : memref<128x128xf32, #tpu.memory_space<vmem>>, vector<128x128xf32>
    %dot_general3A = arith.constant dense<0.000000e+00> : vector<10000x128xf32>
    %dot_general3A_29 = tpu.matmul %div3A_22, %get3A_28, %dot_general3A {dimension_numbers = #tpu.dot_dimension_numbers<[1], [1], [0], [0], [0, 0, 1, 0], [], []>, transpose_lhs_hint = false} : vector<10000x128xf32>, vector<128x128xf32>, vector<10000x128xf32> -> vector<10000x128xf32>
    %get3A_30 = arith.constant 0 : index
    %get3A_31 = arith.constant 0 : index
    %get3A_32 = vector.load %arg4[%get3A_30, %get3A_31] : memref<1x128xf32, #tpu.memory_space<vmem>>, vector<1x128xf32>
    %add3A = vector.broadcast %get3A_32 : vector<1x128xf32> to vector<10000x128xf32>
    %add3A_33 = arith.addf %dot_general3A_29, %add3A : vector<10000x128xf32>
    %get3A_34 = arith.constant 0 : index
    %get3A_35 = arith.constant 0 : index
    %get3A_36 = vector.load %arg5[%get3A_34, %get3A_35] : memref<128x128xf32, #tpu.memory_space<vmem>>, vector<128x128xf32>
    %dot_general3A_37 = arith.constant dense<0.000000e+00> : vector<10000x128xf32>
    %dot_general3A_38 = tpu.matmul %get3A_25, %get3A_36, %dot_general3A_37 {dimension_numbers = #tpu.dot_dimension_numbers<[1], [1], [0], [0], [0, 0, 1, 0], [], []>, transpose_lhs_hint = false} : vector<10000x128xf32>, vector<128x128xf32>, vector<10000x128xf32> -> vector<10000x128xf32>
    %add3A_39 = arith.addf %add3A_33, %dot_general3A_38 : vector<10000x128xf32>
    %reduce_sum3A = arith.constant dense<0.000000e+00> : vector<128xf32>
    %reduce_sum3A_40 = vector.multi_reduction <add>, %add3A_39, %reduce_sum3A [0] : vector<10000x128xf32> to vector<128xf32>
    %broadcast_in_dim3A = vector.shape_cast %reduce_sum3A_40 : vector<128xf32> to vector<1x128xf32>
    %div3A_41 = arith.constant 1.000000e+04 : f32
    %div3A_42 = vector.broadcast %div3A_41 : f32 to vector<1x128xf32>
    %div3A_43 = arith.divf %broadcast_in_dim3A, %div3A_42 : vector<1x128xf32>
    %sub3A = vector.broadcast %div3A_43 : vector<1x128xf32> to vector<10000x128xf32>
    %sub3A_44 = arith.subf %add3A_39, %sub3A : vector<10000x128xf32>
    %mul3A = arith.mulf %sub3A_44, %sub3A_44 : vector<10000x128xf32>
    %reduce_sum3A_45 = arith.constant dense<0.000000e+00> : vector<128xf32>
    %reduce_sum3A_46 = vector.multi_reduction <add>, %mul3A, %reduce_sum3A_45 [0] : vector<10000x128xf32> to vector<128xf32>
    %broadcast_in_dim3A_47 = vector.shape_cast %reduce_sum3A_46 : vector<128xf32> to vector<1x128xf32>
    %div3A_48 = arith.constant 1.000000e+04 : f32
    %div3A_49 = vector.broadcast %div3A_48 : f32 to vector<1x128xf32>
    %div3A_50 = arith.divf %broadcast_in_dim3A_47, %div3A_49 : vector<1x128xf32>
    %get3A_51 = arith.constant 0 : index
    %get3A_52 = arith.constant 0 : index
    %get3A_53 = vector.load %arg6[%get3A_51, %get3A_52] : memref<1x128xf32, #tpu.memory_space<vmem>>, vector<1x128xf32>
    %add3A_54 = arith.constant 9.99999974E-6 : f32
    %add3A_55 = vector.broadcast %add3A_54 : f32 to vector<1x128xf32>
    %add3A_56 = arith.addf %div3A_50, %add3A_55 : vector<1x128xf32>
    %rsqrt3A = math.rsqrt %add3A_56 : vector<1x128xf32>
    %mul3A_57 = arith.mulf %get3A_53, %rsqrt3A : vector<1x128xf32>
    %mul3A_58 = vector.broadcast %mul3A_57 : vector<1x128xf32> to vector<10000x128xf32>
    %mul3A_59 = arith.mulf %sub3A_44, %mul3A_58 : vector<10000x128xf32>
    %get3A_60 = arith.constant 0 : index
    %get3A_61 = arith.constant 0 : index
    %get3A_62 = vector.load %arg7[%get3A_60, %get3A_61] : memref<1x128xf32, #tpu.memory_space<vmem>>, vector<1x128xf32>
    %add3A_63 = vector.broadcast %get3A_62 : vector<1x128xf32> to vector<10000x128xf32>
    %add3A_64 = arith.addf %mul3A_59, %add3A_63 : vector<10000x128xf32>
    %swap3A = arith.constant 0 : index
    %swap3A_65 = arith.constant 0 : index
    %swap3A_66 = vector.load %arg8[%swap3A, %swap3A_65] : memref<10000x128xf32, #tpu.memory_space<vmem>>, vector<10000x128xf32>
    tpu.vector_store %arg8[%swap3A, %swap3A_65], %add3A_64 {strides = array<i32>} : memref<10000x128xf32, #tpu.memory_space<vmem>>, vector<10000x128xf32>,
    return
  }
}

</mosaic_0001>

<sc_bundles>
// kernel: kernel.6.cloned.1.call-start
scs
__scs_entry_jumppad:
0x0: {  	(pc) =	sbr.rel $0x88, $3  }
0x1: {  	(tag) =	ssettag $0x0;
	lr =	simm.s32 $0x1  }
0x2: {  	[smem:$0x3F9A] =	sst lr;
	_ =	strace $0xD0000000  }
0x3: {  	_ = 	snop  }
0x4: {  	_ = 	snop  }
0x5: {  	_ = 	snop  }
0x6: {  	_ = 	snop  }
0x7: {  	_ = 	snop  }
__scs_overlays_trampoline_lowered:
0x8: {  	[smem:$0x3FA9] =	sst s0  }
0x9: {  	[smem:$0x3FAA] =	sst s1  }
0xa: {  	[smem:$0x3FAB] =	sst s2  }
0xb: {  	[smem:$0x3FAC] =	sst s3  }
0xc: {  	[smem:$0x3FAD] =	sst s4  }
0xd: {  	[smem:$0x3FAE] =	sst s5  }
0xe: {  	[smem:$0x3FAF] =	sst s6  }
0xf: {  	[smem:$0x3FB0] =	sst s7  }
0x10: {  	[smem:$0x3FB1] =	sst s8  }
0x11: {  	[smem:$0x3FB2] =	sst s9;
	s0 =	simm.s32 @!p0 $0x0  }
0x12: {  	s1 =	sld [smem:$0x3F98];
	s0 =	simm.s32 @p0 $0x1  }
0x13: {  	[smem:$0x3FB3] =	sst s0;
	s0 =	simm.s32 @!p1 $0x0  }
0x14: {  	s2 =	sld [smem:$0x3F97];
	s0 =	simm.s32 @p1 $0x1  }
0x15: {  	[smem:$0x3FB4] =	sst s0;
	s0 =	simm.s32 @!p2 $0x0  }
0x16: {  	s3 =	sld [smem:$0x3FDB];
	s0 =	simm.s32 @p2 $0x1  }
0x17: {  	s4 =	simm.s32 $0x1BF5;
	[smem:$0x3FB6] =	sst s0  }
0x18: {  	s0 =	sld [smem:$0x3F99];
	_ =	swait.ge [sflag:s4], $0x0  }
0x19: {  	s7 =	sld [smem:$0x3F9A]  }
0x1a: {  	s8 =	sadd.s32 $0xFFFFE003, lr  }
0x1b: {  	s9 =	sadd.s32 $0xFFFFFEF7, lr;
	s5 =	simm.s32 $0xFFFFFFFF;
	p2 =	slt.u32 s8, $0xFFFFF086  }
0x1c: {  	p1 =	slt.u32 s9, $0xF7A;
	s5 =	simm.s32 @!p2 $0x0  }
0x1d: {  	s5 =	simm.s32 @p1 $0x1;
	p0 =	seq.s32 s7, s2  }
0x1e: {  	s7 =	smul.u32 @!p0 $0xF7A, s2;
	p2 =	seq.s32 @!p0 s5, $0x0  }
0x1f: {  	s9 =	smul.u32 $0xF7A, s1;
	s8 =	simm.s32 @!p0 $0x1BF5;
	p2 =	por !p2, p0  }
0x20: {  	[sflag:s8] =	ssyncset.s32 @!p0 $0xFFFFF086;
	s6 =	sadd.s32 @!p0 s3, s7;
	s7 =	simm.s32 @!p0 $0x108  }
0x21: {  	s3 =	sadd.s32 s3, s9;
	s6 =	sadd.s32 @!p0 $0x88, s6;
	s7 =	simm.s32 @p2 $0x1082  }
0x22: {  	[simem:s7], [sflag:s8] =	dma.local @!p0 [hbm:s6], $0xF7A  }
0x23: {  	s9 =	sor.u32 $0xD0000000, s2;
	s6 =	simm.s32 $0x108;
	_ =	swait.ge @!p0 [sflag:s8], $0x0  }
0x24: {  	s3 =	sadd.s32 $0x88, s3;
	s6 =	simm.s32 @!p1 $0x1082;
	[sflag:s4] =	ssyncset.s32 $0xFFFFF086  }
0x25: {  	[simem:s6], [sflag:s4] =	dma.local [hbm:s3], $0xF7A  }
0x26: {  	[smem:$0x3F9A] =	sst s1;
	(tag) =	ssettag s2;
	_ =	strace s9  }
0x27: {  	s1 =	sld [smem:$0x3FAA]  }
0x28: {  	s2 =	sld [smem:$0x3FAB]  }
0x29: {  	s4 =	sld [smem:$0x3FAD]  }
0x2a: {  	p0 =	seq.s32 s5, $0x0;
	s5 =	sld [smem:$0x3FAE]  }
0x2b: {  	s6 =	sld [smem:$0x3FAF]  }
0x2c: {  	s7 =	sld [smem:$0x3FB0]  }
0x2d: {  	s3 =	simm.s32 $0x108;
	s8 =	sld [smem:$0x3FB1]  }
0x2e: {  	s3 =	simm.s32 @!p0 $0x1082;
	s9 =	sld [smem:$0x3FB2]  }
0x2f: {  	lr =	sadd.s32 s0, s3;
	s0 =	sld [smem:$0x3FA9]  }
0x30: {  	s3 =	sld [smem:$0x3FAC]  }
0x31: {  	[smem:$0x3FB5] =	sst s10  }
0x32: {  	s10 =	sld [smem:$0x3FB3];
	_ =	sdelay $0x3  }
0x33: {  	p0 =	seq.s32 s10, $0x1;
	s10 =	sld [smem:$0x3FB5];
	_ =	sdelay $0x3  }
0x34: {  	[smem:$0x3FB5] =	sst s10  }
0x35: {  	s10 =	sld [smem:$0x3FB4];
	_ =	sdelay $0x3  }
0x36: {  	p1 =	seq.s32 s10, $0x1;
	s10 =	sld [smem:$0x3FB5];
	_ =	sdelay $0x3  }
0x37: {  	[smem:$0x3FB5] =	sst s10  }
0x38: {  	s10 =	sld [smem:$0x3FB6]  }
0x39: {  	_ = 	snop;
	(pc) =	sbr.ind lr, $3  }
0x3a: {  	_ = 	snop  }
0x3b: {  	_ = 	snop  }
0x3c: {  	p2 =	seq.s32 s10, $0x1;
	s10 =	sld [smem:$0x3FB5]  }
0x3d: {  	_ =	shalt  }
0x3e: {  	_ =	shalt  }
0x3f: {  	_ =	shalt  }
0x40: {  	_ =	shalt  }
0x41: {  	_ =	shalt  }
0x42: {  	_ =	shalt  }
0x43: {  	_ =	shalt  }
0x44: {  	_ =	shalt  }
0x45: {  	_ =	shalt  }
0x46: {  	_ =	shalt  }
0x47: {  	_ =	shalt  }
0x48: {  	_ =	shalt  }
0x49: {  	_ =	shalt  }
0x4a: {  	_ =	shalt  }
0x4b: {  	_ =	shalt  }
0x4c: {  	_ =	shalt  }
0x4d: {  	_ =	shalt  }
0x4e: {  	_ =	shalt  }
0x4f: {  	_ =	shalt  }
0x50: {  	_ =	shalt  }
0x51: {  	_ =	shalt  }
0x52: {  	_ =	shalt  }
0x53: {  	_ =	shalt  }
0x54: {  	_ =	shalt  }
0x55: {  	_ =	shalt  }
0x56: {  	_ =	shalt  }
0x57: {  	_ =	shalt  }
0x58: {  	_ =	shalt  }
0x59: {  	_ =	shalt  }
0x5a: {  	_ =	shalt  }
0x5b: {  	_ =	shalt  }
0x5c: {  	_ =	shalt  }
0x5d: {  	_ =	shalt  }
0x5e: {  	_ =	shalt  }
0x5f: {  	_ =	shalt  }
0x60: {  	_ =	shalt  }
0x61: {  	_ =	shalt  }
0x62: {  	_ =	shalt  }
0x63: {  	_ =	shalt  }
0x64: {  	_ =	shalt  }
0x65: {  	_ =	shalt  }
0x66: {  	_ =	shalt  }
0x67: {  	_ =	shalt  }
0x68: {  	_ =	shalt  }
0x69: {  	_ =	shalt  }
0x6a: {  	_ =	shalt  }
0x6b: {  	_ =	shalt  }
0x6c: {  	_ =	shalt  }
0x6d: {  	_ =	shalt  }
0x6e: {  	_ =	shalt  }
0x6f: {  	_ =	shalt  }
0x70: {  	_ =	shalt  }
0x71: {  	_ =	shalt  }
0x72: {  	_ =	shalt  }
0x73: {  	_ =	shalt  }
0x74: {  	_ =	shalt  }
0x75: {  	_ =	shalt  }
0x76: {  	_ =	shalt  }
0x77: {  	_ =	shalt  }
0x78: {  	_ =	shalt  }
0x79: {  	_ =	shalt  }
0x7a: {  	_ =	shalt  }
0x7b: {  	_ =	shalt  }
0x7c: {  	_ =	shalt  }
0x7d: {  	_ =	shalt  }
0x7e: {  	_ =	shalt  }
0x7f: {  	_ =	shalt  }
0x80: {  	_ =	shalt  }
0x81: {  	_ =	shalt  }
0x82: {  	_ =	shalt  }
0x83: {  	_ =	shalt  }
0x84: {  	_ =	shalt  }
0x85: {  	_ =	shalt  }
0x86: {  	_ =	shalt  }
0x87: {  	_ =	shalt  }
.Lfunc_end0:
.L_simem_size_0:
called_computation_lowered:
.L_overlay_start_0:
0x88: {  	s2 =	sld [smem:$0x3FD9]  }
0x89: {  	s3 =	sld [smem:$0x3FFE];
	_ =	sdelay $0x1  }
0x8a: {  	s1 =	srdreg.scid  }
0x8b: {  	s0 =	sand.u32 $0x1, s1  }
0x8c: {  	s17 =	sshll.u32 s0, $0xA;
	s2 =	sadd.s32 s3, s2  }
0x8d: {  	s2 =	sadd.s32 s2, s17  }
0x8e: {  	[smem:$0x3FC1] =	sst s2  }
0x8f: {  	_ = 	snop  }
0x90: {  	s2 =	sld [smem:$0x3FD0];
	(tm) =	ssettm $0x1  }
0x91: {  	s18 =	sld [smem:$0x3FFB];
	_ =	sdelay $0x3  }
0x92: {  	_ =	strace s18  }
0x93: {  	s3 =	sld [smem:$0x3FFC];
	_ =	sdelay $0x3  }
0x94: {  	_ =	strace s3  }
0x95: {  	s3 =	sld [smem:$0x3FFD];
	_ =	sdelay $0x3  }
0x96: {  	_ =	strace s3  }
0x97: {  	_ =	strace $0x8FFFFFFF  }
0x98: {  	s19 =	sld [smem:$0x3FDB];
	_ =	sdelay $0x1  }
0x99: {  	s4 =	simm.s32 $_scs_section_size  }
0x9a: {  	s5 =	simm.s32 $_size__tile_overlayer_lowered;
	s6 =	simm.s32 $_tile_overlayer_lowered  }
0x9b: {  	s22 =	simm.s32 $0x1BFF;
	s21 =	sshll.u32 s6, $0x1;
	s3 =	sadd.s32 s4, s19  }
0x9c: {  	s7 =	simm.s32 $0x0;
	s20 =	sshll.u32 s5, $0x1;
	s5 =	sadd.s32 s21, s3  }
0x9d: {  	[timem:s7], [sflag:s22] =	dma.local [hbm:s5], s20  }
0x9e: {  	_ =	swait.ge [sflag:s22], s20  }
0x9f: {  	s4 =	ssub.s32 $0x0, s20;
	[sflag:s22] =	ssyncset.done $0x0  }
0xa0: {  	[sflag:s22] =	ssyncadd.s32 s4;
	_ =	sdelay $0x1  }
0xa1: {  	s23 =	simm.s32 $0x1B8B  }
0xa2: {  	_ =	swait.ge [sflag:s23], $0x1  }
0xa3: {  	[sflag:s23] =	ssyncset.done $0x0  }
0xa4: {  	s25 =	simm.s32 $0x1B8E;
	s24 =	sld [smem:$0x3FFE];
	[sflag:s23] =	ssyncadd.s32 $0xFFFFFFFF  }
0xa5: {  	s26 =	simm.s32 $execute0_lowered;
	[smem:$0x3FD2] =	sst s25  }
0xa6: {  	s5 =	sshll.u32 s26, $0x1;
	_ =	strace $0x80000046;
	[dreg:$0x1] =	wrdreg $0xFFFFFFFF  }
0xa7: {  	s28 =	simm.s32 $_size_execute0_lowered;
	s3 =	sadd.s32 s3, s5;
	[dreg:$0x0] =	wrdreg $0x0  }
0xa8: {  	s5 =	sshll.u32 s28, $0x1;
	[dreg:$0x2] =	wrdreg s3  }
0xa9: {  	[dreg:$0x3] =	wrdreg s5  }
0xaa: {  	[dreg:$0x4] =	wrdreg $0xC0  }
0xab: {  	_ =	task [dreg:s7], $0x5FFFF  }
0xac: {  	[dreg:$0x1] =	wrdreg $0xFFFFFFFF  }
0xad: {  	[dreg:$0x0] =	wrdreg $0x60  }
0xae: {  	[dreg:$0x2] =	wrdreg s2  }
0xaf: {  	[dreg:$0x3] =	wrdreg s24  }
0xb0: {  	[dreg:$0x4] =	wrdreg $0x106800  }
0xb1: {  	[dreg:$0x5] =	wrdreg $0x9  }
0xb2: {  	_ =	task.clear_ibuf [dreg:s7], $0x6FFFF;
	_ =	strace $0x90000046  }
0xb3: {  	s29 =	simm.s32 $0x9;
	_ =	strace $0x80000048  }
0xb4: {  	_ =	swait.ge [sflag:s29], $0x1  }
0xb5: {  	[sflag:s29] =	ssyncadd.s32 $0xFFFFFFFF  }
0xb6: {  	_ =	strace $0x90000048  }
0xb7: {  	_ =	sfence  }
0xb8: {  	s30 =	sld [smem:$0x0];
	_ =	sdelay $0x2  }
0xb9: {  	s31 =	sshll.u32 s1, $0xD;
	s1 =	sshrl.u32 s1, $0x2  }
0xba: {  	s3 =	sand.u32 $0x4000, s31;
	s1 =	sadd.s32 s1, s30  }
0xbb: {  	s0 =	sor.u32 s3, s0;
	s1 =	sshll.u32 s1, $0x11  }
0xbc: {  	s0 =	sor.u32 s1, s0  }
0xbd: {  	s0 =	sadd.s32 $0x8F2B, s0  }
0xbe: {  	[sflag:s0] =	ssyncadd.remote.s32 $0x1  }
0xbf: {  	_ =	sfence.sel $0xFFFF  }
0xc0: {  	[dreg:$0x0] =	wrdreg $0xFFFFFFFF;
	(pc) =	sbr.abs _section_cstart, $3  }
0xc1: {  	[dreg:$0x1] =	wrdreg $0xFFFFFFFF  }
0xc2: {  	_ =	task.clear_ibuf [dreg:s7], $0x2FFFF;
	_ =	strace $0x9FFFFFFF  }
0xc3: {  	(tm) =	ssettm $0x7FFFFFFF  }
tec
execute0_lowered:
.L_overlay_start_1:
0x0: {  	(tag) =	ssettag $0x1  }
0x1: {  	s1 =	rddreg [dreg:$0x0]  }
0x2: {  	s0 =	rddreg [dreg:$0x1]  }
0x3: {  	s3 =	rddreg [dreg:$0x2];
	s4 =	simm.s32 $0x0;
	s14 =	stileid.u32  }
0x4: {  	s5 =	srdreg.scid;
	s15 =	simm.s32 $0x80;
	s16 =	simm.s32 $0x600  }
0x5: {  	s17 =	simm.s32 $0x200;
	s18 =	simm.s32 $0x280;
	s19 =	simm.s32 $0x4600  }
0x6: {  	s20 =	simm.s32 $0x100;
	s21 =	simm.s32 $0x300;
	s28 =	simm.s32 $0x400  }
0x7: {  	s29 =	simm.s32 $0x480;
	s30 =	simm.s32 $0x500;
	s2 =	smul.u32 $0xA00, s14  }
0x8: {  	s31 =	simm.s32 $0x580;
	[smem:$0x7FF] =	sst s4;
	s6 =	smul.u32 $0x140, s14  }
0x9: {  	s8 =	sand.u32 $0x1, s5;
	s7 =	sadd.s32 $0x15A00, s0;
	s14 =	smul.u32 $0xA000, s14  }
0xa: {  	_ =	strace $0x80000047;
	s5 =	ssub.s32 $0x2, s8;
	s13 =	smul.u32 $0xA4000, s8  }
0xb: {  	s8 =	smul.u32 $0x13C0, s8;
	s2 =	sadd.s32 s2, s0;
	s0 =	sadd.s32 $0x15E00, s0  }
0xc: {  	s9 =	sshrl.u32 s5, $0x1;
	s10 =	sshrl.u32 s6, $0x3;
	s22 =	sadd.s32 $0x80, s6  }
0xd: {  	s12 =	sadd.s32 $0x100, s6;
	s9 =	ssub.s32 s5, s9;
	s5 =	sadd.s32 s7, s10  }
0xe: {  	s11 =	sshrl.u32 s22, $0x3;
	s23 =	sshrl.u32 s12, $0x3;
	s10 =	sshll.u32 s22, $0x7  }
0xf: {  	s24 =	sadd.s32 s14, s13;
	s12 =	sshll.u32 s12, $0x7;
	s26 =	sadd.s32 $0xBA00, s2  }
0x10: {  	s14 =	simm.s32 $0x2;
	s22 =	simm.s32 $0x8600;
	s6 =	sadd.s32 s7, s11  }
0x11: {  	s7 =	sadd.s32 s7, s23;
	s10 =	sadd.s32 s13, s10;
	s11 =	sshrl.u32 s24, $0x3  }
0x12: {  	s12 =	sadd.s32 s13, s12;
	[dreg:$0x4] =	wrdreg s26;
	s13 =	simm.s32 $0x10600  }
0x13: {  	s23 =	simm.s32 $0x180;
	s24 =	simm.s32 $0x380;
	s26 =	simm.s32 $0x1  }
0x14: {  	s10 =	sshrl.u32 s10, $0x3;
	s11 =	sadd.s32 s0, s11;
	s25 =	sshrl.u32 s12, $0x3  }
0x15: {  	s12 =	sadd.s32 $0x1A00, s2;
	[dreg:$0x5] =	wrdreg s11;
	s10 =	sadd.s32 s0, s10  }
0x16: {  	s0 =	sadd.s32 s0, s25;
	s11 =	smax.u32 s9, $0x1;
	[dreg:$0x6] =	wrdreg s10  }
0x17: {  	v1 =	vimm.f32 $0.0e+00;
	v0 =	vmov s8;
	s25 =	simm.s32 $0xC600;
	[dreg:$0x7] =	wrdreg s0;
	s0 =	simm.s32 $0x0  }
.LBB2_1:
0x18: {  	s2 =	simm.s32 $0x0;
	s8 =	simm.s32 $0x200  }
.LBB2_2:
0x19: {  	p0 =	sne.s32 s8, $0xFE00;
	[tilespmem:s2+$0x670] =	vst v1  }
0x1a: {  	[tilespmem:s2+$0x600] =	vst v1  }
0x1b: {  	[tilespmem:s2+$0x610] =	vst v1  }
.Ltmp0:
0x1c: {  	[tilespmem:s2+$0x620] =	vst v1;
	(pc) =	sbr.rel @p0 .LBB2_2-.Ltmp0, $4  }
0x1d: {  	[tilespmem:s2+$0x630] =	vst v1  }
0x1e: {  	[tilespmem:s2+$0x640] =	vst v1  }
0x1f: {  	[tilespmem:s2+$0x650] =	vst v1  }
0x20: {  	[tilespmem:s2+$0x660] =	vst v1;
	s2 =	sshra.s32 s8, $0x2;
	s8 =	sadd.s32 $0x200, s8  }
0x21: {  	[tilespmem:s2+$0x670] =	vst v1  }
0x22: {  	[tilespmem:s2+$0x600] =	vst v1  }
0x23: {  	[tilespmem:s2+$0x610] =	vst v1  }
0x24: {  	[tilespmem:s2+$0x620] =	vst v1  }
0x25: {  	[tilespmem:s2+$0x630] =	vst v1  }
0x26: {  	[tilespmem:s2+$0x640] =	vst v1  }
0x27: {  	[tilespmem:s2+$0x650] =	vst v1  }
0x28: {  	[tilespmem:s2+$0x660] =	vst v1;
	s8 =	simm.s32 $0x0  }
0x29: {  	[tilespmem:s13], [sflag:$0x2] =	stream.linear.gather [hbm4b:s5+s8], $0x80, $0x38;
	[tilespmem:$0x1AA80] =	vst v63  }
0x2a: {  	_ =	swait.ge [sflag:s14], $0x80  }
0x2b: {  	[sflag:s14] =	ssyncset.done $0x0  }
0x2c: {  	[sflag:s14] =	ssyncadd.s32 $0xFFFFFF80  }
0x2d: {  	[spmem:s3] =	stream.indirect.scatter [tilespmem:s16], [sflag:$0x2], $0x80, s13, s15, $0xb8;
	[tilespmem:$0x1AA80] =	vst v63  }
0x2e: {  	_ =	swait.ge [sflag:s14], $0x4000  }
0x2f: {  	[sflag:s14] =	ssyncset.done $0x0  }
0x30: {  	[sflag:s14] =	ssyncadd.s32 $0xFFFFC000  }
0x31: {  	[tilespmem:s13], [sflag:$0x2] =	stream.linear.gather [hbm4b:s6+s8], $0x80, $0x38;
	[tilespmem:$0x1AA80] =	vst v63  }
0x32: {  	_ =	swait.ge [sflag:s14], $0x80  }
0x33: {  	[sflag:s14] =	ssyncset.done $0x0  }
0x34: {  	[sflag:s14] =	ssyncadd.s32 $0xFFFFFF80  }
0x35: {  	[spmem:s3] =	stream.indirect.scatter [tilespmem:s16], [sflag:$0x2], $0x80, s13, s15, $0xb8;
	[tilespmem:$0x1AA80] =	vst v63  }
0x36: {  	_ =	swait.ge [sflag:s14], $0x4000  }
0x37: {  	[sflag:s14] =	ssyncset.done $0x0  }
0x38: {  	[sflag:s14] =	ssyncadd.s32 $0xFFFFC000  }
0x39: {  	[tilespmem:s13], [sflag:$0x2] =	stream.linear.gather [hbm4b:s7+s8], $0x80, $0x38;
	[tilespmem:$0x1AA80] =	vst v63  }
0x3a: {  	_ =	swait.ge [sflag:s14], $0x80  }
0x3b: {  	[sflag:s14] =	ssyncset.done $0x0  }
0x3c: {  	[sflag:s14] =	ssyncadd.s32 $0xFFFFFF80  }
0x3d: {  	[spmem:s3] =	stream.indirect.scatter [tilespmem:s16], [sflag:$0x2], $0x80, s13, s15, $0xb8;
	[tilespmem:$0x1AA80] =	vst v63  }
0x3e: {  	_ =	swait.ge [sflag:s14], $0x4000  }
0x3f: {  	[sflag:s14] =	ssyncset.done $0x0  }
0x40: {  	[sflag:s14] =	ssyncadd.s32 $0xFFFFC000  }
0x41: {  	[bflag:$0x0] =	sbarrier.arrive $0xFFFF  }
0x42: {  	s9 =	rddreg [dreg:$0x4]  }
0x43: {  	s2 =	sadd.s32 $0x0, s9  }
0x44: {  	[tilespmem:s4], [sflag:$0x2] =	stream.linear.gather [hbm4b:s2+s4], $0x80, $0x38;
	[tilespmem:$0x1AA80] =	vst v63  }
0x45: {  	_ =	swait.ge [sflag:s14], $0x80  }
0x46: {  	[sflag:s14] =	ssyncset.done $0x0  }
0x47: {  	s8 =	sadd.s32 $0x0, s12;
	[sflag:s14] =	ssyncadd.s32 $0xFFFFFF80  }
0x48: {  	[tilespmem:s17], [sflag:$0x2] =	stream.linear.gather [hbm4b:s8+s4], $0x80, $0x38;
	[tilespmem:$0x1AA80] =	vst v63  }
0x49: {  	_ =	swait.ge [sflag:s14], $0x80  }
0x4a: {  	[sflag:s14] =	ssyncset.done $0x0  }
0x4b: {  	[sflag:s14] =	ssyncadd.s32 $0xFFFFFF80  }
0x4c: {  	[tilespmem:s16], [sflag:$0x1] =	stream.indirect.gather [hbm4b:s1+s15], $0x80, s4, s15, $0xb8;
	[tilespmem:$0x1AA80] =	vst v63  }
0x4d: {  	s9 =	sadd.s32 $0x10, s2  }
0x4e: {  	[tilespmem:s15], [sflag:$0x2] =	stream.linear.gather [hbm4b:s9+s4], $0x80, $0x38;
	[tilespmem:$0x1AA80] =	vst v63  }
0x4f: {  	_ =	swait.ge [sflag:s14], $0x80  }
0x50: {  	[sflag:s14] =	ssyncset.done $0x0  }
0x51: {  	s10 =	sadd.s32 $0x10, s8;
	[sflag:s14] =	ssyncadd.s32 $0xFFFFFF80  }
0x52: {  	[tilespmem:s18], [sflag:$0x2] =	stream.linear.gather [hbm4b:s10+s4], $0x80, $0x38;
	[tilespmem:$0x1AA80] =	vst v63  }
0x53: {  	_ =	swait.ge [sflag:s14], $0x80  }
0x54: {  	[sflag:s14] =	ssyncset.done $0x0  }
0x55: {  	[sflag:s14] =	ssyncadd.s32 $0xFFFFFF80  }
0x56: {  	[tilespmem:s19], [sflag:$0x1] =	stream.indirect.gather [hbm4b:s1+s15], $0x80, s15, s15, $0xb8;
	[tilespmem:$0x1AA80] =	vst v63  }
0x57: {  	s10 =	sadd.s32 $0x20, s2  }
0x58: {  	[tilespmem:s20], [sflag:$0x2] =	stream.linear.gather [hbm4b:s10+s4], $0x80, $0x38;
	[tilespmem:$0x1AA80] =	vst v63  }
0x59: {  	_ =	swait.ge [sflag:s14], $0x80  }
0x5a: {  	[sflag:s14] =	ssyncset.done $0x0  }
0x5b: {  	s10 =	sadd.s32 $0x20, s8;
	[sflag:s14] =	ssyncadd.s32 $0xFFFFFF80  }
0x5c: {  	[tilespmem:s21], [sflag:$0x2] =	stream.linear.gather [hbm4b:s10+s4], $0x80, $0x38;
	[tilespmem:$0x1AA80] =	vst v63  }
0x5d: {  	_ =	swait.ge [sflag:s14], $0x80  }
0x5e: {  	[sflag:s14] =	ssyncset.done $0x0  }
0x5f: {  	[sflag:s14] =	ssyncadd.s32 $0xFFFFFF80  }
0x60: {  	[tilespmem:s22], [sflag:$0x1] =	stream.indirect.gather [hbm4b:s1+s15], $0x80, s20, s15, $0xb8;
	[tilespmem:$0x1AA80] =	vst v63  }
0x61: {  	s2 =	sadd.s32 $0x30, s2  }
0x62: {  	[tilespmem:s23], [sflag:$0x2] =	stream.linear.gather [hbm4b:s2+s4], $0x80, $0x38;
	[tilespmem:$0x1AA80] =	vst v63  }
0x63: {  	_ =	swait.ge [sflag:s14], $0x80  }
0x64: {  	[sflag:s14] =	ssyncset.done $0x0  }
0x65: {  	s10 =	sadd.s32 $0x30, s8;
	[sflag:s14] =	ssyncadd.s32 $0xFFFFFF80  }
0x66: {  	[tilespmem:s24], [sflag:$0x2] =	stream.linear.gather [hbm4b:s10+s4], $0x80, $0x38;
	[tilespmem:$0x1AA80] =	vst v63  }
0x67: {  	_ =	swait.ge [sflag:s14], $0x80  }
0x68: {  	[sflag:s14] =	ssyncset.done $0x0  }
0x69: {  	s2 =	simm.s32 $0x40;
	[sflag:s14] =	ssyncadd.s32 $0xFFFFFF80  }
.LBB2_4:
0x6a: {  	[tilespmem:s25], [sflag:$0x1] =	stream.indirect.gather [hbm4b:s1+s15], $0x80, s23, s15, $0xb8;
	[tilespmem:$0x1AA80] =	vst v63  }
0x6b: {  	v2 =	vld [tilespmem:$0x260]  }
0x6c: {  	v3 =	vld [tilespmem:$0x240]  }
0x6d: {  	v4 =	vld [tilespmem:$0x320]  }
0x6e: {  	v5 =	vld [tilespmem:$0x230]  }
0x6f: {  	v6 =	vld [tilespmem:$0x280]  }
0x70: {  	v8 =	vld [tilespmem:$0x210]  }
0x71: {  	v9 =	vld [tilespmem:$0x290];
	v3 =	vsub.s32 v3, v0  }
0x72: {  	v7 =	vld [tilespmem:$0x2A0];
	v4 =	vsub.s32 v4, v0;
	v3 =	vmin.u32 v3, $0x13C0  }
0x73: {  	v22 =	vld [tilespmem:$0x200];
	v5 =	vsub.s32 v5, v0;
	v4 =	vmin.u32 v4, $0x13C0;
	[tilespmem:$0x440] =	vst v3  }
0x74: {  	v47 =	vld [tilespmem:$0x250];
	v2 =	vsub.s32 v2, v0;
	v5 =	vmin.u32 v5, $0x13C0;
	[tilespmem:$0x520] =	vst v4  }
0x75: {  	v52 =	vld [tilespmem:$0x270];
	v8 =	vsub.s32 v8, v0;
	v2 =	vmin.u32 v2, $0x13C0;
	[tilespmem:$0x430] =	vst v5  }
0x76: {  	v24 =	vsub.s32 v9, v0;
	v23 =	vmin.u32 v8, $0x13C0;
	[tilespmem:$0x460] =	vst v2  }
0x77: {  	v25 =	vld [tilespmem:$0x2E0];
	v6 =	vsub.s32 v6, v0;
	v26 =	vmin.u32 v24, $0x13C0;
	[tilespmem:$0x410] =	vst v23  }
0x78: {  	v51 =	vld [tilespmem:$0x3C0];
	v20 =	vsub.s32 v7, v0;
	v7 =	vsub.s32 v22, v0;
	v19 =	vmin.u32 v6, $0x13C0;
	[tilespmem:$0x490] =	vst v26  }
0x79: {  	v49 =	vld [tilespmem:$0x3B0];
	v54 =	vsub.s32 v47, v0;
	v31 =	vmin.u32 v7, $0x13C0;
	[tilespmem:$0x480] =	vst v19  }
0x7a: {  	v53 =	vld [tilespmem:$0x3F0];
	v59 =	vsub.s32 v52, v0;
	v56 =	vmin.u32 v54, $0x13C0;
	[tilespmem:$0x400] =	vst v31  }
0x7b: {  	v61 =	vmin.u32 v59, $0x13C0;
	v3 =	vld [tilespmem:$0x2B0];
	[tilespmem:$0x450] =	vst v56  }
0x7c: {  	v11 =	vld [tilespmem:$0x220];
	v32 =	vsub.s32 v25, v0;
	v2 =	vmin.u32 v20, $0x13C0;
	[tilespmem:$0x470] =	vst v61  }
0x7d: {  	v10 =	vld [tilespmem:$0x2C0];
	v7 =	vsub.s32 v51, v0;
	v4 =	vmin.u32 v32, $0x13C0;
	[tilespmem:$0x4A0] =	vst v2  }
0x7e: {  	v21 =	vld [tilespmem:$0x2D0];
	v57 =	vsub.s32 v49, v0;
	v60 =	vmin.u32 v7, $0x13C0;
	[tilespmem:$0x4E0] =	vst v4  }
0x7f: {  	v33 =	vld [tilespmem:$0x330];
	v62 =	vsub.s32 v53, v0;
	v4 =	vmin.u32 v57, $0x13C0;
	[tilespmem:$0x5C0] =	vst v60  }
0x80: {  	v27 =	vld [tilespmem:$0x2F0];
	[tilespmem:$0x5B0] =	vst v4;
	v4 =	vmin.u32 v62, $0x13C0;
	v3 =	vsub.s32 v3, v0  }
0x81: {  	v35 =	vld [tilespmem:$0x340];
	v40 =	vsub.s32 v11, v0;
	[tilespmem:$0x5F0] =	vst v4;
	v2 =	vmin.u32 v3, $0x13C0  }
0x82: {  	v28 =	vld [tilespmem:$0x300];
	v3 =	vsub.s32 v10, v0;
	v10 =	vmin.u32 v40, $0x13C0;
	[tilespmem:$0x4B0] =	vst v2  }
0x83: {  	v37 =	vld [tilespmem:$0x350];
	v29 =	vsub.s32 v21, v0;
	v3 =	vmin.u32 v3, $0x13C0;
	[tilespmem:$0x420] =	vst v10  }
0x84: {  	v39 =	vld [tilespmem:$0x360];
	v2 =	vsub.s32 v33, v0;
	[tilespmem:$0x4C0] =	vst v3;
	v3 =	vmin.u32 v29, $0x13C0  }
0x85: {  	v30 =	vld [tilespmem:$0x310];
	v34 =	vsub.s32 v27, v0;
	v2 =	vmin.u32 v2, $0x13C0;
	[tilespmem:$0x4D0] =	vst v3  }
0x86: {  	v41 =	vld [tilespmem:$0x370];
	v8 =	vsub.s32 v35, v0;
	v3 =	vmin.u32 v34, $0x13C0;
	[tilespmem:$0x530] =	vst v2  }
0x87: {  	v42 =	vld [tilespmem:$0x380];
	v36 =	vsub.s32 v28, v0;
	v2 =	vmin.u32 v8, $0x13C0;
	[tilespmem:$0x4F0] =	vst v3  }
0x88: {  	v45 =	vld [tilespmem:$0x3E0];
	v44 =	vsub.s32 v37, v0;
	v3 =	vmin.u32 v36, $0x13C0;
	[tilespmem:$0x540] =	vst v2  }
0x89: {  	v43 =	vld [tilespmem:$0x390];
	v6 =	vsub.s32 v39, v0;
	v2 =	vmin.u32 v44, $0x13C0;
	[tilespmem:$0x500] =	vst v3  }
0x8a: {  	v46 =	vld [tilespmem:$0x3A0];
	v38 =	vsub.s32 v30, v0;
	[tilespmem:$0x550] =	vst v2;
	v2 =	vmin.u32 v6, $0x13C0  }
0x8b: {  	v58 =	vld [tilespmem:$0x3D0];
	v5 =	vsub.s32 v41, v0;
	v3 =	vmin.u32 v38, $0x13C0;
	[tilespmem:$0x560] =	vst v2  }
0x8c: {  	v48 =	vsub.s32 v42, v0;
	v2 =	vmin.u32 v5, $0x13C0;
	[tilespmem:$0x510] =	vst v3  }
0x8d: {  	v3 =	vsub.s32 v45, v0;
	[tilespmem:$0x570] =	vst v2;
	v2 =	vmin.u32 v48, $0x13C0  }
0x8e: {  	v50 =	vsub.s32 v43, v0;
	v3 =	vmin.u32 v3, $0x13C0;
	[tilespmem:$0x580] =	vst v2  }
0x8f: {  	v55 =	vsub.s32 v46, v0;
	v2 =	vmin.u32 v50, $0x13C0;
	[tilespmem:$0x5E0] =	vst v3  }
0x90: {  	v63 =	vsub.s32 v58, v0;
	[tilespmem:$0x590] =	vst v2;
	v2 =	vmin.u32 v55, $0x13C0  }
0x91: {  	[tilespmem:$0x5A0] =	vst v2;
	v2 =	vmin.u32 v63, $0x13C0  }
0x92: {  	[tilespmem:$0x5D0] =	vst v2  }
0x93: {  	_ =	swait.ge [sflag:s26], $0x4000  }
0x94: {  	[sflag:s26] =	ssyncset.done $0x0  }
0x95: {  	[sflag:s26] =	ssyncadd.s32 $0xFFFFC000  }
0x96: {  	_ =	swait.ge [sflag:s26], $0x4000  }
0x97: {  	[sflag:s26] =	ssyncset.done $0x0  }
0x98: {  	[sflag:s26] =	ssyncadd.s32 $0xFFFFC000  }
0x99: {  	_ =	swait.ge [sflag:s26], $0x4000  }
0x9a: {  	[sflag:s26] =	ssyncset.done $0x0  }
0x9b: {  	[sflag:s26] =	ssyncadd.s32 $0xFFFFC000  }
0x9c: {  	_ =	swait.ge [sflag:s26], $0x4000  }
0x9d: {  	[sflag:s26] =	ssyncset.done $0x0  }
0x9e: {  	[sflag:s26] =	ssyncadd.s32 $0xFFFFC000  }
0x9f: {  	[spmem:s3] =	stream.indirect.scatter.add.f32 [tilespmem:s16], [sflag:$0x2], $0x80, s28, s15, $0xb8;
	[tilespmem:$0x1AA80] =	vst v63  }
0xa0: {  	_ =	swait.ge [sflag:s14], $0x4000  }
0xa1: {  	[sflag:s14] =	ssyncset.done $0x0  }
0xa2: {  	[sflag:s14] =	ssyncadd.s32 $0xFFFFC000  }
0xa3: {  	[spmem:s3] =	stream.indirect.scatter.add.f32 [tilespmem:s19], [sflag:$0x2], $0x80, s29, s15, $0xb8;
	[tilespmem:$0x1AA80] =	vst v63  }
0xa4: {  	_ =	swait.ge [sflag:s14], $0x4000  }
0xa5: {  	[sflag:s14] =	ssyncset.done $0x0  }
0xa6: {  	[sflag:s14] =	ssyncadd.s32 $0xFFFFC000  }
0xa7: {  	[spmem:s3] =	stream.indirect.scatter.add.f32 [tilespmem:s22], [sflag:$0x2], $0x80, s30, s15, $0xb8;
	[tilespmem:$0x1AA80] =	vst v63  }
0xa8: {  	_ =	swait.ge [sflag:s14], $0x4000  }
0xa9: {  	[sflag:s14] =	ssyncset.done $0x0  }
0xaa: {  	[sflag:s14] =	ssyncadd.s32 $0xFFFFC000  }
0xab: {  	[spmem:s3] =	stream.indirect.scatter.add.f32 [tilespmem:s25], [sflag:$0x2], $0x80, s31, s15, $0xb8;
	[tilespmem:$0x1AA80] =	vst v63  }
0xac: {  	_ =	swait.ge [sflag:s14], $0x4000  }
0xad: {  	s8 =	smov.u32 s2;
	s9 =	rddreg [dreg:$0x4];
	[sflag:s14] =	ssyncset.done $0x0  }
0xae: {  	[sflag:s14] =	ssyncadd.s32 $0xFFFFC000;
	s9 =	sadd.s32 s8, s9  }
0xaf: {  	[tilespmem:s4], [sflag:$0x2] =	stream.linear.gather [hbm4b:s9+s4], $0x80, $0x38;
	[tilespmem:$0x1AA80] =	vst v63  }
0xb0: {  	_ =	swait.ge [sflag:s14], $0x80  }
0xb1: {  	[sflag:s14] =	ssyncset.done $0x0  }
0xb2: {  	s8 =	sadd.s32 s8, s12;
	[sflag:s14] =	ssyncadd.s32 $0xFFFFFF80  }
0xb3: {  	[tilespmem:s17], [sflag:$0x2] =	stream.linear.gather [hbm4b:s8+s4], $0x80, $0x38;
	[tilespmem:$0x1AA80] =	vst v63  }
0xb4: {  	_ =	swait.ge [sflag:s14], $0x80  }
0xb5: {  	[sflag:s14] =	ssyncset.done $0x0  }
0xb6: {  	[sflag:s14] =	ssyncadd.s32 $0xFFFFFF80  }
0xb7: {  	[tilespmem:s16], [sflag:$0x1] =	stream.indirect.gather [hbm4b:s1+s15], $0x80, s4, s15, $0xb8;
	[tilespmem:$0x1AA80] =	vst v63  }
0xb8: {  	s10 =	sadd.s32 $0x10, s9  }
0xb9: {  	[tilespmem:s15], [sflag:$0x2] =	stream.linear.gather [hbm4b:s10+s4], $0x80, $0x38;
	[tilespmem:$0x1AA80] =	vst v63  }
0xba: {  	_ =	swait.ge [sflag:s14], $0x80  }
0xbb: {  	[sflag:s14] =	ssyncset.done $0x0  }
0xbc: {  	s10 =	sadd.s32 $0x10, s8;
	[sflag:s14] =	ssyncadd.s32 $0xFFFFFF80  }
0xbd: {  	[tilespmem:s18], [sflag:$0x2] =	stream.linear.gather [hbm4b:s10+s4], $0x80, $0x38;
	[tilespmem:$0x1AA80] =	vst v63  }
0xbe: {  	_ =	swait.ge [sflag:s14], $0x80  }
0xbf: {  	[sflag:s14] =	ssyncset.done $0x0  }
0xc0: {  	[sflag:s14] =	ssyncadd.s32 $0xFFFFFF80  }
0xc1: {  	[tilespmem:s19], [sflag:$0x1] =	stream.indirect.gather [hbm4b:s1+s15], $0x80, s15, s15, $0xb8;
	[tilespmem:$0x1AA80] =	vst v63  }
0xc2: {  	s10 =	sadd.s32 $0x20, s9  }
0xc3: {  	[tilespmem:s20], [sflag:$0x2] =	stream.linear.gather [hbm4b:s10+s4], $0x80, $0x38;
	[tilespmem:$0x1AA80] =	vst v63  }
0xc4: {  	_ =	swait.ge [sflag:s14], $0x80  }
0xc5: {  	[sflag:s14] =	ssyncset.done $0x0  }
0xc6: {  	s10 =	sadd.s32 $0x20, s8;
	[sflag:s14] =	ssyncadd.s32 $0xFFFFFF80  }
0xc7: {  	[tilespmem:s21], [sflag:$0x2] =	stream.linear.gather [hbm4b:s10+s4], $0x80, $0x38;
	[tilespmem:$0x1AA80] =	vst v63  }
0xc8: {  	_ =	swait.ge [sflag:s14], $0x80  }
0xc9: {  	[sflag:s14] =	ssyncset.done $0x0  }
0xca: {  	[sflag:s14] =	ssyncadd.s32 $0xFFFFFF80  }
0xcb: {  	[tilespmem:s22], [sflag:$0x1] =	stream.indirect.gather [hbm4b:s1+s15], $0x80, s20, s15, $0xb8;
	[tilespmem:$0x1AA80] =	vst v63  }
0xcc: {  	s9 =	sadd.s32 $0x30, s9  }
0xcd: {  	[tilespmem:s23], [sflag:$0x2] =	stream.linear.gather [hbm4b:s9+s4], $0x80, $0x38;
	[tilespmem:$0x1AA80] =	vst v63  }
0xce: {  	_ =	swait.ge [sflag:s14], $0x80  }
0xcf: {  	p0 =	sne.s32 s2, $0x9C0;
	[sflag:s14] =	ssyncset.done $0x0  }
.Ltmp1:
0xd0: {  	s8 =	sadd.s32 $0x30, s8;
	[sflag:s14] =	ssyncadd.s32 $0xFFFFFF80;
	(pc) =	sbr.rel @p0 .LBB2_4-.Ltmp1, $4  }
0xd1: {  	[tilespmem:s24], [sflag:$0x2] =	stream.linear.gather [hbm4b:s8+s4], $0x80, $0x38;
	[tilespmem:$0x1AA80] =	vst v63  }
0xd2: {  	_ =	swait.ge [sflag:s14], $0x80  }
0xd3: {  	[sflag:s14] =	ssyncset.done $0x0  }
0xd4: {  	s2 =	sadd.s32 $0x40, s2;
	[sflag:s14] =	ssyncadd.s32 $0xFFFFFF80  }
0xd5: {  	[tilespmem:s25], [sflag:$0x1] =	stream.indirect.gather [hbm4b:s1+s15], $0x80, s23, s15, $0xb8;
	[tilespmem:$0x1AA80] =	vst v63  }
0xd6: {  	v2 =	vld [tilespmem:$0x240]  }
0xd7: {  	v3 =	vld [tilespmem:$0x320]  }
0xd8: {  	v4 =	vld [tilespmem:$0x230]  }
0xd9: {  	v5 =	vld [tilespmem:$0x260]  }
0xda: {  	v6 =	vld [tilespmem:$0x210]  }
0xdb: {  	v7 =	vld [tilespmem:$0x2A0]  }
0xdc: {  	v8 =	vld [tilespmem:$0x290];
	v2 =	vsub.s32 v2, v0  }
0xdd: {  	v9 =	vld [tilespmem:$0x280];
	v4 =	vsub.s32 v4, v0;
	v2 =	vmin.u32 v2, $0x13C0  }
0xde: {  	v33 =	vld [tilespmem:$0x200];
	v3 =	vsub.s32 v3, v0;
	v4 =	vmin.u32 v4, $0x13C0;
	[tilespmem:$0x440] =	vst v2  }
0xdf: {  	v5 =	vsub.s32 v5, v0;
	v2 =	vmin.u32 v3, $0x13C0;
	v3 =	vld [tilespmem:$0x2C0];
	[tilespmem:$0x430] =	vst v4  }
0xe0: {  	v40 =	vld [tilespmem:$0x2B0];
	v34 =	vsub.s32 v6, v0;
	[tilespmem:$0x520] =	vst v2;
	v2 =	vmin.u32 v5, $0x13C0  }
0xe1: {  	v36 =	vld [tilespmem:$0x2D0];
	v35 =	vsub.s32 v7, v0;
	[tilespmem:$0x460] =	vst v2;
	v2 =	vmin.u32 v34, $0x13C0  }
0xe2: {  	v38 =	vsub.s32 v8, v0;
	v37 =	vmin.u32 v35, $0x13C0;
	[tilespmem:$0x410] =	vst v2;
	v2 =	vld [tilespmem:$0x2F0]  }
0xe3: {  	v39 =	vld [tilespmem:$0x300];
	v9 =	vsub.s32 v9, v0;
	v6 =	vmin.u32 v38, $0x13C0;
	[tilespmem:$0x4A0] =	vst v37  }
0xe4: {  	v42 =	vld [tilespmem:$0x220];
	v41 =	vmin.u32 v9, $0x13C0;
	[tilespmem:$0x490] =	vst v6;
	v3 =	vsub.s32 v3, v0  }
0xe5: {  	v49 =	vld [tilespmem:$0x310];
	v46 =	vsub.s32 v40, v0;
	[tilespmem:$0x480] =	vst v41;
	v3 =	vmin.u32 v3, $0x13C0  }
0xe6: {  	v43 =	vld [tilespmem:$0x330];
	v7 =	vmin.u32 v46, $0x13C0;
	[tilespmem:$0x4C0] =	vst v3;
	v3 =	vsub.s32 v36, v0  }
0xe7: {  	v44 =	vld [tilespmem:$0x340];
	[tilespmem:$0x4B0] =	vst v7;
	v3 =	vmin.u32 v3, $0x13C0;
	v2 =	vsub.s32 v2, v0  }
0xe8: {  	v45 =	vld [tilespmem:$0x350];
	[tilespmem:$0x4D0] =	vst v3;
	v2 =	vmin.u32 v2, $0x13C0;
	v3 =	vsub.s32 v39, v0  }
0xe9: {  	v47 =	vsub.s32 v42, v0;
	[tilespmem:$0x4F0] =	vst v2;
	v2 =	vmin.u32 v3, $0x13C0;
	v3 =	vld [tilespmem:$0x360]  }
0xea: {  	v55 =	vsub.s32 v49, v0;
	v8 =	vmin.u32 v47, $0x13C0;
	[tilespmem:$0x500] =	vst v2;
	v2 =	vld [tilespmem:$0x370]  }
0xeb: {  	v48 =	vld [tilespmem:$0x380];
	v4 =	vsub.s32 v33, v0;
	[tilespmem:$0x420] =	vst v8;
	v7 =	vmin.u32 v55, $0x13C0  }
0xec: {  	v51 =	vld [tilespmem:$0x390];
	v6 =	vsub.s32 v43, v0;
	v4 =	vmin.u32 v4, $0x13C0;
	[tilespmem:$0x510] =	vst v7  }
0xed: {  	v6 =	vmin.u32 v6, $0x13C0;
	v5 =	vsub.s32 v45, v0;
	[tilespmem:$0x400] =	vst v4  }
0xee: {  	v50 =	vld [tilespmem:$0x2E0];
	[tilespmem:$0x530] =	vst v6;
	v52 =	vmin.u32 v5, $0x13C0;
	v3 =	vsub.s32 v3, v0  }
0xef: {  	v53 =	vld [tilespmem:$0x250];
	[tilespmem:$0x550] =	vst v52;
	v3 =	vmin.u32 v3, $0x13C0;
	v2 =	vsub.s32 v2, v0  }
0xf0: {  	v54 =	vld [tilespmem:$0x3B0];
	v4 =	vsub.s32 v44, v0;
	[tilespmem:$0x560] =	vst v3;
	v2 =	vmin.u32 v2, $0x13C0;
	v3 =	vsub.s32 v48, v0  }
0xf1: {  	v6 =	vsub.s32 v51, v0;
	v4 =	vmin.u32 v4, $0x13C0;
	[tilespmem:$0x570] =	vst v2;
	v2 =	vmin.u32 v3, $0x13C0;
	v3 =	vld [tilespmem:$0x3C0]  }
0xf2: {  	v56 =	vld [tilespmem:$0x270];
	v6 =	vmin.u32 v6, $0x13C0;
	[tilespmem:$0x540] =	vst v4  }
0xf3: {  	v58 =	vld [tilespmem:$0x3A0];
	v8 =	vsub.s32 v50, v0;
	[tilespmem:$0x590] =	vst v6  }
0xf4: {  	v57 =	vld [tilespmem:$0x3F0];
	v5 =	vsub.s32 v53, v0;
	[tilespmem:$0x580] =	vst v2;
	v2 =	vmin.u32 v8, $0x13C0  }
0xf5: {  	v59 =	vld [tilespmem:$0x3D0];
	v4 =	vsub.s32 v54, v0;
	[tilespmem:$0x4E0] =	vst v2;
	v2 =	vmin.u32 v5, $0x13C0  }
0xf6: {  	v60 =	vld [tilespmem:$0x3E0];
	[tilespmem:$0x450] =	vst v2;
	v2 =	vmin.u32 v4, $0x13C0;
	v3 =	vsub.s32 v3, v0  }
0xf7: {  	v61 =	vsub.s32 v56, v0;
	[tilespmem:$0x5B0] =	vst v2;
	v2 =	vmin.u32 v3, $0x13C0  }
0xf8: {  	v62 =	vsub.s32 v58, v0;
	v3 =	vmin.u32 v61, $0x13C0;
	[tilespmem:$0x5C0] =	vst v2  }
0xf9: {  	v2 =	vsub.s32 v57, v0;
	[tilespmem:$0x470] =	vst v3;
	v3 =	vmin.u32 v62, $0x13C0  }
0xfa: {  	v63 =	vsub.s32 v59, v0;
	v2 =	vmin.u32 v2, $0x13C0;
	[tilespmem:$0x5A0] =	vst v3  }
0xfb: {  	v3 =	vmin.u32 v63, $0x13C0;
	[tilespmem:$0x5F0] =	vst v2;
	v2 =	vsub.s32 v60, v0  }
0xfc: {  	[tilespmem:$0x5D0] =	vst v3;
	v2 =	vmin.u32 v2, $0x13C0  }
0xfd: {  	[tilespmem:$0x5E0] =	vst v2  }
0xfe: {  	_ =	swait.ge [sflag:s26], $0x4000  }
0xff: {  	[sflag:s26] =	ssyncset.done $0x0  }
0x100: {  	[sflag:s26] =	ssyncadd.s32 $0xFFFFC000  }
0x101: {  	_ =	swait.ge [sflag:s26], $0x4000  }
0x102: {  	[sflag:s26] =	ssyncset.done $0x0  }
0x103: {  	[sflag:s26] =	ssyncadd.s32 $0xFFFFC000  }
0x104: {  	_ =	swait.ge [sflag:s26], $0x4000  }
0x105: {  	[sflag:s26] =	ssyncset.done $0x0  }
0x106: {  	[sflag:s26] =	ssyncadd.s32 $0xFFFFC000  }
0x107: {  	_ =	swait.ge [sflag:s26], $0x4000  }
0x108: {  	[sflag:s26] =	ssyncset.done $0x0  }
0x109: {  	[sflag:s26] =	ssyncadd.s32 $0xFFFFC000  }
0x10a: {  	[spmem:s3] =	stream.indirect.scatter.add.f32 [tilespmem:s16], [sflag:$0x2], $0x80, s28, s15, $0xb8;
	[tilespmem:$0x1AA80] =	vst v63  }
0x10b: {  	_ =	swait.ge [sflag:s14], $0x4000  }
0x10c: {  	[sflag:s14] =	ssyncset.done $0x0  }
0x10d: {  	[sflag:s14] =	ssyncadd.s32 $0xFFFFC000  }
0x10e: {  	[spmem:s3] =	stream.indirect.scatter.add.f32 [tilespmem:s19], [sflag:$0x2], $0x80, s29, s15, $0xb8;
	[tilespmem:$0x1AA80] =	vst v63  }
0x10f: {  	_ =	swait.ge [sflag:s14], $0x4000  }
0x110: {  	[sflag:s14] =	ssyncset.done $0x0  }
0x111: {  	[sflag:s14] =	ssyncadd.s32 $0xFFFFC000  }
0x112: {  	[spmem:s3] =	stream.indirect.scatter.add.f32 [tilespmem:s22], [sflag:$0x2], $0x80, s30, s15, $0xb8;
	[tilespmem:$0x1AA80] =	vst v63  }
0x113: {  	_ =	swait.ge [sflag:s14], $0x4000  }
0x114: {  	[sflag:s14] =	ssyncset.done $0x0  }
0x115: {  	[sflag:s14] =	ssyncadd.s32 $0xFFFFC000  }
0x116: {  	[spmem:s3] =	stream.indirect.scatter.add.f32 [tilespmem:s25], [sflag:$0x2], $0x80, s31, s15, $0xb8;
	[tilespmem:$0x1AA80] =	vst v63  }
0x117: {  	_ =	swait.ge [sflag:s14], $0x4000  }
0x118: {  	[sflag:s14] =	ssyncset.done $0x0  }
0x119: {  	[sflag:s14] =	ssyncadd.s32 $0xFFFFC000  }
0x11a: {  	[bflag:$0x0] =	sbarrier.arrive $0xFFFF  }
0x11b: {  	[tilespmem:s13], [sflag:$0x2] =	stream.linear.gather [hbm4b:s5+s4], $0x80, $0x38;
	[tilespmem:$0x1AA80] =	vst v63  }
0x11c: {  	_ =	swait.ge [sflag:s14], $0x80  }
0x11d: {  	[sflag:s14] =	ssyncset.done $0x0  }
0x11e: {  	[sflag:s14] =	ssyncadd.s32 $0xFFFFFF80  }
0x11f: {  	[tilespmem:s16], [sflag:$0x1] =	stream.indirect.gather [spmem:s3], $0x80, s13, s15, $0xb8;
	[tilespmem:$0x1AA80] =	vst v63  }
0x120: {  	_ =	swait.ge [sflag:s26], $0x4000  }
0x121: {  	[sflag:s26] =	ssyncset.done $0x0  }
0x122: {  	s2 =	rddreg [dreg:$0x5];
	[sflag:s26] =	ssyncadd.s32 $0xFFFFC000  }
0x123: {  	[hbm4b:s2+s4] =	stream.linear.scatter [tilespmem:s16], [sflag:$0x2], $0x4000, $0x38;
	[tilespmem:$0x1AA80] =	vst v63  }
0x124: {  	_ =	swait.ge [sflag:s14], $0x4000  }
0x125: {  	[sflag:s14] =	ssyncset.done $0x0  }
0x126: {  	[sflag:s14] =	ssyncadd.s32 $0xFFFFC000  }
0x127: {  	[tilespmem:s13], [sflag:$0x2] =	stream.linear.gather [hbm4b:s6+s4], $0x80, $0x38;
	[tilespmem:$0x1AA80] =	vst v63  }
0x128: {  	_ =	swait.ge [sflag:s14], $0x80  }
0x129: {  	[sflag:s14] =	ssyncset.done $0x0  }
0x12a: {  	[sflag:s14] =	ssyncadd.s32 $0xFFFFFF80  }
0x12b: {  	[tilespmem:s16], [sflag:$0x1] =	stream.indirect.gather [spmem:s3], $0x80, s13, s15, $0xb8;
	[tilespmem:$0x1AA80] =	vst v63  }
0x12c: {  	_ =	swait.ge [sflag:s26], $0x4000  }
0x12d: {  	[sflag:s26] =	ssyncset.done $0x0  }
0x12e: {  	s9 =	rddreg [dreg:$0x6];
	[sflag:s26] =	ssyncadd.s32 $0xFFFFC000  }
0x12f: {  	[hbm4b:s9+s4] =	stream.linear.scatter [tilespmem:s16], [sflag:$0x2], $0x4000, $0x38;
	[tilespmem:$0x1AA80] =	vst v63  }
0x130: {  	_ =	swait.ge [sflag:s14], $0x4000  }
0x131: {  	[sflag:s14] =	ssyncset.done $0x0  }
0x132: {  	[sflag:s14] =	ssyncadd.s32 $0xFFFFC000  }
0x133: {  	[tilespmem:s13], [sflag:$0x2] =	stream.linear.gather [hbm4b:s7+s4], $0x80, $0x38;
	[tilespmem:$0x1AA80] =	vst v63  }
0x134: {  	_ =	swait.ge [sflag:s14], $0x80  }
0x135: {  	[sflag:s14] =	ssyncset.done $0x0  }
0x136: {  	[sflag:s14] =	ssyncadd.s32 $0xFFFFFF80  }
0x137: {  	[tilespmem:s16], [sflag:$0x1] =	stream.indirect.gather [spmem:s3], $0x80, s13, s15, $0xb8;
	[tilespmem:$0x1AA80] =	vst v63  }
0x138: {  	s0 =	sadd.s32 $0x1, s0;
	_ =	swait.ge [sflag:s26], $0x4000  }
0x139: {  	p0 =	sne.s32 s0, s11;
	[sflag:s26] =	ssyncset.done $0x0  }
.Ltmp2:
0x13a: {  	s10 =	rddreg [dreg:$0x7];
	[sflag:s26] =	ssyncadd.s32 $0xFFFFC000;
	(pc) =	sbr.rel @p0 .LBB2_1-.Ltmp2, $4  }
0x13b: {  	[hbm4b:s10+s4] =	stream.linear.scatter [tilespmem:s16], [sflag:$0x2], $0x4000, $0x38;
	[tilespmem:$0x1AA80] =	vst v63  }
0x13c: {  	_ =	swait.ge [sflag:s14], $0x4000  }
0x13d: {  	[sflag:s14] =	ssyncset.done $0x0  }
0x13e: {  	[sflag:s14] =	ssyncadd.s32 $0xFFFFC000  }
0x13f: {  	_ =	sfence.sel $0x180000  }
0x140: {  	[bflag:$0x0] =	sbarrier.arrive $0xFFFF  }
0x141: {  	_ =	strace $0x90000047  }
0x142: {  	s0 =	stileid.u32;
	[bflag:$0x2] =	sbarrier.arrive $0xFFFF  }
0x143: {  	p0 =	sne.s32 s0, $0x0;
	s0 =	rddreg [dreg:$0x3]  }
0x144: {  	s0 =	sadd.s32 @!p0 $0x100000, s0  }
0x145: {  	[sflag:s0] =	ssyncadd.tile.s32 @!p0 $0x1;
	_ =	shalt  }
.Lfunc_end2:
_tile_overlayer_lowered:
.L_overlay_start_2:
0x146: {  	(tag) =	ssettag $0x2  }
0x147: {  	s0 =	rddreg [dreg:$0x0];
	s2 =	stileid.u32  }
0x148: {  	s1 =	rddreg [dreg:$0x1];
	p0 =	sne.s32 s2, $0x0  }
0x149: {  	s3 =	rddreg [dreg:$0x2];
	[bflag:$0x3] =	sbarrier.arrive $0xFFFF;
	s2 =	simm.s32 @!p0 $0x1C02  }
0x14a: {  	[timem:s3], [sflag:s2] =	dma.local @!p0 [hbm:s0], s1  }
0x14b: {  	s0 =	simm.s32 @!p0 $0x2  }
0x14c: {  	_ =	swait.ge @!p0 [sflag:s0], s1  }
0x14d: {  	s1 =	ssub.s32 @!p0 $0x0, s1;
	[sflag:s0] =	ssyncset.done @!p0 $0x0  }
0x14e: {  	[sflag:s0] =	ssyncadd.s32 @!p0 s1  }
0x14f: {  	[bflag:$0x3] =	sbarrier.arrive $0xFFFF  }
0x150: {  	_ =	shalt  }

// kernel: kernel.9.cloned.1.call-start
scs
__scs_entry_jumppad:
0x0: {  	(pc) =	sbr.rel $0x88, $3  }
0x1: {  	(tag) =	ssettag $0x0;
	lr =	simm.s32 $0x1  }
0x2: {  	[smem:$0x3F9A] =	sst lr;
	_ =	strace $0xD0000000  }
0x3: {  	_ = 	snop  }
0x4: {  	_ = 	snop  }
0x5: {  	_ = 	snop  }
0x6: {  	_ = 	snop  }
0x7: {  	_ = 	snop  }
__scs_overlays_trampoline_lowered:
0x8: {  	[smem:$0x3FA9] =	sst s0  }
0x9: {  	[smem:$0x3FAA] =	sst s1  }
0xa: {  	[smem:$0x3FAB] =	sst s2  }
0xb: {  	[smem:$0x3FAC] =	sst s3  }
0xc: {  	[smem:$0x3FAD] =	sst s4  }
0xd: {  	[smem:$0x3FAE] =	sst s5  }
0xe: {  	[smem:$0x3FAF] =	sst s6  }
0xf: {  	[smem:$0x3FB0] =	sst s7  }
0x10: {  	[smem:$0x3FB1] =	sst s8  }
0x11: {  	[smem:$0x3FB2] =	sst s9;
	s0 =	simm.s32 @!p0 $0x0  }
0x12: {  	s1 =	sld [smem:$0x3F98];
	s0 =	simm.s32 @p0 $0x1  }
0x13: {  	[smem:$0x3FB3] =	sst s0;
	s0 =	simm.s32 @!p1 $0x0  }
0x14: {  	s2 =	sld [smem:$0x3F97];
	s0 =	simm.s32 @p1 $0x1  }
0x15: {  	[smem:$0x3FB4] =	sst s0;
	s0 =	simm.s32 @!p2 $0x0  }
0x16: {  	s3 =	sld [smem:$0x3FDB];
	s0 =	simm.s32 @p2 $0x1  }
0x17: {  	s4 =	simm.s32 $0x1BF5;
	[smem:$0x3FB6] =	sst s0  }
0x18: {  	s0 =	sld [smem:$0x3F99];
	_ =	swait.ge [sflag:s4], $0x0  }
0x19: {  	s7 =	sld [smem:$0x3F9A]  }
0x1a: {  	s8 =	sadd.s32 $0xFFFFE003, lr  }
0x1b: {  	s9 =	sadd.s32 $0xFFFFFEF7, lr;
	s5 =	simm.s32 $0xFFFFFFFF;
	p2 =	slt.u32 s8, $0xFFFFF086  }
0x1c: {  	p1 =	slt.u32 s9, $0xF7A;
	s5 =	simm.s32 @!p2 $0x0  }
0x1d: {  	s5 =	simm.s32 @p1 $0x1;
	p0 =	seq.s32 s7, s2  }
0x1e: {  	s7 =	smul.u32 @!p0 $0xF7A, s2;
	p2 =	seq.s32 @!p0 s5, $0x0  }
0x1f: {  	s9 =	smul.u32 $0xF7A, s1;
	s8 =	simm.s32 @!p0 $0x1BF5;
	p2 =	por !p2, p0  }
0x20: {  	[sflag:s8] =	ssyncset.s32 @!p0 $0xFFFFF086;
	s6 =	sadd.s32 @!p0 s3, s7;
	s7 =	simm.s32 @!p0 $0x108  }
0x21: {  	s3 =	sadd.s32 s3, s9;
	s6 =	sadd.s32 @!p0 $0x88, s6;
	s7 =	simm.s32 @p2 $0x1082  }
0x22: {  	[simem:s7], [sflag:s8] =	dma.local @!p0 [hbm:s6], $0xF7A  }
0x23: {  	s9 =	sor.u32 $0xD0000000, s2;
	s6 =	simm.s32 $0x108;
	_ =	swait.ge @!p0 [sflag:s8], $0x0  }
0x24: {  	s3 =	sadd.s32 $0x88, s3;
	s6 =	simm.s32 @!p1 $0x1082;
	[sflag:s4] =	ssyncset.s32 $0xFFFFF086  }
0x25: {  	[simem:s6], [sflag:s4] =	dma.local [hbm:s3], $0xF7A  }
0x26: {  	[smem:$0x3F9A] =	sst s1;
	(tag) =	ssettag s2;
	_ =	strace s9  }
0x27: {  	s1 =	sld [smem:$0x3FAA]  }
0x28: {  	s2 =	sld [smem:$0x3FAB]  }
0x29: {  	s4 =	sld [smem:$0x3FAD]  }
0x2a: {  	p0 =	seq.s32 s5, $0x0;
	s5 =	sld [smem:$0x3FAE]  }
0x2b: {  	s6 =	sld [smem:$0x3FAF]  }
0x2c: {  	s7 =	sld [smem:$0x3FB0]  }
0x2d: {  	s3 =	simm.s32 $0x108;
	s8 =	sld [smem:$0x3FB1]  }
0x2e: {  	s3 =	simm.s32 @!p0 $0x1082;
	s9 =	sld [smem:$0x3FB2]  }
0x2f: {  	lr =	sadd.s32 s0, s3;
	s0 =	sld [smem:$0x3FA9]  }
0x30: {  	s3 =	sld [smem:$0x3FAC]  }
0x31: {  	[smem:$0x3FB5] =	sst s10  }
0x32: {  	s10 =	sld [smem:$0x3FB3];
	_ =	sdelay $0x3  }
0x33: {  	p0 =	seq.s32 s10, $0x1;
	s10 =	sld [smem:$0x3FB5];
	_ =	sdelay $0x3  }
0x34: {  	[smem:$0x3FB5] =	sst s10  }
0x35: {  	s10 =	sld [smem:$0x3FB4];
	_ =	sdelay $0x3  }
0x36: {  	p1 =	seq.s32 s10, $0x1;
	s10 =	sld [smem:$0x3FB5];
	_ =	sdelay $0x3  }
0x37: {  	[smem:$0x3FB5] =	sst s10  }
0x38: {  	s10 =	sld [smem:$0x3FB6]  }
0x39: {  	_ = 	snop;
	(pc) =	sbr.ind lr, $3  }
0x3a: {  	_ = 	snop  }
0x3b: {  	_ = 	snop  }
0x3c: {  	p2 =	seq.s32 s10, $0x1;
	s10 =	sld [smem:$0x3FB5]  }
0x3d: {  	_ =	shalt  }
0x3e: {  	_ =	shalt  }
0x3f: {  	_ =	shalt  }
0x40: {  	_ =	shalt  }
0x41: {  	_ =	shalt  }
0x42: {  	_ =	shalt  }
0x43: {  	_ =	shalt  }
0x44: {  	_ =	shalt  }
0x45: {  	_ =	shalt  }
0x46: {  	_ =	shalt  }
0x47: {  	_ =	shalt  }
0x48: {  	_ =	shalt  }
0x49: {  	_ =	shalt  }
0x4a: {  	_ =	shalt  }
0x4b: {  	_ =	shalt  }
0x4c: {  	_ =	shalt  }
0x4d: {  	_ =	shalt  }
0x4e: {  	_ =	shalt  }
0x4f: {  	_ =	shalt  }
0x50: {  	_ =	shalt  }
0x51: {  	_ =	shalt  }
0x52: {  	_ =	shalt  }
0x53: {  	_ =	shalt  }
0x54: {  	_ =	shalt  }
0x55: {  	_ =	shalt  }
0x56: {  	_ =	shalt  }
0x57: {  	_ =	shalt  }
0x58: {  	_ =	shalt  }
0x59: {  	_ =	shalt  }
0x5a: {  	_ =	shalt  }
0x5b: {  	_ =	shalt  }
0x5c: {  	_ =	shalt  }
0x5d: {  	_ =	shalt  }
0x5e: {  	_ =	shalt  }
0x5f: {  	_ =	shalt  }
0x60: {  	_ =	shalt  }
0x61: {  	_ =	shalt  }
0x62: {  	_ =	shalt  }
0x63: {  	_ =	shalt  }
0x64: {  	_ =	shalt  }
0x65: {  	_ =	shalt  }
0x66: {  	_ =	shalt  }
0x67: {  	_ =	shalt  }
0x68: {  	_ =	shalt  }
0x69: {  	_ =	shalt  }
0x6a: {  	_ =	shalt  }
0x6b: {  	_ =	shalt  }
0x6c: {  	_ =	shalt  }
0x6d: {  	_ =	shalt  }
0x6e: {  	_ =	shalt  }
0x6f: {  	_ =	shalt  }
0x70: {  	_ =	shalt  }
0x71: {  	_ =	shalt  }
0x72: {  	_ =	shalt  }
0x73: {  	_ =	shalt  }
0x74: {  	_ =	shalt  }
0x75: {  	_ =	shalt  }
0x76: {  	_ =	shalt  }
0x77: {  	_ =	shalt  }
0x78: {  	_ =	shalt  }
0x79: {  	_ =	shalt  }
0x7a: {  	_ =	shalt  }
0x7b: {  	_ =	shalt  }
0x7c: {  	_ =	shalt  }
0x7d: {  	_ =	shalt  }
0x7e: {  	_ =	shalt  }
0x7f: {  	_ =	shalt  }
0x80: {  	_ =	shalt  }
0x81: {  	_ =	shalt  }
0x82: {  	_ =	shalt  }
0x83: {  	_ =	shalt  }
0x84: {  	_ =	shalt  }
0x85: {  	_ =	shalt  }
0x86: {  	_ =	shalt  }
0x87: {  	_ =	shalt  }
.Lfunc_end0:
.L_simem_size_0:
called_computation.1_lowered:
.L_overlay_start_0:
0x88: {  	s2 =	sld [smem:$0x3FD9]  }
0x89: {  	s3 =	sld [smem:$0x3FFE];
	_ =	sdelay $0x1  }
0x8a: {  	s1 =	srdreg.scid  }
0x8b: {  	s0 =	sand.u32 $0x1, s1  }
0x8c: {  	s17 =	sshll.u32 s0, $0xA;
	s2 =	sadd.s32 s3, s2  }
0x8d: {  	s2 =	sadd.s32 s2, s17  }
0x8e: {  	[smem:$0x3FC1] =	sst s2  }
0x8f: {  	_ = 	snop  }
0x90: {  	(tm) =	ssettm $0x1  }
0x91: {  	s18 =	sld [smem:$0x3FFB];
	_ =	sdelay $0x3  }
0x92: {  	_ =	strace s18  }
0x93: {  	s2 =	sld [smem:$0x3FFC];
	_ =	sdelay $0x3  }
0x94: {  	_ =	strace s2  }
0x95: {  	s2 =	sld [smem:$0x3FFD];
	_ =	sdelay $0x3  }
0x96: {  	_ =	strace s2  }
0x97: {  	_ =	strace $0x8FFFFFFF  }
0x98: {  	s19 =	sld [smem:$0x3FDB];
	_ =	sdelay $0x1  }
0x99: {  	s20 =	simm.s32 $_scs_section_size  }
0x9a: {  	s4 =	simm.s32 $_size__tile_overlayer_lowered;
	s5 =	simm.s32 $_tile_overlayer_lowered  }
0x9b: {  	s6 =	simm.s32 $0x1BFF;
	s21 =	sshll.u32 s5, $0x1;
	s3 =	sadd.s32 s20, s19  }
0x9c: {  	s22 =	simm.s32 $0x0;
	s4 =	sshll.u32 s4, $0x1;
	s5 =	sadd.s32 s21, s3  }
0x9d: {  	[timem:s22], [sflag:s6] =	dma.local [hbm:s5], s4  }
0x9e: {  	_ =	swait.ge [sflag:s6], s4  }
0x9f: {  	s4 =	ssub.s32 $0x0, s4;
	[sflag:s6] =	ssyncset.done $0x0  }
0xa0: {  	[sflag:s6] =	ssyncadd.s32 s4;
	_ =	sdelay $0x1  }
0xa1: {  	s23 =	simm.s32 $0x1B8B  }
0xa2: {  	_ =	swait.ge [sflag:s23], $0x1  }
0xa3: {  	[sflag:s23] =	ssyncset.done $0x0  }
0xa4: {  	[sflag:s23] =	ssyncadd.s32 $0xFFFFFFFF  }
0xa5: {  	s4 =	sld [smem:$0x0]  }
0xa6: {  	s5 =	sand.u32 $0xFFFFFFFE, s1  }
0xa7: {  	p0 =	sne.s32 s1, s5  }
0xa8: {  	s5 =	sshll.u32 @p0 s5, $0xE  }
0xa9: {  	s5 =	sadd.s32 @p0 $0x11B8D, s5;
	s6 =	sshll.u32 @p0 s4, $0x11  }
0xaa: {  	s5 =	sor.u32 @p0 s6, s5  }
0xab: {  	[sflag:s5] =	ssyncadd.remote.s32 @p0 $0x1;
	_ =	sdelay $0x1  }
0xac: {  	s5 =	simm.s32 @p0 $0x1B8D  }
0xad: {  	_ =	swait.eq @p0 [sflag:s5], $0x1  }
0xae: {  	[sflag:s5] =	ssyncadd.s32 @p0 $0xFFFFFFFF  }
0xaf: {  	s6 =	sshll.u32 @!p0 s1, $0xE  }
0xb0: {  	s6 =	sor.u32 @!p0 $0x4000, s6;
	s5 =	simm.s32 @!p0 $0x1B8D  }
0xb1: {  	s4 =	sshll.u32 @!p0 s4, $0x11;
	s6 =	sadd.s32 @!p0 $0x11B8D, s6;
	_ =	swait.eq @!p0 [sflag:s5], $0x1  }
0xb2: {  	s4 =	sor.u32 @!p0 s4, s6;
	[sflag:s5] =	ssyncadd.s32 @!p0 $0xFFFFFFFF  }
0xb3: {  	s25 =	simm.s32 $0x1B8E;
	s24 =	sld [smem:$0x3FFE];
	[sflag:s4] =	ssyncadd.remote.s32 @!p0 $0x1  }
0xb4: {  	s26 =	simm.s32 $execute0_lowered;
	[smem:$0x3FD2] =	sst s25  }
0xb5: {  	s5 =	sshll.u32 s26, $0x1;
	_ =	strace $0x80000049;
	[dreg:$0x1] =	wrdreg $0xFFFFFFFF  }
0xb6: {  	s28 =	simm.s32 $_size_execute0_lowered;
	s3 =	sadd.s32 s3, s5;
	[dreg:$0x0] =	wrdreg $0x0  }
0xb7: {  	s5 =	sshll.u32 s28, $0x1;
	[dreg:$0x2] =	wrdreg s3  }
0xb8: {  	[dreg:$0x3] =	wrdreg s5  }
0xb9: {  	[dreg:$0x4] =	wrdreg $0xC0  }
0xba: {  	_ =	task [dreg:s22], $0x5FFFF  }
0xbb: {  	[dreg:$0x1] =	wrdreg $0xFFFFFFFF  }
0xbc: {  	[dreg:$0x0] =	wrdreg $0x60  }
0xbd: {  	[dreg:$0x2] =	wrdreg s24  }
0xbe: {  	[dreg:$0x3] =	wrdreg $0x81800  }
0xbf: {  	[dreg:$0x4] =	wrdreg $0xA  }
0xc0: {  	_ =	task.clear_ibuf [dreg:s22], $0x5FFFF;
	_ =	strace $0x90000049  }
0xc1: {  	s29 =	simm.s32 $0xA;
	_ =	strace $0x8000004B  }
0xc2: {  	_ =	swait.ge [sflag:s29], $0x1  }
0xc3: {  	[sflag:s29] =	ssyncadd.s32 $0xFFFFFFFF  }
0xc4: {  	_ =	strace $0x9000004B  }
0xc5: {  	_ =	sfence  }
0xc6: {  	s30 =	sld [smem:$0x0];
	_ =	sdelay $0x2  }
0xc7: {  	s31 =	sshll.u32 s1, $0xD;
	s1 =	sshrl.u32 s1, $0x2  }
0xc8: {  	s4 =	sand.u32 $0x4000, s31;
	s1 =	sadd.s32 s1, s30  }
0xc9: {  	s0 =	sor.u32 s4, s0;
	s1 =	sshll.u32 s1, $0x11  }
0xca: {  	s0 =	sor.u32 s1, s0  }
0xcb: {  	s0 =	sadd.s32 $0x8F2B, s0  }
0xcc: {  	[sflag:s0] =	ssyncadd.remote.s32 $0x1  }
0xcd: {  	_ =	sfence.sel $0xFFFF  }
0xce: {  	[dreg:$0x0] =	wrdreg $0xFFFFFFFF;
	(pc) =	sbr.abs _section_cstart, $3  }
0xcf: {  	[dreg:$0x1] =	wrdreg $0xFFFFFFFF  }
0xd0: {  	_ =	task.clear_ibuf [dreg:s22], $0x2FFFF;
	_ =	strace $0x9FFFFFFF  }
0xd1: {  	(tm) =	ssettm $0x7FFFFFFF  }
tec
execute0_lowered:
.L_overlay_start_1:
0x0: {  	(tag) =	ssettag $0x1  }
0x1: {  	s4 =	rddreg [dreg:$0x0]  }
0x2: {  	s2 =	rddreg [dreg:$0x1]  }
0x3: {  	s0 =	rddreg [dreg:$0x2]  }
0x4: {  	s3 =	simm.s32 $0x0;
	s1 =	stileid.u32;
	s5 =	srdreg.scid  }
0x5: {  	s15 =	simm.s32 $0x180;
	s17 =	simm.s32 $0x1;
	s6 =	smul.u32 $0xA00, s1  }
0x6: {  	s18 =	simm.s32 $0x0;
	[smem:$0x7FF] =	sst s3;
	s8 =	smul.u32 $0x140, s1  }
0x7: {  	s7 =	sand.u32 $0x1, s5;
	s23 =	sadd.s32 $0x15A00, s4;
	s28 =	smul.u32 $0xA000, s1  }
0x8: {  	s10 =	sadd.s32 $0x3EE00, s4;
	_ =	strace $0x8000004A;
	s14 =	smul.u32 $0xA4000, s7  }
0x9: {  	s5 =	ssub.s32 $0x2, s7;
	s16 =	smul.u32 $0x13C0, s7;
	s11 =	sadd.s32 s6, s4  }
0xa: {  	s9 =	sshrl.u32 s5, $0x1;
	s24 =	sshrl.u32 s8, $0x3;
	s25 =	sadd.s32 $0x80, s8  }
0xb: {  	s8 =	sadd.s32 $0x100, s8;
	s12 =	ssub.s32 s5, s9;
	s4 =	sadd.s32 s23, s24  }
0xc: {  	s26 =	sshrl.u32 s25, $0x3;
	s13 =	sshrl.u32 s8, $0x3;
	s29 =	sshll.u32 s25, $0x7  }
0xd: {  	s8 =	sshll.u32 s8, $0x7;
	s30 =	sadd.s32 s28, s14;
	s11 =	sadd.s32 $0x1A00, s11  }
0xe: {  	v0 =	vmov s16;
	s16 =	simm.s32 $0x4180;
	s5 =	sadd.s32 s23, s26;
	s6 =	sadd.s32 s23, s13  }
0xf: {  	s7 =	sadd.s32 s14, s29;
	s8 =	sadd.s32 s14, s8;
	s9 =	sshrl.u32 s30, $0x3  }
0x10: {  	s13 =	simm.s32 $0x2;
	s31 =	sshrl.u32 s7, $0x3;
	s14 =	sshrl.u32 s8, $0x3  }
0x11: {  	s7 =	sadd.s32 s10, s9;
	s8 =	sadd.s32 s10, s31;
	s9 =	sadd.s32 s10, s14  }
0x12: {  	v1 =	vimm.f32 $0.0e+00;
	v2 =	vimm.f32 $1.000000000e+00;
	s10 =	smax.u32 s12, $0x1;
	s12 =	simm.s32 $0x100;
	s14 =	simm.s32 $0x80  }
.LBB2_1:
0x13: {  	s19 =	simm.s32 $0x0;
	s20 =	simm.s32 $0x200  }
.LBB2_2:
0x14: {  	p0 =	sne.s32 s20, $0xFE00;
	[tilespmem:s19+$0x41F0] =	vst v2  }
0x15: {  	[tilespmem:s19+$0x180] =	vst v1  }
0x16: {  	[tilespmem:s19+$0x4180] =	vst v2  }
0x17: {  	[tilespmem:s19+$0x190] =	vst v1  }
0x18: {  	[tilespmem:s19+$0x4190] =	vst v2  }
0x19: {  	[tilespmem:s19+$0x1A0] =	vst v1  }
0x1a: {  	[tilespmem:s19+$0x41A0] =	vst v2  }
0x1b: {  	[tilespmem:s19+$0x1B0] =	vst v1  }
0x1c: {  	[tilespmem:s19+$0x41B0] =	vst v2  }
0x1d: {  	[tilespmem:s19+$0x1C0] =	vst v1  }
0x1e: {  	[tilespmem:s19+$0x41C0] =	vst v2  }
.Ltmp0:
0x1f: {  	[tilespmem:s19+$0x1D0] =	vst v1;
	(pc) =	sbr.rel @p0 .LBB2_2-.Ltmp0, $4  }
0x20: {  	[tilespmem:s19+$0x41D0] =	vst v2  }
0x21: {  	[tilespmem:s19+$0x1E0] =	vst v1  }
0x22: {  	[tilespmem:s19+$0x41E0] =	vst v2  }
0x23: {  	[tilespmem:s19+$0x1F0] =	vst v1;
	s19 =	sshra.s32 s20, $0x2;
	s20 =	sadd.s32 $0x200, s20  }
0x24: {  	[tilespmem:s19+$0x41F0] =	vst v2  }
0x25: {  	[tilespmem:s19+$0x180] =	vst v1  }
0x26: {  	[tilespmem:s19+$0x4180] =	vst v2  }
0x27: {  	[tilespmem:s19+$0x190] =	vst v1  }
0x28: {  	[tilespmem:s19+$0x4190] =	vst v2  }
0x29: {  	[tilespmem:s19+$0x1A0] =	vst v1  }
0x2a: {  	[tilespmem:s19+$0x41A0] =	vst v2  }
0x2b: {  	[tilespmem:s19+$0x1B0] =	vst v1  }
0x2c: {  	[tilespmem:s19+$0x41B0] =	vst v2  }
0x2d: {  	[tilespmem:s19+$0x1C0] =	vst v1  }
0x2e: {  	[tilespmem:s19+$0x41C0] =	vst v2  }
0x2f: {  	[tilespmem:s19+$0x1D0] =	vst v1  }
0x30: {  	[tilespmem:s19+$0x41D0] =	vst v2  }
0x31: {  	[tilespmem:s19+$0x1E0] =	vst v1  }
0x32: {  	[tilespmem:s19+$0x41E0] =	vst v2  }
0x33: {  	[tilespmem:s19+$0x1F0] =	vst v1;
	s30 =	simm.s32 $0x0  }
0x34: {  	[tilespmem:s12], [sflag:$0x2] =	stream.linear.gather [hbm4b:s4+s30], $0x80, $0x38;
	[tilespmem:$0x12580] =	vst v63  }
0x35: {  	_ =	swait.ge [sflag:s13], $0x80  }
0x36: {  	[sflag:s13] =	ssyncset.done $0x0  }
0x37: {  	[sflag:s13] =	ssyncadd.s32 $0xFFFFFF80  }
0x38: {  	[spmem:s2] =	stream.indirect.scatter [tilespmem:s15], [sflag:$0x2], $0x80, s12, s14, $0xb8;
	[tilespmem:$0x12580] =	vst v63  }
0x39: {  	_ =	swait.ge [sflag:s13], $0x4000  }
0x3a: {  	[sflag:s13] =	ssyncset.done $0x0  }
0x3b: {  	[sflag:s13] =	ssyncadd.s32 $0xFFFFC000  }
0x3c: {  	[tilespmem:s12], [sflag:$0x2] =	stream.linear.gather [hbm4b:s5+s30], $0x80, $0x38;
	[tilespmem:$0x12580] =	vst v63  }
0x3d: {  	_ =	swait.ge [sflag:s13], $0x80  }
0x3e: {  	[sflag:s13] =	ssyncset.done $0x0  }
0x3f: {  	[sflag:s13] =	ssyncadd.s32 $0xFFFFFF80  }
0x40: {  	[spmem:s2] =	stream.indirect.scatter [tilespmem:s15], [sflag:$0x2], $0x80, s12, s14, $0xb8;
	[tilespmem:$0x12580] =	vst v63  }
0x41: {  	_ =	swait.ge [sflag:s13], $0x4000  }
0x42: {  	[sflag:s13] =	ssyncset.done $0x0  }
0x43: {  	[sflag:s13] =	ssyncadd.s32 $0xFFFFC000  }
0x44: {  	[tilespmem:s12], [sflag:$0x2] =	stream.linear.gather [hbm4b:s6+s30], $0x80, $0x38;
	[tilespmem:$0x12580] =	vst v63  }
0x45: {  	_ =	swait.ge [sflag:s13], $0x80  }
0x46: {  	[sflag:s13] =	ssyncset.done $0x0  }
0x47: {  	[sflag:s13] =	ssyncadd.s32 $0xFFFFFF80  }
0x48: {  	[spmem:s2] =	stream.indirect.scatter [tilespmem:s15], [sflag:$0x2], $0x80, s12, s14, $0xb8;
	[tilespmem:$0x12580] =	vst v63  }
0x49: {  	_ =	swait.ge [sflag:s13], $0x4000  }
0x4a: {  	[sflag:s13] =	ssyncset.done $0x0  }
0x4b: {  	[sflag:s13] =	ssyncadd.s32 $0xFFFFC000  }
0x4c: {  	s31 =	sadd.s32 $0x0, s11;
	[bflag:$0x0] =	sbarrier.arrive $0xFFFF  }
0x4d: {  	[tilespmem:s3], [sflag:$0x2] =	stream.linear.gather [hbm4b:s31+s3], $0x80, $0x38;
	[tilespmem:$0x12580] =	vst v63  }
0x4e: {  	_ =	swait.ge [sflag:s13], $0x80  }
0x4f: {  	[sflag:s13] =	ssyncset.done $0x0  }
0x50: {  	[sflag:s13] =	ssyncadd.s32 $0xFFFFFF80  }
0x51: {  	v3 =	vld [tilespmem:$0x0]  }
0x52: {  	v4 =	vld [tilespmem:$0x30]  }
0x53: {  	v5 =	vld [tilespmem:$0x70]  }
0x54: {  	v6 =	vld [tilespmem:$0x60]  }
0x55: {  	v7 =	vld [tilespmem:$0x10]  }
0x56: {  	v8 =	vld [tilespmem:$0x50];
	v3 =	vsub.s32 v3, v0  }
0x57: {  	v9 =	vld [tilespmem:$0x20];
	v4 =	vsub.s32 v4, v0;
	v3 =	vmin.u32 v3, $0x13C0  }
0x58: {  	v5 =	vsub.s32 v5, v0;
	[tilespmem:$0x80] =	vst v3;
	v3 =	vmin.u32 v4, $0x13C0;
	v4 =	vld [tilespmem:$0x40]  }
0x59: {  	v5 =	vmin.u32 v5, $0x13C0;
	[tilespmem:$0xB0] =	vst v3;
	v3 =	vsub.s32 v6, v0  }
0x5a: {  	[tilespmem:$0xF0] =	vst v5;
	v6 =	vsub.s32 v7, v0;
	v3 =	vmin.u32 v3, $0x13C0  }
0x5b: {  	v5 =	vmin.u32 v6, $0x13C0;
	v6 =	vsub.s32 v8, v0;
	[tilespmem:$0xE0] =	vst v3  }
0x5c: {  	[tilespmem:$0x90] =	vst v5;
	v3 =	vsub.s32 v9, v0;
	v5 =	vmin.u32 v6, $0x13C0  }
0x5d: {  	s20 =	simm.s32 $0x10;
	s19 =	simm.s32 $0x20;
	s21 =	simm.s32 $0x30;
	v3 =	vmin.u32 v3, $0x13C0;
	[tilespmem:$0xD0] =	vst v5;
	v4 =	vsub.s32 v4, v0  }
.LBB2_4:
0x5e: {  	p0 =	sne.s32 s21, $0x9F0;
	[tilespmem:$0xA0] =	vst v3;
	v3 =	vmin.u32 v4, $0x13C0;
	s22 =	smov.u32 s21;
	s21 =	sadd.s32 $0x10, s21  }
0x5f: {  	[tilespmem:$0xC0] =	vst v3  }
0x60: {  	[spmem:s2] =	stream.indirect.scatter.add.f32 [tilespmem:s16], [sflag:$0x2], $0x80, s14, s14, $0xb8;
	[tilespmem:$0x12580] =	vst v63  }
0x61: {  	_ =	swait.ge [sflag:s13], $0x4000  }
0x62: {  	[sflag:s13] =	ssyncset.done $0x0  }
0x63: {  	s23 =	sadd.s32 s20, s11;
	s20 =	smov.u32 s19;
	[sflag:s13] =	ssyncadd.s32 $0xFFFFC000  }
0x64: {  	[tilespmem:s3], [sflag:$0x2] =	stream.linear.gather [hbm4b:s23+s3], $0x80, $0x38;
	[tilespmem:$0x12580] =	vst v63  }
0x65: {  	s19 =	smov.u32 s22;
	_ =	swait.ge [sflag:s13], $0x80  }
0x66: {  	[sflag:s13] =	ssyncset.done $0x0  }
0x67: {  	[sflag:s13] =	ssyncadd.s32 $0xFFFFFF80  }
0x68: {  	v3 =	vld [tilespmem:$0x0]  }
0x69: {  	v4 =	vld [tilespmem:$0x30]  }
0x6a: {  	v5 =	vld [tilespmem:$0x70]  }
0x6b: {  	v6 =	vld [tilespmem:$0x60]  }
0x6c: {  	v7 =	vld [tilespmem:$0x10]  }
0x6d: {  	v3 =	vsub.s32 v3, v0;
	v8 =	vld [tilespmem:$0x50]  }
0x6e: {  	v3 =	vmin.u32 v3, $0x13C0;
	v9 =	vld [tilespmem:$0x20];
	v4 =	vsub.s32 v4, v0  }
0x6f: {  	[tilespmem:$0x80] =	vst v3;
	v3 =	vmin.u32 v4, $0x13C0;
	v4 =	vld [tilespmem:$0x40];
	v5 =	vsub.s32 v5, v0  }
.Ltmp1:
0x70: {  	[tilespmem:$0xB0] =	vst v3;
	v3 =	vsub.s32 v6, v0;
	v5 =	vmin.u32 v5, $0x13C0;
	(pc) =	sbr.rel @p0 .LBB2_4-.Ltmp1, $4  }
0x71: {  	v6 =	vsub.s32 v7, v0;
	v3 =	vmin.u32 v3, $0x13C0;
	[tilespmem:$0xF0] =	vst v5  }
0x72: {  	v5 =	vmin.u32 v6, $0x13C0;
	v6 =	vsub.s32 v8, v0;
	[tilespmem:$0xE0] =	vst v3  }
0x73: {  	[tilespmem:$0x90] =	vst v5;
	v3 =	vsub.s32 v9, v0;
	v5 =	vmin.u32 v6, $0x13C0  }
0x74: {  	v3 =	vmin.u32 v3, $0x13C0;
	v4 =	vsub.s32 v4, v0;
	[tilespmem:$0xD0] =	vst v5  }
0x75: {  	[tilespmem:$0xA0] =	vst v3;
	v3 =	vmin.u32 v4, $0x13C0  }
0x76: {  	[tilespmem:$0xC0] =	vst v3  }
0x77: {  	[spmem:s2] =	stream.indirect.scatter.add.f32 [tilespmem:s16], [sflag:$0x2], $0x80, s14, s14, $0xb8;
	[tilespmem:$0x12580] =	vst v63  }
0x78: {  	_ =	swait.ge [sflag:s13], $0x4000  }
0x79: {  	[sflag:s13] =	ssyncset.done $0x0  }
0x7a: {  	s20 =	sadd.s32 s20, s11;
	[sflag:s13] =	ssyncadd.s32 $0xFFFFC000  }
0x7b: {  	[tilespmem:s3], [sflag:$0x2] =	stream.linear.gather [hbm4b:s20+s3], $0x80, $0x38;
	[tilespmem:$0x12580] =	vst v63  }
0x7c: {  	_ =	swait.ge [sflag:s13], $0x80  }
0x7d: {  	[sflag:s13] =	ssyncset.done $0x0  }
0x7e: {  	[sflag:s13] =	ssyncadd.s32 $0xFFFFFF80  }
0x7f: {  	v3 =	vld [tilespmem:$0x0]  }
0x80: {  	v5 =	vld [tilespmem:$0x70]  }
0x81: {  	v47 =	vld [tilespmem:$0x30]  }
0x82: {  	v7 =	vld [tilespmem:$0x10]  }
0x83: {  	v6 =	vld [tilespmem:$0x60]  }
0x84: {  	v8 =	vld [tilespmem:$0x50];
	v3 =	vsub.s32 v3, v0  }
0x85: {  	v9 =	vld [tilespmem:$0x20];
	v5 =	vsub.s32 v5, v0;
	v3 =	vmin.u32 v3, $0x13C0  }
0x86: {  	v48 =	vld [tilespmem:$0x40];
	v4 =	vsub.s32 v47, v0;
	v5 =	vmin.u32 v5, $0x13C0;
	[tilespmem:$0x80] =	vst v3  }
0x87: {  	v49 =	vsub.s32 v7, v0;
	v3 =	vmin.u32 v4, $0x13C0;
	[tilespmem:$0xF0] =	vst v5  }
0x88: {  	v50 =	vmin.u32 v49, $0x13C0;
	[tilespmem:$0xB0] =	vst v3;
	v3 =	vsub.s32 v6, v0  }
0x89: {  	v51 =	vsub.s32 v8, v0;
	[tilespmem:$0x90] =	vst v50;
	v3 =	vmin.u32 v3, $0x13C0  }
0x8a: {  	v52 =	vmin.u32 v51, $0x13C0;
	[tilespmem:$0xE0] =	vst v3;
	v3 =	vsub.s32 v9, v0  }
0x8b: {  	v4 =	vsub.s32 v48, v0;
	[tilespmem:$0xD0] =	vst v52;
	v3 =	vmin.u32 v3, $0x13C0  }
0x8c: {  	[tilespmem:$0xA0] =	vst v3;
	v3 =	vmin.u32 v4, $0x13C0  }
0x8d: {  	[tilespmem:$0xC0] =	vst v3  }
0x8e: {  	[spmem:s2] =	stream.indirect.scatter.add.f32 [tilespmem:s16], [sflag:$0x2], $0x80, s14, s14, $0xb8;
	[tilespmem:$0x12580] =	vst v63  }
0x8f: {  	_ =	swait.ge [sflag:s13], $0x4000  }
0x90: {  	[sflag:s13] =	ssyncset.done $0x0  }
0x91: {  	s19 =	sadd.s32 s19, s11;
	[sflag:s13] =	ssyncadd.s32 $0xFFFFC000  }
0x92: {  	[tilespmem:s3], [sflag:$0x2] =	stream.linear.gather [hbm4b:s19+s3], $0x80, $0x38;
	[tilespmem:$0x12580] =	vst v63  }
0x93: {  	_ =	swait.ge [sflag:s13], $0x80  }
0x94: {  	[sflag:s13] =	ssyncset.done $0x0  }
0x95: {  	[sflag:s13] =	ssyncadd.s32 $0xFFFFFF80  }
0x96: {  	v3 =	vld [tilespmem:$0x0]  }
0x97: {  	v54 =	vld [tilespmem:$0x70]  }
0x98: {  	v53 =	vld [tilespmem:$0x30]  }
0x99: {  	v56 =	vld [tilespmem:$0x10]  }
0x9a: {  	v55 =	vld [tilespmem:$0x60]  }
0x9b: {  	v57 =	vld [tilespmem:$0x50];
	v3 =	vsub.s32 v3, v0  }
0x9c: {  	v58 =	vld [tilespmem:$0x20];
	v5 =	vsub.s32 v54, v0;
	v3 =	vmin.u32 v3, $0x13C0  }
0x9d: {  	v59 =	vld [tilespmem:$0x40];
	v4 =	vsub.s32 v53, v0;
	v5 =	vmin.u32 v5, $0x13C0;
	[tilespmem:$0x80] =	vst v3  }
0x9e: {  	v60 =	vsub.s32 v56, v0;
	v3 =	vmin.u32 v4, $0x13C0;
	[tilespmem:$0xF0] =	vst v5  }
0x9f: {  	v61 =	vmin.u32 v60, $0x13C0;
	[tilespmem:$0xB0] =	vst v3;
	v3 =	vsub.s32 v55, v0  }
0xa0: {  	v62 =	vsub.s32 v57, v0;
	[tilespmem:$0x90] =	vst v61;
	v3 =	vmin.u32 v3, $0x13C0  }
0xa1: {  	v63 =	vmin.u32 v62, $0x13C0;
	[tilespmem:$0xE0] =	vst v3;
	v3 =	vsub.s32 v58, v0  }
0xa2: {  	v4 =	vsub.s32 v59, v0;
	[tilespmem:$0xD0] =	vst v63;
	v3 =	vmin.u32 v3, $0x13C0  }
0xa3: {  	[tilespmem:$0xA0] =	vst v3;
	v3 =	vmin.u32 v4, $0x13C0  }
0xa4: {  	[tilespmem:$0xC0] =	vst v3  }
0xa5: {  	[spmem:s2] =	stream.indirect.scatter.add.f32 [tilespmem:s16], [sflag:$0x2], $0x80, s14, s14, $0xb8;
	[tilespmem:$0x12580] =	vst v63  }
0xa6: {  	_ =	swait.ge [sflag:s13], $0x4000  }
0xa7: {  	[sflag:s13] =	ssyncset.done $0x0  }
0xa8: {  	[sflag:s13] =	ssyncadd.s32 $0xFFFFC000  }
0xa9: {  	[bflag:$0x0] =	sbarrier.arrive $0xFFFF  }
0xaa: {  	[tilespmem:s12], [sflag:$0x2] =	stream.linear.gather [hbm4b:s4+s3], $0x80, $0x38;
	[tilespmem:$0x12580] =	vst v63  }
0xab: {  	_ =	swait.ge [sflag:s13], $0x80  }
0xac: {  	[sflag:s13] =	ssyncset.done $0x0  }
0xad: {  	[sflag:s13] =	ssyncadd.s32 $0xFFFFFF80  }
0xae: {  	[tilespmem:s15], [sflag:$0x1] =	stream.indirect.gather [spmem:s2], $0x80, s12, s14, $0xb8;
	[tilespmem:$0x12580] =	vst v63  }
0xaf: {  	_ =	swait.ge [sflag:s17], $0x4000  }
0xb0: {  	[sflag:s17] =	ssyncset.done $0x0  }
0xb1: {  	[sflag:s17] =	ssyncadd.s32 $0xFFFFC000  }
0xb2: {  	[hbm4b:s7+s3] =	stream.linear.scatter [tilespmem:s15], [sflag:$0x2], $0x4000, $0x38;
	[tilespmem:$0x12580] =	vst v63  }
0xb3: {  	_ =	swait.ge [sflag:s13], $0x4000  }
0xb4: {  	[sflag:s13] =	ssyncset.done $0x0  }
0xb5: {  	[sflag:s13] =	ssyncadd.s32 $0xFFFFC000  }
0xb6: {  	[tilespmem:s12], [sflag:$0x2] =	stream.linear.gather [hbm4b:s5+s3], $0x80, $0x38;
	[tilespmem:$0x12580] =	vst v63  }
0xb7: {  	_ =	swait.ge [sflag:s13], $0x80  }
0xb8: {  	[sflag:s13] =	ssyncset.done $0x0  }
0xb9: {  	[sflag:s13] =	ssyncadd.s32 $0xFFFFFF80  }
0xba: {  	[tilespmem:s15], [sflag:$0x1] =	stream.indirect.gather [spmem:s2], $0x80, s12, s14, $0xb8;
	[tilespmem:$0x12580] =	vst v63  }
0xbb: {  	_ =	swait.ge [sflag:s17], $0x4000  }
0xbc: {  	[sflag:s17] =	ssyncset.done $0x0  }
0xbd: {  	[sflag:s17] =	ssyncadd.s32 $0xFFFFC000  }
0xbe: {  	[hbm4b:s8+s3] =	stream.linear.scatter [tilespmem:s15], [sflag:$0x2], $0x4000, $0x38;
	[tilespmem:$0x12580] =	vst v63  }
0xbf: {  	_ =	swait.ge [sflag:s13], $0x4000  }
0xc0: {  	[sflag:s13] =	ssyncset.done $0x0  }
0xc1: {  	[sflag:s13] =	ssyncadd.s32 $0xFFFFC000  }
0xc2: {  	[tilespmem:s12], [sflag:$0x2] =	stream.linear.gather [hbm4b:s6+s3], $0x80, $0x38;
	[tilespmem:$0x12580] =	vst v63  }
0xc3: {  	_ =	swait.ge [sflag:s13], $0x80  }
0xc4: {  	[sflag:s13] =	ssyncset.done $0x0  }
0xc5: {  	[sflag:s13] =	ssyncadd.s32 $0xFFFFFF80  }
0xc6: {  	[tilespmem:s15], [sflag:$0x1] =	stream.indirect.gather [spmem:s2], $0x80, s12, s14, $0xb8;
	[tilespmem:$0x12580] =	vst v63  }
0xc7: {  	s18 =	sadd.s32 $0x1, s18;
	_ =	swait.ge [sflag:s17], $0x4000  }
0xc8: {  	p0 =	sne.s32 s18, s10;
	[sflag:s17] =	ssyncset.done $0x0  }
.Ltmp2:
0xc9: {  	[sflag:s17] =	ssyncadd.s32 $0xFFFFC000;
	(pc) =	sbr.rel @p0 .LBB2_1-.Ltmp2, $4  }
0xca: {  	[hbm4b:s9+s3] =	stream.linear.scatter [tilespmem:s15], [sflag:$0x2], $0x4000, $0x38;
	[tilespmem:$0x12580] =	vst v63  }
0xcb: {  	_ =	swait.ge [sflag:s13], $0x4000  }
0xcc: {  	[sflag:s13] =	ssyncset.done $0x0  }
0xcd: {  	[sflag:s13] =	ssyncadd.s32 $0xFFFFC000  }
0xce: {  	_ =	sfence.sel $0x180000  }
0xcf: {  	[bflag:$0x0] =	sbarrier.arrive $0xFFFF  }
0xd0: {  	p0 =	sne.s32 s1, $0x0;
	_ =	strace $0x9000004A  }
0xd1: {  	s0 =	sadd.s32 @!p0 $0x100000, s0;
	[bflag:$0x2] =	sbarrier.arrive $0xFFFF  }
0xd2: {  	[sflag:s0] =	ssyncadd.tile.s32 @!p0 $0x1;
	_ =	shalt  }
.Lfunc_end2:
_tile_overlayer_lowered:
.L_overlay_start_2:
0xd3: {  	(tag) =	ssettag $0x2  }
0xd4: {  	s0 =	rddreg [dreg:$0x0];
	s2 =	stileid.u32  }
0xd5: {  	s1 =	rddreg [dreg:$0x1];
	p0 =	sne.s32 s2, $0x0  }
0xd6: {  	s3 =	rddreg [dreg:$0x2];
	[bflag:$0x3] =	sbarrier.arrive $0xFFFF;
	s2 =	simm.s32 @!p0 $0x1C02  }
0xd7: {  	[timem:s3], [sflag:s2] =	dma.local @!p0 [hbm:s0], s1  }
0xd8: {  	s0 =	simm.s32 @!p0 $0x2  }
0xd9: {  	_ =	swait.ge @!p0 [sflag:s0], s1  }
0xda: {  	s1 =	ssub.s32 @!p0 $0x0, s1;
	[sflag:s0] =	ssyncset.done @!p0 $0x0  }
0xdb: {  	[sflag:s0] =	ssyncadd.s32 @!p0 s1  }
0xdc: {  	[bflag:$0x3] =	sbarrier.arrive $0xFFFF  }
0xdd: {  	_ =	shalt  }

</sc_bundles>
